<compile_context>
chip_gen: v7x
topology: tpu7x:2x2x1
jax: 0.10.2.dev20260603
libtpu: 0.0.44.dev20260713+nightly
codegen_flags: <defaults>
</compile_context>

<pallas_src>
import functools

import jax
import jax.numpy as jnp
from jax import lax
from jax.experimental import pallas as pl
from jax.experimental.pallas import tpu as pltpu
from jax.experimental.pallas import tpu_sc as plsc

_LANES = 16


def _make_reduce_body(sb_per_blk, sub_batch, L, C):
    def body(x_ref, o_ref):
        xb = x_ref[...].reshape(sb_per_blk, sub_batch * L, C)
        o_ref[...] = jnp.sum(xb, axis=1)
    return body


def _make_sub_body(sb_per_blk, sub_batch, L, C):
    def body(x_ref, m_ref, o_ref):
        xb = x_ref[...].reshape(sb_per_blk, sub_batch * L, C)
        pid = pl.program_id(0)
        off = pl.multiple_of((pid // 2) * 8, 8)
        m8 = m_ref[pl.ds(off, 8), :]
        m = jnp.where(pid % 2 == 0, m8[:sb_per_blk], m8[sb_per_blk:])
        o_ref[...] = (xb - m[:, None, :]).reshape(sb_per_blk * sub_batch, L, C)
    return body


def _make_sc_mean(n_sub, groups, per_group, C, out_ch, sub_batch, L):
    ocg = out_ch // groups
    NC, NS = 2, 16
    NW = NC * NS
    rows_per_w = n_sub // NW
    pg_vecs = per_group // _LANES
    wpg = NS // groups
    rows_per_sc_w = n_sub // wpg
    B = out_ch // NS
    mesh = plsc.VectorSubcoreMesh(core_axis_name="c", subcore_axis_name="s")

    @functools.partial(
        pl.kernel,
        mesh=mesh,
        compiler_params=pltpu.CompilerParams(needs_layout_passes=False),
        out_type=jax.ShapeDtypeStruct((n_sub, C), jnp.float32),
        scratch_types=[
            pltpu.VMEM((rows_per_sc_w, groups, per_group), jnp.int32),
            pltpu.VMEM((rows_per_sc_w, C), jnp.float32),
            pltpu.VMEM((rows_per_w, groups, per_group), jnp.int32),
            pltpu.VMEM((ocg,), jnp.float32),
            pltpu.VMEM((ocg,), jnp.float32),
            pltpu.VMEM((NS, 2, ocg), jnp.float32),
            pltpu.VMEM((out_ch,), jnp.float32),
            pltpu.VMEM((out_ch,), jnp.float32),
            pltpu.VMEM((rows_per_w, C), jnp.float32),
            pltpu.VMEM_SHARED((NS, 2, ocg), jnp.float32),
            pltpu.SemaphoreType.DMA,
        ],
    )
    def sc_mean(idx_hbm, val_hbm, bias_hbm, out_hbm,
                idx_sc, val_sc, idx_g, sum_loc, cnt_loc, comb, bias_v,
                mean_v, out_v, sh, sem):
        core = lax.axis_index("c")
        sid = lax.axis_index("s")
        wid = sid * NC + core

        g = sid // wpg
        goff = g * per_group
        r0 = (sid % wpg) * rows_per_sc_w
        c1 = pltpu.async_copy(idx_hbm.at[pl.ds(r0, rows_per_sc_w)], idx_sc, sem)
        c2 = pltpu.async_copy(val_hbm.at[pl.ds(r0, rows_per_sc_w)], val_sc, sem)
        c3 = pltpu.async_copy(
            idx_hbm.at[pl.ds(wid * rows_per_w, rows_per_w)], idx_g, sem)
        c4 = pltpu.async_copy(bias_hbm, bias_v, sem)
        c1.wait()
        c2.wait()
        c3.wait()
        c4.wait()

        zeros = jnp.zeros((_LANES,), jnp.float32)
        ones = jnp.full((_LANES,), 1.0, jnp.float32)
        for i in range(ocg // _LANES):
            sl = pl.ds(i * _LANES, _LANES)
            sum_loc[sl] = zeros
            cnt_loc[sl] = zeros

        def scatter_row(r, carry):
            for cv in range(pg_vecs):
                bins = idx_sc[r, g, pl.ds(cv * _LANES, _LANES)]
                v16 = val_sc[r, pl.ds(goff + cv * _LANES, _LANES)]
                plsc.addupdate_scatter(sum_loc, [bins], v16)
                plsc.addupdate_scatter(cnt_loc, [bins], ones)
            return carry

        lax.fori_loop(0, rows_per_sc_w, scatter_row, 0)

        pltpu.sync_copy(sum_loc, sh.at[sid, 0])
        pltpu.sync_copy(cnt_loc, sh.at[sid, 1])
        plsc.subcore_barrier()

        pltpu.sync_copy(sh, comb)
        inv_l = 1.0 / float(L)
        for gg in range(groups):
            for j in range(ocg // _LANES):
                sl = pl.ds(j * _LANES, _LANES)
                osl = pl.ds(gg * ocg + j * _LANES, _LANES)
                s16 = comb[gg * wpg, 0, sl]
                c16 = comb[gg * wpg, 1, sl]
                for i in range(1, wpg):
                    s16 = s16 + comb[gg * wpg + i, 0, sl]
                    c16 = c16 + comb[gg * wpg + i, 1, sl]
                denom = 1e-10 + float(sub_batch) * c16
                mean_v[osl] = s16 / denom * inv_l - bias_v[osl]

        for r in range(rows_per_w):
            for gg in range(groups):
                for cv in range(pg_vecs):
                    bins = idx_g[r, gg, pl.ds(cv * _LANES, _LANES)] + gg * ocg
                    m16 = plsc.load_gather(mean_v, [bins])
                    out_v[r, pl.ds(gg * per_group + cv * _LANES, _LANES)] = m16
        pltpu.sync_copy(out_v, out_hbm.at[pl.ds(wid * rows_per_w, rows_per_w)])

    return sc_mean


def kernel(x, index, bias):
    N, C, L = x.shape
    n_sub, groups, per_group = index.shape
    out_ch = bias.shape[0]
    sub_batch = N // n_sub

    xt = jnp.swapaxes(x, 1, 2)

    SBB = 8
    grid = n_sub // SBB
    val2 = pl.pallas_call(
        _make_reduce_body(SBB, sub_batch, L, C),
        grid=(grid,),
        in_specs=[pl.BlockSpec((SBB * sub_batch, L, C), lambda s: (s, 0, 0))],
        out_specs=pl.BlockSpec((SBB, C), lambda s: (s, 0)),
        out_shape=jax.ShapeDtypeStruct((n_sub, C), jnp.float32),
    )(xt)

    sc_mean = _make_sc_mean(n_sub, groups, per_group, C, out_ch, sub_batch, L)
    meansub = sc_mean(index, val2, bias)

    SBB2 = 4
    out_t = pl.pallas_call(
        _make_sub_body(SBB2, sub_batch, L, C),
        grid=(n_sub // SBB2,),
        in_specs=[
            pl.BlockSpec((SBB2 * sub_batch, L, C), lambda s: (s, 0, 0)),
            pl.BlockSpec((n_sub, C), lambda s: (0, 0)),
        ],
        out_specs=pl.BlockSpec((SBB2 * sub_batch, L, C), lambda s: (s, 0, 0)),
        out_shape=jax.ShapeDtypeStruct((N, L, C), jnp.float32),
    )(xt, meansub)
    return jnp.swapaxes(out_t, 1, 2)

# --- scband reference (transcript-rebuilt; emitter-appended) ---
"""Pipeline reference for scband-mean-shift-dropout-54580444397811 (READ-ONLY COPY).

The authoritative reference and input builder live on the scoring server;
editing this copy changes nothing except your own understanding.
"""

import jax, jax.numpy as jnp
import numpy as np


def setup_inputs(seed: int = 0) -> dict:
    key = jax.random.key(seed)
    k1, k2 = jax.random.split(key)
    x = jax.random.normal(k1, (2048, 256, 64), dtype=jnp.float32)
    index = jax.random.randint(k2, (64, 4, 64), 0, 128, dtype=jnp.int32)
    bias = jnp.zeros((512,), dtype=jnp.float32)
    return {"x": x, "index": index, "bias": bias}


def reference(x, index, bias):
    # MeanShiftDropout.forward in training mode with index provided,
    # lower=None, upper=None. N divisible by SUB_BATCH so mod == 0
    # (padding branch and count correction are no-ops).
    SUB_BATCH = 32
    N, C, L = x.shape
    n_sub, groups, per_group = index.shape
    out_channels = bias.shape[0]
    ocg = out_channels // groups
    # value = cat_x.view(n_sub, 32, groups, -1, L).transpose(0,2).sum(dim=[1,-1])
    value = x.reshape(n_sub, SUB_BATCH, groups, C // groups, L)
    value = jnp.swapaxes(value, 0, 2).sum(axis=(1, -1))  # [groups, n_sub, C//groups]
    index_tmp = jnp.swapaxes(index, 0, 1).reshape(groups, -1)  # [groups, n_sub*per_group]
    rows = jnp.arange(groups)[:, None]
    sum_value = jnp.zeros((groups, ocg), dtype=x.dtype).at[rows, index_tmp].add(value.reshape(groups, -1))
    count = jnp.full((groups, n_sub, per_group), float(SUB_BATCH), dtype=x.dtype)
    sum_count = jnp.full((groups, ocg), 1e-10, dtype=x.dtype).at[rows, index_tmp].add(count.reshape(groups, -1))
    mean = (sum_value / (sum_count * L)).reshape(-1)  # [out_channels]
    # (running_mean buffer update happens under no_grad and does not affect output)
    mean = mean - bias
    batch_index = jnp.arange(N) // SUB_BATCH
    index_unfold = index[batch_index]  # [N, groups, per_group]
    mean_b = jnp.broadcast_to(mean.reshape(1, groups, ocg), (N, groups, ocg))
    mean_g = jnp.take_along_axis(mean_b, index_unfold, axis=-1).reshape(N, -1)  # [N, C]
    x_out = x - mean_g[..., None]
    return x_out

if __name__ == "__main__":
    import jax
    _d = setup_inputs()
    print(jax.jit(kernel)(*tuple(_d.values())))

</pallas_src>

<mosaic_0001>
#map = affine_map<(d0, d1) -> (0, 0, 0)>
#map1 = affine_map<(d0, d1) -> (0, 0)>
#map2 = affine_map<(d0, d1) -> (0)>
module attributes {stable_mosaic.version = 14 : i64} {
  func.func @sc_mean(%arg0: i32, %arg1: i32, %arg2: memref<64x4x64xi32, #tpu.memory_space<hbm>>, %arg3: memref<64x256xf32, #tpu.memory_space<hbm>>, %arg4: memref<512xf32, #tpu.memory_space<hbm>>, %arg5: memref<64x256xf32, #tpu.memory_space<hbm>>, %arg6: memref<16x4x64xi32, #tpu.memory_space<vmem>>, %arg7: memref<16x256xf32, #tpu.memory_space<vmem>>, %arg8: memref<2x4x64xi32, #tpu.memory_space<vmem>>, %arg9: memref<128xf32, #tpu.memory_space<vmem>>, %arg10: memref<128xf32, #tpu.memory_space<vmem>>, %arg11: memref<16x2x128xf32, #tpu.memory_space<vmem>>, %arg12: memref<512xf32, #tpu.memory_space<vmem>>, %arg13: memref<512xf32, #tpu.memory_space<vmem>>, %arg14: memref<2x256xf32, #tpu.memory_space<vmem>>, %arg15: memref<16x2x128xf32, #tpu.memory_space<vmem_shared>>, %arg16: memref<!tpu.dma_semaphore, #tpu.memory_space<semaphore_mem>>) attributes {dimension_semantics = [#tpu.dimension_semantics<core_parallel>, #tpu.dimension_semantics<subcore_parallel>], iteration_bounds = array<i64: 2, 16>, scalar_prefetch = 0 : i64, scratch_operands = 11 : i64, tpu.core_type = #tpu.core_type<sc_vector_subcore>, window_params = [{transform_indices = #map}, {transform_indices = #map1}, {transform_indices = #map2}, {transform_indices = #map1}]} {
    %mul3A = arith.constant 2 : i32
    %mul3A_0 = arith.muli %arg1, %mul3A : i32
    %add3A = arith.addi %mul3A_0, %arg0 : i32
    %jit3A = arith.constant 4 : i32
    %div3A = arith.divsi %arg1, %jit3A : i32
    %sign3A = arith.constant 0 : i32
    %sign3A_1 = arith.cmpi sgt, %arg1, %sign3A : i32
    %sign3A_2 = arith.extui %sign3A_1 : i1 to i32
    %sign3A_3 = arith.constant 0 : i32
    %sign3A_4 = arith.cmpi slt, %arg1, %sign3A_3 : i32
    %sign3A_5 = arith.extui %sign3A_4 : i1 to i32
    %sign3A_6 = arith.subi %sign3A_2, %sign3A_5 : i32
    %sign3A_7 = arith.constant 0 : i32
    %sign3A_8 = arith.cmpi sgt, %jit3A, %sign3A_7 : i32
    %sign3A_9 = arith.extui %sign3A_8 : i1 to i32
    %sign3A_10 = arith.constant 0 : i32
    %sign3A_11 = arith.cmpi slt, %jit3A, %sign3A_10 : i32
    %sign3A_12 = arith.extui %sign3A_11 : i1 to i32
    %sign3A_13 = arith.subi %sign3A_9, %sign3A_12 : i32
    %ne3A = arith.cmpi ne, %sign3A_6, %sign3A_13 : i32
    %rem3A = arith.remsi %arg1, %jit3A : i32
    %ne3A_14 = arith.constant 0 : i32
    %ne3A_15 = arith.cmpi ne, %rem3A, %ne3A_14 : i32
    %and3A = arith.andi %ne3A, %ne3A_15 : i1
    %sub3A = arith.constant 1 : i32
    %sub3A_16 = arith.subi %div3A, %sub3A : i32
    %select_n3A = arith.select %and3A, %sub3A_16, %div3A : i32
    %mul3A_17 = arith.constant 64 : i32
    %mul3A_18 = arith.muli %select_n3A, %mul3A_17 : i32
    %jit3A_19 = arith.constant 4 : i32
    %eq3A = arith.constant 0 : i32
    %eq3A_20 = arith.cmpi eq, %jit3A_19, %eq3A : i32
    %jit3A_21 = arith.constant 1 : i32
    %select_n3A_22 = arith.select %eq3A_20, %jit3A_21, %jit3A_19 : i32
    %rem3A_23 = arith.remsi %arg1, %select_n3A_22 : i32
    %ne3A_24 = arith.constant 0 : i32
    %ne3A_25 = arith.cmpi ne, %rem3A_23, %ne3A_24 : i32
    %lt3A = arith.constant 0 : i32
    %lt3A_26 = arith.cmpi slt, %rem3A_23, %lt3A : i32
    %lt3A_27 = arith.constant 0 : i32
    %lt3A_28 = arith.cmpi slt, %select_n3A_22, %lt3A_27 : i32
    %ne3A_29 = arith.xori %lt3A_26, %lt3A_28 : i1
    %and3A_30 = arith.andi %ne3A_29, %ne3A_25 : i1
    %add3A_31 = arith.addi %rem3A_23, %select_n3A_22 : i32
    %select_n3A_32 = arith.select %and3A_30, %add3A_31, %rem3A_23 : i32
    %mul3A_33 = arith.constant 16 : i32
    %mul3A_34 = arith.muli %select_n3A_32, %mul3A_33 : i32
    %dma_start3A = arith.constant 0 : i32
    %dma_start3A_35 = arith.constant 0 : i32
    %dma_start3A_36 = tpu.memref_slice %arg2[%mul3A_34, %dma_start3A, %dma_start3A_35] : memref<64x4x64xi32, #tpu.memory_space<hbm>> -> memref<16x4x64xi32, #tpu.memory_space<hbm>>
    %dma_start3A_37 = arith.constant 0 : i32
    %dma_start3A_38 = arith.constant 0 : i32
    %dma_start3A_39 = tpu.memref_slice %arg2[%mul3A_34, %dma_start3A_37, %dma_start3A_38] : memref<64x4x64xi32, #tpu.memory_space<hbm>> -> memref<16x4x64xi32, #tpu.memory_space<hbm>>
    tpu.enqueue_dma source(%dma_start3A_39 : memref<16x4x64xi32, #tpu.memory_space<hbm>>) target(%arg6 : memref<16x4x64xi32, #tpu.memory_space<vmem>>) target_semaphore(%arg16 : memref<!tpu.dma_semaphore, #tpu.memory_space<semaphore_mem>>)
    %dma_start3A_40 = arith.constant 0 : i32
    %dma_start3A_41 = tpu.memref_slice %arg3[%mul3A_34, %dma_start3A_40] : memref<64x256xf32, #tpu.memory_space<hbm>> -> memref<16x256xf32, #tpu.memory_space<hbm>>
    %dma_start3A_42 = arith.constant 0 : i32
    %dma_start3A_43 = tpu.memref_slice %arg3[%mul3A_34, %dma_start3A_42] : memref<64x256xf32, #tpu.memory_space<hbm>> -> memref<16x256xf32, #tpu.memory_space<hbm>>
    tpu.enqueue_dma source(%dma_start3A_43 : memref<16x256xf32, #tpu.memory_space<hbm>>) target(%arg7 : memref<16x256xf32, #tpu.memory_space<vmem>>) target_semaphore(%arg16 : memref<!tpu.dma_semaphore, #tpu.memory_space<semaphore_mem>>)
    %mul3A_44 = arith.constant 2 : i32
    %mul3A_45 = arith.muli %add3A, %mul3A_44 : i32
    %dma_start3A_46 = arith.constant 0 : i32
    %dma_start3A_47 = arith.constant 0 : i32
    %dma_start3A_48 = tpu.memref_slice %arg2[%mul3A_45, %dma_start3A_46, %dma_start3A_47] : memref<64x4x64xi32, #tpu.memory_space<hbm>> -> memref<2x4x64xi32, #tpu.memory_space<hbm>>
    %dma_start3A_49 = arith.constant 0 : i32
    %dma_start3A_50 = arith.constant 0 : i32
    %dma_start3A_51 = tpu.memref_slice %arg2[%mul3A_45, %dma_start3A_49, %dma_start3A_50] : memref<64x4x64xi32, #tpu.memory_space<hbm>> -> memref<2x4x64xi32, #tpu.memory_space<hbm>>
    tpu.enqueue_dma source(%dma_start3A_51 : memref<2x4x64xi32, #tpu.memory_space<hbm>>) target(%arg8 : memref<2x4x64xi32, #tpu.memory_space<vmem>>) target_semaphore(%arg16 : memref<!tpu.dma_semaphore, #tpu.memory_space<semaphore_mem>>)
    tpu.enqueue_dma source(%arg4 : memref<512xf32, #tpu.memory_space<hbm>>) target(%arg12 : memref<512xf32, #tpu.memory_space<vmem>>) target_semaphore(%arg16 : memref<!tpu.dma_semaphore, #tpu.memory_space<semaphore_mem>>)
    %dma_wait3A = arith.constant 0 : i32
    %dma_wait3A_52 = arith.constant 0 : i32
    %dma_wait3A_53 = tpu.memref_slice %arg2[%mul3A_34, %dma_wait3A, %dma_wait3A_52] : memref<64x4x64xi32, #tpu.memory_space<hbm>> -> memref<16x4x64xi32, #tpu.memory_space<hbm>>
    %dma_wait3A_54 = arith.constant 0 : i32
    %dma_wait3A_55 = arith.constant 0 : i32
    %dma_wait3A_56 = tpu.memref_slice %arg2[%mul3A_34, %dma_wait3A_54, %dma_wait3A_55] : memref<64x4x64xi32, #tpu.memory_space<hbm>> -> memref<16x4x64xi32, #tpu.memory_space<hbm>>
    tpu.wait_dma2 semaphore(%arg16 : memref<!tpu.dma_semaphore, #tpu.memory_space<semaphore_mem>>) src(%dma_wait3A_56 : memref<16x4x64xi32, #tpu.memory_space<hbm>>) dst(%arg6 : memref<16x4x64xi32, #tpu.memory_space<vmem>>)
    %dma_wait3A_57 = arith.constant 0 : i32
    %dma_wait3A_58 = tpu.memref_slice %arg3[%mul3A_34, %dma_wait3A_57] : memref<64x256xf32, #tpu.memory_space<hbm>> -> memref<16x256xf32, #tpu.memory_space<hbm>>
    %dma_wait3A_59 = arith.constant 0 : i32
    %dma_wait3A_60 = tpu.memref_slice %arg3[%mul3A_34, %dma_wait3A_59] : memref<64x256xf32, #tpu.memory_space<hbm>> -> memref<16x256xf32, #tpu.memory_space<hbm>>
    tpu.wait_dma2 semaphore(%arg16 : memref<!tpu.dma_semaphore, #tpu.memory_space<semaphore_mem>>) src(%dma_wait3A_60 : memref<16x256xf32, #tpu.memory_space<hbm>>) dst(%arg7 : memref<16x256xf32, #tpu.memory_space<vmem>>)
    %dma_wait3A_61 = arith.constant 0 : i32
    %dma_wait3A_62 = arith.constant 0 : i32
    %dma_wait3A_63 = tpu.memref_slice %arg2[%mul3A_45, %dma_wait3A_61, %dma_wait3A_62] : memref<64x4x64xi32, #tpu.memory_space<hbm>> -> memref<2x4x64xi32, #tpu.memory_space<hbm>>
    %dma_wait3A_64 = arith.constant 0 : i32
    %dma_wait3A_65 = arith.constant 0 : i32
    %dma_wait3A_66 = tpu.memref_slice %arg2[%mul3A_45, %dma_wait3A_64, %dma_wait3A_65] : memref<64x4x64xi32, #tpu.memory_space<hbm>> -> memref<2x4x64xi32, #tpu.memory_space<hbm>>
    tpu.wait_dma2 semaphore(%arg16 : memref<!tpu.dma_semaphore, #tpu.memory_space<semaphore_mem>>) src(%dma_wait3A_66 : memref<2x4x64xi32, #tpu.memory_space<hbm>>) dst(%arg8 : memref<2x4x64xi32, #tpu.memory_space<vmem>>)
    tpu.wait_dma2 semaphore(%arg16 : memref<!tpu.dma_semaphore, #tpu.memory_space<semaphore_mem>>) src(%arg4 : memref<512xf32, #tpu.memory_space<hbm>>) dst(%arg12 : memref<512xf32, #tpu.memory_space<vmem>>)
    %broadcast_in_dim3A = arith.constant 0.000000e+00 : f32
    %broadcast_in_dim3A_67 = vector.broadcast %broadcast_in_dim3A : f32 to vector<16xf32>
    %broadcast_in_dim3A_68 = arith.constant 1.000000e+00 : f32
    %broadcast_in_dim3A_69 = vector.broadcast %broadcast_in_dim3A_68 : f32 to vector<16xf32>
    %swap3A = arith.constant 0 : index
    %swap3A_70 = tpu.vector_load %arg9[%swap3A] {strides = array<i32>} : memref<128xf32, #tpu.memory_space<vmem>>, vector<16xf32>,
    tpu.vector_store %arg9[%swap3A], %broadcast_in_dim3A_67 {strides = array<i32>} : memref<128xf32, #tpu.memory_space<vmem>>, vector<16xf32>,
    %swap3A_71 = arith.constant 0 : index
    %swap3A_72 = tpu.vector_load %arg10[%swap3A_71] {strides = array<i32>} : memref<128xf32, #tpu.memory_space<vmem>>, vector<16xf32>,
    tpu.vector_store %arg10[%swap3A_71], %broadcast_in_dim3A_67 {strides = array<i32>} : memref<128xf32, #tpu.memory_space<vmem>>, vector<16xf32>,
    %swap3A_73 = arith.constant 16 : index
    %swap3A_74 = tpu.vector_load %arg9[%swap3A_73] {strides = array<i32>} : memref<128xf32, #tpu.memory_space<vmem>>, vector<16xf32>,
    tpu.vector_store %arg9[%swap3A_73], %broadcast_in_dim3A_67 {strides = array<i32>} : memref<128xf32, #tpu.memory_space<vmem>>, vector<16xf32>,
    %swap3A_75 = arith.constant 16 : index
    %swap3A_76 = tpu.vector_load %arg10[%swap3A_75] {strides = array<i32>} : memref<128xf32, #tpu.memory_space<vmem>>, vector<16xf32>,
    tpu.vector_store %arg10[%swap3A_75], %broadcast_in_dim3A_67 {strides = array<i32>} : memref<128xf32, #tpu.memory_space<vmem>>, vector<16xf32>,
    %swap3A_77 = arith.constant 32 : index
    %swap3A_78 = tpu.vector_load %arg9[%swap3A_77] {strides = array<i32>} : memref<128xf32, #tpu.memory_space<vmem>>, vector<16xf32>,
    tpu.vector_store %arg9[%swap3A_77], %broadcast_in_dim3A_67 {strides = array<i32>} : memref<128xf32, #tpu.memory_space<vmem>>, vector<16xf32>,
    %swap3A_79 = arith.constant 32 : index
    %swap3A_80 = tpu.vector_load %arg10[%swap3A_79] {strides = array<i32>} : memref<128xf32, #tpu.memory_space<vmem>>, vector<16xf32>,
    tpu.vector_store %arg10[%swap3A_79], %broadcast_in_dim3A_67 {strides = array<i32>} : memref<128xf32, #tpu.memory_space<vmem>>, vector<16xf32>,
    %swap3A_81 = arith.constant 48 : index
    %swap3A_82 = tpu.vector_load %arg9[%swap3A_81] {strides = array<i32>} : memref<128xf32, #tpu.memory_space<vmem>>, vector<16xf32>,
    tpu.vector_store %arg9[%swap3A_81], %broadcast_in_dim3A_67 {strides = array<i32>} : memref<128xf32, #tpu.memory_space<vmem>>, vector<16xf32>,
    %swap3A_83 = arith.constant 48 : index
    %swap3A_84 = tpu.vector_load %arg10[%swap3A_83] {strides = array<i32>} : memref<128xf32, #tpu.memory_space<vmem>>, vector<16xf32>,
    tpu.vector_store %arg10[%swap3A_83], %broadcast_in_dim3A_67 {strides = array<i32>} : memref<128xf32, #tpu.memory_space<vmem>>, vector<16xf32>,
    %swap3A_85 = arith.constant 64 : index
    %swap3A_86 = tpu.vector_load %arg9[%swap3A_85] {strides = array<i32>} : memref<128xf32, #tpu.memory_space<vmem>>, vector<16xf32>,
    tpu.vector_store %arg9[%swap3A_85], %broadcast_in_dim3A_67 {strides = array<i32>} : memref<128xf32, #tpu.memory_space<vmem>>, vector<16xf32>,
    %swap3A_87 = arith.constant 64 : index
    %swap3A_88 = tpu.vector_load %arg10[%swap3A_87] {strides = array<i32>} : memref<128xf32, #tpu.memory_space<vmem>>, vector<16xf32>,
    tpu.vector_store %arg10[%swap3A_87], %broadcast_in_dim3A_67 {strides = array<i32>} : memref<128xf32, #tpu.memory_space<vmem>>, vector<16xf32>,
    %swap3A_89 = arith.constant 80 : index
    %swap3A_90 = tpu.vector_load %arg9[%swap3A_89] {strides = array<i32>} : memref<128xf32, #tpu.memory_space<vmem>>, vector<16xf32>,
    tpu.vector_store %arg9[%swap3A_89], %broadcast_in_dim3A_67 {strides = array<i32>} : memref<128xf32, #tpu.memory_space<vmem>>, vector<16xf32>,
    %swap3A_91 = arith.constant 80 : index
    %swap3A_92 = tpu.vector_load %arg10[%swap3A_91] {strides = array<i32>} : memref<128xf32, #tpu.memory_space<vmem>>, vector<16xf32>,
    tpu.vector_store %arg10[%swap3A_91], %broadcast_in_dim3A_67 {strides = array<i32>} : memref<128xf32, #tpu.memory_space<vmem>>, vector<16xf32>,
    %swap3A_93 = arith.constant 96 : index
    %swap3A_94 = tpu.vector_load %arg9[%swap3A_93] {strides = array<i32>} : memref<128xf32, #tpu.memory_space<vmem>>, vector<16xf32>,
    tpu.vector_store %arg9[%swap3A_93], %broadcast_in_dim3A_67 {strides = array<i32>} : memref<128xf32, #tpu.memory_space<vmem>>, vector<16xf32>,
    %swap3A_95 = arith.constant 96 : index
    %swap3A_96 = tpu.vector_load %arg10[%swap3A_95] {strides = array<i32>} : memref<128xf32, #tpu.memory_space<vmem>>, vector<16xf32>,
    tpu.vector_store %arg10[%swap3A_95], %broadcast_in_dim3A_67 {strides = array<i32>} : memref<128xf32, #tpu.memory_space<vmem>>, vector<16xf32>,
    %swap3A_97 = arith.constant 112 : index
    %swap3A_98 = tpu.vector_load %arg9[%swap3A_97] {strides = array<i32>} : memref<128xf32, #tpu.memory_space<vmem>>, vector<16xf32>,
    tpu.vector_store %arg9[%swap3A_97], %broadcast_in_dim3A_67 {strides = array<i32>} : memref<128xf32, #tpu.memory_space<vmem>>, vector<16xf32>,
    %swap3A_99 = arith.constant 112 : index
    %swap3A_100 = tpu.vector_load %arg10[%swap3A_99] {strides = array<i32>} : memref<128xf32, #tpu.memory_space<vmem>>, vector<16xf32>,
    tpu.vector_store %arg10[%swap3A_99], %broadcast_in_dim3A_67 {strides = array<i32>} : memref<128xf32, #tpu.memory_space<vmem>>, vector<16xf32>,
    %scan3A = arith.constant 0 : i32
    %scan3A_101 = arith.constant 0 : i32
    %scan3A_102 = arith.constant 16 : i32
    %scan3A_103 = arith.addi %scan3A_101, %scan3A_102 : i32
    %scan3A_104 = arith.constant 1 : i32
    scf.for %scan3A_2763 = %scan3A_101 to %scan3A_103 step %scan3A_104  : i32 {
      %get3A_2764 = arith.index_cast %scan3A_2763 : i32 to index
      %get3A_2765 = arith.index_cast %select_n3A : i32 to index
      %get3A_2766 = arith.constant 0 : index
      %get3A_2767 = tpu.vector_load %arg6[%get3A_2764, %get3A_2765, %get3A_2766] {strides = array<i32>} : memref<16x4x64xi32, #tpu.memory_space<vmem>>, vector<16xi32>,
      %add3A_2768 = arith.constant 0 : i32
      %add3A_2769 = arith.addi %mul3A_18, %add3A_2768 : i32
      %get3A_2770 = arith.index_cast %scan3A_2763 : i32 to index
      %get3A_2771 = arith.index_cast %add3A_2769 : i32 to index
      %get3A_2772 = tpu.vector_load %arg7[%get3A_2770, %get3A_2771] {strides = array<i32>} : memref<16x256xf32, #tpu.memory_space<vmem>>, vector<16xf32>,
      tpu.vector_store_idx %arg9[%get3A_2767], %get3A_2772 {add = true} : memref<128xf32, #tpu.memory_space<vmem>>[vector<16xi32>], vector<16xf32>,
      tpu.vector_store_idx %arg10[%get3A_2767], %broadcast_in_dim3A_69 {add = true} : memref<128xf32, #tpu.memory_space<vmem>>[vector<16xi32>], vector<16xf32>,
      %get3A_2773 = arith.index_cast %scan3A_2763 : i32 to index
      %get3A_2774 = arith.index_cast %select_n3A : i32 to index
      %get3A_2775 = arith.constant 16 : index
      %get3A_2776 = tpu.vector_load %arg6[%get3A_2773, %get3A_2774, %get3A_2775] {strides = array<i32>} : memref<16x4x64xi32, #tpu.memory_space<vmem>>, vector<16xi32>,
      %add3A_2777 = arith.constant 16 : i32
      %add3A_2778 = arith.addi %mul3A_18, %add3A_2777 : i32
      %get3A_2779 = arith.index_cast %scan3A_2763 : i32 to index
      %get3A_2780 = arith.index_cast %add3A_2778 : i32 to index
      %get3A_2781 = tpu.vector_load %arg7[%get3A_2779, %get3A_2780] {strides = array<i32>} : memref<16x256xf32, #tpu.memory_space<vmem>>, vector<16xf32>,
      tpu.vector_store_idx %arg9[%get3A_2776], %get3A_2781 {add = true} : memref<128xf32, #tpu.memory_space<vmem>>[vector<16xi32>], vector<16xf32>,
      tpu.vector_store_idx %arg10[%get3A_2776], %broadcast_in_dim3A_69 {add = true} : memref<128xf32, #tpu.memory_space<vmem>>[vector<16xi32>], vector<16xf32>,
      %get3A_2782 = arith.index_cast %scan3A_2763 : i32 to index
      %get3A_2783 = arith.index_cast %select_n3A : i32 to index
      %get3A_2784 = arith.constant 32 : index
      %get3A_2785 = tpu.vector_load %arg6[%get3A_2782, %get3A_2783, %get3A_2784] {strides = array<i32>} : memref<16x4x64xi32, #tpu.memory_space<vmem>>, vector<16xi32>,
      %add3A_2786 = arith.constant 32 : i32
      %add3A_2787 = arith.addi %mul3A_18, %add3A_2786 : i32
      %get3A_2788 = arith.index_cast %scan3A_2763 : i32 to index
      %get3A_2789 = arith.index_cast %add3A_2787 : i32 to index
      %get3A_2790 = tpu.vector_load %arg7[%get3A_2788, %get3A_2789] {strides = array<i32>} : memref<16x256xf32, #tpu.memory_space<vmem>>, vector<16xf32>,
      tpu.vector_store_idx %arg9[%get3A_2785], %get3A_2790 {add = true} : memref<128xf32, #tpu.memory_space<vmem>>[vector<16xi32>], vector<16xf32>,
      tpu.vector_store_idx %arg10[%get3A_2785], %broadcast_in_dim3A_69 {add = true} : memref<128xf32, #tpu.memory_space<vmem>>[vector<16xi32>], vector<16xf32>,
      %get3A_2791 = arith.index_cast %scan3A_2763 : i32 to index
      %get3A_2792 = arith.index_cast %select_n3A : i32 to index
      %get3A_2793 = arith.constant 48 : index
      %get3A_2794 = tpu.vector_load %arg6[%get3A_2791, %get3A_2792, %get3A_2793] {strides = array<i32>} : memref<16x4x64xi32, #tpu.memory_space<vmem>>, vector<16xi32>,
      %add3A_2795 = arith.constant 48 : i32
      %add3A_2796 = arith.addi %mul3A_18, %add3A_2795 : i32
      %get3A_2797 = arith.index_cast %scan3A_2763 : i32 to index
      %get3A_2798 = arith.index_cast %add3A_2796 : i32 to index
      %get3A_2799 = tpu.vector_load %arg7[%get3A_2797, %get3A_2798] {strides = array<i32>} : memref<16x256xf32, #tpu.memory_space<vmem>>, vector<16xf32>,
      tpu.vector_store_idx %arg9[%get3A_2794], %get3A_2799 {add = true} : memref<128xf32, #tpu.memory_space<vmem>>[vector<16xi32>], vector<16xf32>,
      tpu.vector_store_idx %arg10[%get3A_2794], %broadcast_in_dim3A_69 {add = true} : memref<128xf32, #tpu.memory_space<vmem>>[vector<16xi32>], vector<16xf32>,
    }
    %scan3A_105 = arith.constant 16 : i32
    %run_scoped3A = arith.constant 0 : i32
    "tpu.region"() ({
      %run_scoped3A_2763 = tpu.sem_alloc : memref<!tpu.dma_semaphore, #tpu.memory_space<semaphore_mem>>
      %dma_start3A_2764 = arith.constant 0 : i32
      %dma_start3A_2765 = tpu.memref_slice %arg15[%arg1, %run_scoped3A, %dma_start3A_2764] : memref<16x2x128xf32, #tpu.memory_space<vmem_shared>> -> memref<1x1x128xf32, #tpu.memory_space<vmem_shared>>
      %dma_start3A_2766 = tpu.memref_squeeze %dma_start3A_2765 : memref<1x1x128xf32, #tpu.memory_space<vmem_shared>> -> memref<128xf32, #tpu.memory_space<vmem_shared>>
      %dma_start3A_2767 = arith.constant 0 : i32
      %dma_start3A_2768 = tpu.memref_slice %arg15[%arg1, %run_scoped3A, %dma_start3A_2767] : memref<16x2x128xf32, #tpu.memory_space<vmem_shared>> -> memref<1x1x128xf32, #tpu.memory_space<vmem_shared>>
      %dma_start3A_2769 = tpu.memref_squeeze %dma_start3A_2768 : memref<1x1x128xf32, #tpu.memory_space<vmem_shared>> -> memref<128xf32, #tpu.memory_space<vmem_shared>>
      tpu.enqueue_dma source(%arg9 : memref<128xf32, #tpu.memory_space<vmem>>) target(%dma_start3A_2769 : memref<128xf32, #tpu.memory_space<vmem_shared>>) target_semaphore(%run_scoped3A_2763 : memref<!tpu.dma_semaphore, #tpu.memory_space<semaphore_mem>>)
      %dma_wait3A_2770 = arith.constant 0 : i32
      %dma_wait3A_2771 = tpu.memref_slice %arg15[%arg1, %run_scoped3A, %dma_wait3A_2770] : memref<16x2x128xf32, #tpu.memory_space<vmem_shared>> -> memref<1x1x128xf32, #tpu.memory_space<vmem_shared>>
      %dma_wait3A_2772 = tpu.memref_squeeze %dma_wait3A_2771 : memref<1x1x128xf32, #tpu.memory_space<vmem_shared>> -> memref<128xf32, #tpu.memory_space<vmem_shared>>
      %dma_wait3A_2773 = arith.constant 0 : i32
      %dma_wait3A_2774 = tpu.memref_slice %arg15[%arg1, %run_scoped3A, %dma_wait3A_2773] : memref<16x2x128xf32, #tpu.memory_space<vmem_shared>> -> memref<1x1x128xf32, #tpu.memory_space<vmem_shared>>
      %dma_wait3A_2775 = tpu.memref_squeeze %dma_wait3A_2774 : memref<1x1x128xf32, #tpu.memory_space<vmem_shared>> -> memref<128xf32, #tpu.memory_space<vmem_shared>>
      tpu.wait_dma2 semaphore(%run_scoped3A_2763 : memref<!tpu.dma_semaphore, #tpu.memory_space<semaphore_mem>>) src(%arg9 : memref<128xf32, #tpu.memory_space<vmem>>) dst(%dma_wait3A_2775 : memref<128xf32, #tpu.memory_space<vmem_shared>>)
      tpu.yield
    }) : () -> ()
    %run_scoped3A_106 = arith.constant 1 : i32
    "tpu.region"() ({
      %run_scoped3A_2763 = tpu.sem_alloc : memref<!tpu.dma_semaphore, #tpu.memory_space<semaphore_mem>>
      %dma_start3A_2764 = arith.constant 0 : i32
      %dma_start3A_2765 = tpu.memref_slice %arg15[%arg1, %run_scoped3A_106, %dma_start3A_2764] : memref<16x2x128xf32, #tpu.memory_space<vmem_shared>> -> memref<1x1x128xf32, #tpu.memory_space<vmem_shared>>
      %dma_start3A_2766 = tpu.memref_squeeze %dma_start3A_2765 : memref<1x1x128xf32, #tpu.memory_space<vmem_shared>> -> memref<128xf32, #tpu.memory_space<vmem_shared>>
      %dma_start3A_2767 = arith.constant 0 : i32
      %dma_start3A_2768 = tpu.memref_slice %arg15[%arg1, %run_scoped3A_106, %dma_start3A_2767] : memref<16x2x128xf32, #tpu.memory_space<vmem_shared>> -> memref<1x1x128xf32, #tpu.memory_space<vmem_shared>>
      %dma_start3A_2769 = tpu.memref_squeeze %dma_start3A_2768 : memref<1x1x128xf32, #tpu.memory_space<vmem_shared>> -> memref<128xf32, #tpu.memory_space<vmem_shared>>
      tpu.enqueue_dma source(%arg10 : memref<128xf32, #tpu.memory_space<vmem>>) target(%dma_start3A_2769 : memref<128xf32, #tpu.memory_space<vmem_shared>>) target_semaphore(%run_scoped3A_2763 : memref<!tpu.dma_semaphore, #tpu.memory_space<semaphore_mem>>)
      %dma_wait3A_2770 = arith.constant 0 : i32
      %dma_wait3A_2771 = tpu.memref_slice %arg15[%arg1, %run_scoped3A_106, %dma_wait3A_2770] : memref<16x2x128xf32, #tpu.memory_space<vmem_shared>> -> memref<1x1x128xf32, #tpu.memory_space<vmem_shared>>
      %dma_wait3A_2772 = tpu.memref_squeeze %dma_wait3A_2771 : memref<1x1x128xf32, #tpu.memory_space<vmem_shared>> -> memref<128xf32, #tpu.memory_space<vmem_shared>>
      %dma_wait3A_2773 = arith.constant 0 : i32
      %dma_wait3A_2774 = tpu.memref_slice %arg15[%arg1, %run_scoped3A_106, %dma_wait3A_2773] : memref<16x2x128xf32, #tpu.memory_space<vmem_shared>> -> memref<1x1x128xf32, #tpu.memory_space<vmem_shared>>
      %dma_wait3A_2775 = tpu.memref_squeeze %dma_wait3A_2774 : memref<1x1x128xf32, #tpu.memory_space<vmem_shared>> -> memref<128xf32, #tpu.memory_space<vmem_shared>>
      tpu.wait_dma2 semaphore(%run_scoped3A_2763 : memref<!tpu.dma_semaphore, #tpu.memory_space<semaphore_mem>>) src(%arg10 : memref<128xf32, #tpu.memory_space<vmem>>) dst(%dma_wait3A_2775 : memref<128xf32, #tpu.memory_space<vmem_shared>>)
      tpu.yield
    }) : () -> ()
    %barrier3A = arith.constant 0 : index
    tpu.barrier barrier_id(%barrier3A)
    "tpu.region"() ({
      %run_scoped3A_2763 = tpu.sem_alloc : memref<!tpu.dma_semaphore, #tpu.memory_space<semaphore_mem>>
      tpu.enqueue_dma source(%arg15 : memref<16x2x128xf32, #tpu.memory_space<vmem_shared>>) target(%arg11 : memref<16x2x128xf32, #tpu.memory_space<vmem>>) target_semaphore(%run_scoped3A_2763 : memref<!tpu.dma_semaphore, #tpu.memory_space<semaphore_mem>>)
      tpu.wait_dma2 semaphore(%run_scoped3A_2763 : memref<!tpu.dma_semaphore, #tpu.memory_space<semaphore_mem>>) src(%arg15 : memref<16x2x128xf32, #tpu.memory_space<vmem_shared>>) dst(%arg11 : memref<16x2x128xf32, #tpu.memory_space<vmem>>)
      tpu.yield
    }) : () -> ()
    %get3A = arith.constant 0 : i32
    %get3A_107 = arith.constant 0 : i32
    %get3A_108 = arith.index_cast %get3A : i32 to index
    %get3A_109 = arith.index_cast %get3A_107 : i32 to index
    %get3A_110 = arith.constant 0 : index
    %get3A_111 = tpu.vector_load %arg11[%get3A_108, %get3A_109, %get3A_110] {strides = array<i32>} : memref<16x2x128xf32, #tpu.memory_space<vmem>>, vector<16xf32>,
    %get3A_112 = arith.constant 0 : i32
    %get3A_113 = arith.constant 1 : i32
    %get3A_114 = arith.index_cast %get3A_112 : i32 to index
    %get3A_115 = arith.index_cast %get3A_113 : i32 to index
    %get3A_116 = arith.constant 0 : index
    %get3A_117 = tpu.vector_load %arg11[%get3A_114, %get3A_115, %get3A_116] {strides = array<i32>} : memref<16x2x128xf32, #tpu.memory_space<vmem>>, vector<16xf32>,
    %get3A_118 = arith.constant 1 : i32
    %get3A_119 = arith.constant 0 : i32
    %get3A_120 = arith.index_cast %get3A_118 : i32 to index
    %get3A_121 = arith.index_cast %get3A_119 : i32 to index
    %get3A_122 = arith.constant 0 : index
    %get3A_123 = tpu.vector_load %arg11[%get3A_120, %get3A_121, %get3A_122] {strides = array<i32>} : memref<16x2x128xf32, #tpu.memory_space<vmem>>, vector<16xf32>,
    %add3A_124 = arith.addf %get3A_111, %get3A_123 : vector<16xf32>
    %get3A_125 = arith.constant 1 : i32
    %get3A_126 = arith.constant 1 : i32
    %get3A_127 = arith.index_cast %get3A_125 : i32 to index
    %get3A_128 = arith.index_cast %get3A_126 : i32 to index
    %get3A_129 = arith.constant 0 : index
    %get3A_130 = tpu.vector_load %arg11[%get3A_127, %get3A_128, %get3A_129] {strides = array<i32>} : memref<16x2x128xf32, #tpu.memory_space<vmem>>, vector<16xf32>,
    %add3A_131 = arith.addf %get3A_117, %get3A_130 : vector<16xf32>
    %get3A_132 = arith.constant 2 : i32
    %get3A_133 = arith.constant 0 : i32
    %get3A_134 = arith.index_cast %get3A_132 : i32 to index
    %get3A_135 = arith.index_cast %get3A_133 : i32 to index
    %get3A_136 = arith.constant 0 : index
    %get3A_137 = tpu.vector_load %arg11[%get3A_134, %get3A_135, %get3A_136] {strides = array<i32>} : memref<16x2x128xf32, #tpu.memory_space<vmem>>, vector<16xf32>,
    %add3A_138 = arith.addf %add3A_124, %get3A_137 : vector<16xf32>
    %get3A_139 = arith.constant 2 : i32
    %get3A_140 = arith.constant 1 : i32
    %get3A_141 = arith.index_cast %get3A_139 : i32 to index
    %get3A_142 = arith.index_cast %get3A_140 : i32 to index
    %get3A_143 = arith.constant 0 : index
    %get3A_144 = tpu.vector_load %arg11[%get3A_141, %get3A_142, %get3A_143] {strides = array<i32>} : memref<16x2x128xf32, #tpu.memory_space<vmem>>, vector<16xf32>,
    %add3A_145 = arith.addf %add3A_131, %get3A_144 : vector<16xf32>
    %get3A_146 = arith.constant 3 : i32
    %get3A_147 = arith.constant 0 : i32
    %get3A_148 = arith.index_cast %get3A_146 : i32 to index
    %get3A_149 = arith.index_cast %get3A_147 : i32 to index
    %get3A_150 = arith.constant 0 : index
    %get3A_151 = tpu.vector_load %arg11[%get3A_148, %get3A_149, %get3A_150] {strides = array<i32>} : memref<16x2x128xf32, #tpu.memory_space<vmem>>, vector<16xf32>,
    %add3A_152 = arith.addf %add3A_138, %get3A_151 : vector<16xf32>
    %get3A_153 = arith.constant 3 : i32
    %get3A_154 = arith.constant 1 : i32
    %get3A_155 = arith.index_cast %get3A_153 : i32 to index
    %get3A_156 = arith.index_cast %get3A_154 : i32 to index
    %get3A_157 = arith.constant 0 : index
    %get3A_158 = tpu.vector_load %arg11[%get3A_155, %get3A_156, %get3A_157] {strides = array<i32>} : memref<16x2x128xf32, #tpu.memory_space<vmem>>, vector<16xf32>,
    %add3A_159 = arith.addf %add3A_145, %get3A_158 : vector<16xf32>
    %mul3A_160 = arith.constant 3.200000e+01 : f32
    %mul3A_161 = vector.broadcast %mul3A_160 : f32 to vector<16xf32>
    %mul3A_162 = arith.mulf %mul3A_161, %add3A_159 : vector<16xf32>
    %add3A_163 = arith.constant 1.000000e-10 : f32
    %add3A_164 = vector.broadcast %add3A_163 : f32 to vector<16xf32>
    %add3A_165 = arith.addf %add3A_164, %mul3A_162 : vector<16xf32>
    %div3A_166 = arith.divf %add3A_152, %add3A_165 : vector<16xf32>
    %mul3A_167 = arith.constant 1.562500e-02 : f32
    %mul3A_168 = vector.broadcast %mul3A_167 : f32 to vector<16xf32>
    %mul3A_169 = arith.mulf %div3A_166, %mul3A_168 : vector<16xf32>
    %get3A_170 = arith.constant 0 : index
    %get3A_171 = tpu.vector_load %arg12[%get3A_170] {strides = array<i32>} : memref<512xf32, #tpu.memory_space<vmem>>, vector<16xf32>,
    %sub3A_172 = arith.subf %mul3A_169, %get3A_171 : vector<16xf32>
    %swap3A_173 = arith.constant 0 : index
    %swap3A_174 = tpu.vector_load %arg13[%swap3A_173] {strides = array<i32>} : memref<512xf32, #tpu.memory_space<vmem>>, vector<16xf32>,
    tpu.vector_store %arg13[%swap3A_173], %sub3A_172 {strides = array<i32>} : memref<512xf32, #tpu.memory_space<vmem>>, vector<16xf32>,
    %get3A_175 = arith.constant 0 : i32
    %get3A_176 = arith.constant 0 : i32
    %get3A_177 = arith.index_cast %get3A_175 : i32 to index
    %get3A_178 = arith.index_cast %get3A_176 : i32 to index
    %get3A_179 = arith.constant 16 : index
    %get3A_180 = tpu.vector_load %arg11[%get3A_177, %get3A_178, %get3A_179] {strides = array<i32>} : memref<16x2x128xf32, #tpu.memory_space<vmem>>, vector<16xf32>,
    %get3A_181 = arith.constant 0 : i32
    %get3A_182 = arith.constant 1 : i32
    %get3A_183 = arith.index_cast %get3A_181 : i32 to index
    %get3A_184 = arith.index_cast %get3A_182 : i32 to index
    %get3A_185 = arith.constant 16 : index
    %get3A_186 = tpu.vector_load %arg11[%get3A_183, %get3A_184, %get3A_185] {strides = array<i32>} : memref<16x2x128xf32, #tpu.memory_space<vmem>>, vector<16xf32>,
    %get3A_187 = arith.constant 1 : i32
    %get3A_188 = arith.constant 0 : i32
    %get3A_189 = arith.index_cast %get3A_187 : i32 to index
    %get3A_190 = arith.index_cast %get3A_188 : i32 to index
    %get3A_191 = arith.constant 16 : index
    %get3A_192 = tpu.vector_load %arg11[%get3A_189, %get3A_190, %get3A_191] {strides = array<i32>} : memref<16x2x128xf32, #tpu.memory_space<vmem>>, vector<16xf32>,
    %add3A_193 = arith.addf %get3A_180, %get3A_192 : vector<16xf32>
    %get3A_194 = arith.constant 1 : i32
    %get3A_195 = arith.constant 1 : i32
    %get3A_196 = arith.index_cast %get3A_194 : i32 to index
    %get3A_197 = arith.index_cast %get3A_195 : i32 to index
    %get3A_198 = arith.constant 16 : index
    %get3A_199 = tpu.vector_load %arg11[%get3A_196, %get3A_197, %get3A_198] {strides = array<i32>} : memref<16x2x128xf32, #tpu.memory_space<vmem>>, vector<16xf32>,
    %add3A_200 = arith.addf %get3A_186, %get3A_199 : vector<16xf32>
    %get3A_201 = arith.constant 2 : i32
    %get3A_202 = arith.constant 0 : i32
    %get3A_203 = arith.index_cast %get3A_201 : i32 to index
    %get3A_204 = arith.index_cast %get3A_202 : i32 to index
    %get3A_205 = arith.constant 16 : index
    %get3A_206 = tpu.vector_load %arg11[%get3A_203, %get3A_204, %get3A_205] {strides = array<i32>} : memref<16x2x128xf32, #tpu.memory_space<vmem>>, vector<16xf32>,
    %add3A_207 = arith.addf %add3A_193, %get3A_206 : vector<16xf32>
    %get3A_208 = arith.constant 2 : i32
    %get3A_209 = arith.constant 1 : i32
    %get3A_210 = arith.index_cast %get3A_208 : i32 to index
    %get3A_211 = arith.index_cast %get3A_209 : i32 to index
    %get3A_212 = arith.constant 16 : index
    %get3A_213 = tpu.vector_load %arg11[%get3A_210, %get3A_211, %get3A_212] {strides = array<i32>} : memref<16x2x128xf32, #tpu.memory_space<vmem>>, vector<16xf32>,
    %add3A_214 = arith.addf %add3A_200, %get3A_213 : vector<16xf32>
    %get3A_215 = arith.constant 3 : i32
    %get3A_216 = arith.constant 0 : i32
    %get3A_217 = arith.index_cast %get3A_215 : i32 to index
    %get3A_218 = arith.index_cast %get3A_216 : i32 to index
    %get3A_219 = arith.constant 16 : index
    %get3A_220 = tpu.vector_load %arg11[%get3A_217, %get3A_218, %get3A_219] {strides = array<i32>} : memref<16x2x128xf32, #tpu.memory_space<vmem>>, vector<16xf32>,
    %add3A_221 = arith.addf %add3A_207, %get3A_220 : vector<16xf32>
    %get3A_222 = arith.constant 3 : i32
    %get3A_223 = arith.constant 1 : i32
    %get3A_224 = arith.index_cast %get3A_222 : i32 to index
    %get3A_225 = arith.index_cast %get3A_223 : i32 to index
    %get3A_226 = arith.constant 16 : index
    %get3A_227 = tpu.vector_load %arg11[%get3A_224, %get3A_225, %get3A_226] {strides = array<i32>} : memref<16x2x128xf32, #tpu.memory_space<vmem>>, vector<16xf32>,
    %add3A_228 = arith.addf %add3A_214, %get3A_227 : vector<16xf32>
    %mul3A_229 = arith.constant 3.200000e+01 : f32
    %mul3A_230 = vector.broadcast %mul3A_229 : f32 to vector<16xf32>
    %mul3A_231 = arith.mulf %mul3A_230, %add3A_228 : vector<16xf32>
    %add3A_232 = arith.constant 1.000000e-10 : f32
    %add3A_233 = vector.broadcast %add3A_232 : f32 to vector<16xf32>
    %add3A_234 = arith.addf %add3A_233, %mul3A_231 : vector<16xf32>
    %div3A_235 = arith.divf %add3A_221, %add3A_234 : vector<16xf32>
    %mul3A_236 = arith.constant 1.562500e-02 : f32
    %mul3A_237 = vector.broadcast %mul3A_236 : f32 to vector<16xf32>
    %mul3A_238 = arith.mulf %div3A_235, %mul3A_237 : vector<16xf32>
    %get3A_239 = arith.constant 16 : index
    %get3A_240 = tpu.vector_load %arg12[%get3A_239] {strides = array<i32>} : memref<512xf32, #tpu.memory_space<vmem>>, vector<16xf32>,
    %sub3A_241 = arith.subf %mul3A_238, %get3A_240 : vector<16xf32>
    %swap3A_242 = arith.constant 16 : index
    %swap3A_243 = tpu.vector_load %arg13[%swap3A_242] {strides = array<i32>} : memref<512xf32, #tpu.memory_space<vmem>>, vector<16xf32>,
    tpu.vector_store %arg13[%swap3A_242], %sub3A_241 {strides = array<i32>} : memref<512xf32, #tpu.memory_space<vmem>>, vector<16xf32>,
    %get3A_244 = arith.constant 0 : i32
    %get3A_245 = arith.constant 0 : i32
    %get3A_246 = arith.index_cast %get3A_244 : i32 to index
    %get3A_247 = arith.index_cast %get3A_245 : i32 to index
    %get3A_248 = arith.constant 32 : index
    %get3A_249 = tpu.vector_load %arg11[%get3A_246, %get3A_247, %get3A_248] {strides = array<i32>} : memref<16x2x128xf32, #tpu.memory_space<vmem>>, vector<16xf32>,
    %get3A_250 = arith.constant 0 : i32
    %get3A_251 = arith.constant 1 : i32
    %get3A_252 = arith.index_cast %get3A_250 : i32 to index
    %get3A_253 = arith.index_cast %get3A_251 : i32 to index
    %get3A_254 = arith.constant 32 : index
    %get3A_255 = tpu.vector_load %arg11[%get3A_252, %get3A_253, %get3A_254] {strides = array<i32>} : memref<16x2x128xf32, #tpu.memory_space<vmem>>, vector<16xf32>,
    %get3A_256 = arith.constant 1 : i32
    %get3A_257 = arith.constant 0 : i32
    %get3A_258 = arith.index_cast %get3A_256 : i32 to index
    %get3A_259 = arith.index_cast %get3A_257 : i32 to index
    %get3A_260 = arith.constant 32 : index
    %get3A_261 = tpu.vector_load %arg11[%get3A_258, %get3A_259, %get3A_260] {strides = array<i32>} : memref<16x2x128xf32, #tpu.memory_space<vmem>>, vector<16xf32>,
    %add3A_262 = arith.addf %get3A_249, %get3A_261 : vector<16xf32>
    %get3A_263 = arith.constant 1 : i32
    %get3A_264 = arith.constant 1 : i32
    %get3A_265 = arith.index_cast %get3A_263 : i32 to index
    %get3A_266 = arith.index_cast %get3A_264 : i32 to index
    %get3A_267 = arith.constant 32 : index
    %get3A_268 = tpu.vector_load %arg11[%get3A_265, %get3A_266, %get3A_267] {strides = array<i32>} : memref<16x2x128xf32, #tpu.memory_space<vmem>>, vector<16xf32>,
    %add3A_269 = arith.addf %get3A_255, %get3A_268 : vector<16xf32>
    %get3A_270 = arith.constant 2 : i32
    %get3A_271 = arith.constant 0 : i32
    %get3A_272 = arith.index_cast %get3A_270 : i32 to index
    %get3A_273 = arith.index_cast %get3A_271 : i32 to index
    %get3A_274 = arith.constant 32 : index
    %get3A_275 = tpu.vector_load %arg11[%get3A_272, %get3A_273, %get3A_274] {strides = array<i32>} : memref<16x2x128xf32, #tpu.memory_space<vmem>>, vector<16xf32>,
    %add3A_276 = arith.addf %add3A_262, %get3A_275 : vector<16xf32>
    %get3A_277 = arith.constant 2 : i32
    %get3A_278 = arith.constant 1 : i32
    %get3A_279 = arith.index_cast %get3A_277 : i32 to index
    %get3A_280 = arith.index_cast %get3A_278 : i32 to index
    %get3A_281 = arith.constant 32 : index
    %get3A_282 = tpu.vector_load %arg11[%get3A_279, %get3A_280, %get3A_281] {strides = array<i32>} : memref<16x2x128xf32, #tpu.memory_space<vmem>>, vector<16xf32>,
    %add3A_283 = arith.addf %add3A_269, %get3A_282 : vector<16xf32>
    %get3A_284 = arith.constant 3 : i32
    %get3A_285 = arith.constant 0 : i32
    %get3A_286 = arith.index_cast %get3A_284 : i32 to index
    %get3A_287 = arith.index_cast %get3A_285 : i32 to index
    %get3A_288 = arith.constant 32 : index
    %get3A_289 = tpu.vector_load %arg11[%get3A_286, %get3A_287, %get3A_288] {strides = array<i32>} : memref<16x2x128xf32, #tpu.memory_space<vmem>>, vector<16xf32>,
    %add3A_290 = arith.addf %add3A_276, %get3A_289 : vector<16xf32>
    %get3A_291 = arith.constant 3 : i32
    %get3A_292 = arith.constant 1 : i32
    %get3A_293 = arith.index_cast %get3A_291 : i32 to index
    %get3A_294 = arith.index_cast %get3A_292 : i32 to index
    %get3A_295 = arith.constant 32 : index
    %get3A_296 = tpu.vector_load %arg11[%get3A_293, %get3A_294, %get3A_295] {strides = array<i32>} : memref<16x2x128xf32, #tpu.memory_space<vmem>>, vector<16xf32>,
    %add3A_297 = arith.addf %add3A_283, %get3A_296 : vector<16xf32>
    %mul3A_298 = arith.constant 3.200000e+01 : f32
    %mul3A_299 = vector.broadcast %mul3A_298 : f32 to vector<16xf32>
    %mul3A_300 = arith.mulf %mul3A_299, %add3A_297 : vector<16xf32>
    %add3A_301 = arith.constant 1.000000e-10 : f32
    %add3A_302 = vector.broadcast %add3A_301 : f32 to vector<16xf32>
    %add3A_303 = arith.addf %add3A_302, %mul3A_300 : vector<16xf32>
    %div3A_304 = arith.divf %add3A_290, %add3A_303 : vector<16xf32>
    %mul3A_305 = arith.constant 1.562500e-02 : f32
    %mul3A_306 = vector.broadcast %mul3A_305 : f32 to vector<16xf32>
    %mul3A_307 = arith.mulf %div3A_304, %mul3A_306 : vector<16xf32>
    %get3A_308 = arith.constant 32 : index
    %get3A_309 = tpu.vector_load %arg12[%get3A_308] {strides = array<i32>} : memref<512xf32, #tpu.memory_space<vmem>>, vector<16xf32>,
    %sub3A_310 = arith.subf %mul3A_307, %get3A_309 : vector<16xf32>
    %swap3A_311 = arith.constant 32 : index
    %swap3A_312 = tpu.vector_load %arg13[%swap3A_311] {strides = array<i32>} : memref<512xf32, #tpu.memory_space<vmem>>, vector<16xf32>,
    tpu.vector_store %arg13[%swap3A_311], %sub3A_310 {strides = array<i32>} : memref<512xf32, #tpu.memory_space<vmem>>, vector<16xf32>,
    %get3A_313 = arith.constant 0 : i32
    %get3A_314 = arith.constant 0 : i32
    %get3A_315 = arith.index_cast %get3A_313 : i32 to index
    %get3A_316 = arith.index_cast %get3A_314 : i32 to index
    %get3A_317 = arith.constant 48 : index
    %get3A_318 = tpu.vector_load %arg11[%get3A_315, %get3A_316, %get3A_317] {strides = array<i32>} : memref<16x2x128xf32, #tpu.memory_space<vmem>>, vector<16xf32>,
    %get3A_319 = arith.constant 0 : i32
    %get3A_320 = arith.constant 1 : i32
    %get3A_321 = arith.index_cast %get3A_319 : i32 to index
    %get3A_322 = arith.index_cast %get3A_320 : i32 to index
    %get3A_323 = arith.constant 48 : index
    %get3A_324 = tpu.vector_load %arg11[%get3A_321, %get3A_322, %get3A_323] {strides = array<i32>} : memref<16x2x128xf32, #tpu.memory_space<vmem>>, vector<16xf32>,
    %get3A_325 = arith.constant 1 : i32
    %get3A_326 = arith.constant 0 : i32
    %get3A_327 = arith.index_cast %get3A_325 : i32 to index
    %get3A_328 = arith.index_cast %get3A_326 : i32 to index
    %get3A_329 = arith.constant 48 : index
    %get3A_330 = tpu.vector_load %arg11[%get3A_327, %get3A_328, %get3A_329] {strides = array<i32>} : memref<16x2x128xf32, #tpu.memory_space<vmem>>, vector<16xf32>,
    %add3A_331 = arith.addf %get3A_318, %get3A_330 : vector<16xf32>
    %get3A_332 = arith.constant 1 : i32
    %get3A_333 = arith.constant 1 : i32
    %get3A_334 = arith.index_cast %get3A_332 : i32 to index
    %get3A_335 = arith.index_cast %get3A_333 : i32 to index
    %get3A_336 = arith.constant 48 : index
    %get3A_337 = tpu.vector_load %arg11[%get3A_334, %get3A_335, %get3A_336] {strides = array<i32>} : memref<16x2x128xf32, #tpu.memory_space<vmem>>, vector<16xf32>,
    %add3A_338 = arith.addf %get3A_324, %get3A_337 : vector<16xf32>
    %get3A_339 = arith.constant 2 : i32
    %get3A_340 = arith.constant 0 : i32
    %get3A_341 = arith.index_cast %get3A_339 : i32 to index
    %get3A_342 = arith.index_cast %get3A_340 : i32 to index
    %get3A_343 = arith.constant 48 : index
    %get3A_344 = tpu.vector_load %arg11[%get3A_341, %get3A_342, %get3A_343] {strides = array<i32>} : memref<16x2x128xf32, #tpu.memory_space<vmem>>, vector<16xf32>,
    %add3A_345 = arith.addf %add3A_331, %get3A_344 : vector<16xf32>
    %get3A_346 = arith.constant 2 : i32
    %get3A_347 = arith.constant 1 : i32
    %get3A_348 = arith.index_cast %get3A_346 : i32 to index
    %get3A_349 = arith.index_cast %get3A_347 : i32 to index
    %get3A_350 = arith.constant 48 : index
    %get3A_351 = tpu.vector_load %arg11[%get3A_348, %get3A_349, %get3A_350] {strides = array<i32>} : memref<16x2x128xf32, #tpu.memory_space<vmem>>, vector<16xf32>,
    %add3A_352 = arith.addf %add3A_338, %get3A_351 : vector<16xf32>
    %get3A_353 = arith.constant 3 : i32
    %get3A_354 = arith.constant 0 : i32
    %get3A_355 = arith.index_cast %get3A_353 : i32 to index
    %get3A_356 = arith.index_cast %get3A_354 : i32 to index
    %get3A_357 = arith.constant 48 : index
    %get3A_358 = tpu.vector_load %arg11[%get3A_355, %get3A_356, %get3A_357] {strides = array<i32>} : memref<16x2x128xf32, #tpu.memory_space<vmem>>, vector<16xf32>,
    %add3A_359 = arith.addf %add3A_345, %get3A_358 : vector<16xf32>
    %get3A_360 = arith.constant 3 : i32
    %get3A_361 = arith.constant 1 : i32
    %get3A_362 = arith.index_cast %get3A_360 : i32 to index
    %get3A_363 = arith.index_cast %get3A_361 : i32 to index
    %get3A_364 = arith.constant 48 : index
    %get3A_365 = tpu.vector_load %arg11[%get3A_362, %get3A_363, %get3A_364] {strides = array<i32>} : memref<16x2x128xf32, #tpu.memory_space<vmem>>, vector<16xf32>,
    %add3A_366 = arith.addf %add3A_352, %get3A_365 : vector<16xf32>
    %mul3A_367 = arith.constant 3.200000e+01 : f32
    %mul3A_368 = vector.broadcast %mul3A_367 : f32 to vector<16xf32>
    %mul3A_369 = arith.mulf %mul3A_368, %add3A_366 : vector<16xf32>
    %add3A_370 = arith.constant 1.000000e-10 : f32
    %add3A_371 = vector.broadcast %add3A_370 : f32 to vector<16xf32>
    %add3A_372 = arith.addf %add3A_371, %mul3A_369 : vector<16xf32>
    %div3A_373 = arith.divf %add3A_359, %add3A_372 : vector<16xf32>
    %mul3A_374 = arith.constant 1.562500e-02 : f32
    %mul3A_375 = vector.broadcast %mul3A_374 : f32 to vector<16xf32>
    %mul3A_376 = arith.mulf %div3A_373, %mul3A_375 : vector<16xf32>
    %get3A_377 = arith.constant 48 : index
    %get3A_378 = tpu.vector_load %arg12[%get3A_377] {strides = array<i32>} : memref<512xf32, #tpu.memory_space<vmem>>, vector<16xf32>,
    %sub3A_379 = arith.subf %mul3A_376, %get3A_378 : vector<16xf32>
    %swap3A_380 = arith.constant 48 : index
    %swap3A_381 = tpu.vector_load %arg13[%swap3A_380] {strides = array<i32>} : memref<512xf32, #tpu.memory_space<vmem>>, vector<16xf32>,
    tpu.vector_store %arg13[%swap3A_380], %sub3A_379 {strides = array<i32>} : memref<512xf32, #tpu.memory_space<vmem>>, vector<16xf32>,
    %get3A_382 = arith.constant 0 : i32
    %get3A_383 = arith.constant 0 : i32
    %get3A_384 = arith.index_cast %get3A_382 : i32 to index
    %get3A_385 = arith.index_cast %get3A_383 : i32 to index
    %get3A_386 = arith.constant 64 : index
    %get3A_387 = tpu.vector_load %arg11[%get3A_384, %get3A_385, %get3A_386] {strides = array<i32>} : memref<16x2x128xf32, #tpu.memory_space<vmem>>, vector<16xf32>,
    %get3A_388 = arith.constant 0 : i32
    %get3A_389 = arith.constant 1 : i32
    %get3A_390 = arith.index_cast %get3A_388 : i32 to index
    %get3A_391 = arith.index_cast %get3A_389 : i32 to index
    %get3A_392 = arith.constant 64 : index
    %get3A_393 = tpu.vector_load %arg11[%get3A_390, %get3A_391, %get3A_392] {strides = array<i32>} : memref<16x2x128xf32, #tpu.memory_space<vmem>>, vector<16xf32>,
    %get3A_394 = arith.constant 1 : i32
    %get3A_395 = arith.constant 0 : i32
    %get3A_396 = arith.index_cast %get3A_394 : i32 to index
    %get3A_397 = arith.index_cast %get3A_395 : i32 to index
    %get3A_398 = arith.constant 64 : index
    %get3A_399 = tpu.vector_load %arg11[%get3A_396, %get3A_397, %get3A_398] {strides = array<i32>} : memref<16x2x128xf32, #tpu.memory_space<vmem>>, vector<16xf32>,
    %add3A_400 = arith.addf %get3A_387, %get3A_399 : vector<16xf32>
    %get3A_401 = arith.constant 1 : i32
    %get3A_402 = arith.constant 1 : i32
    %get3A_403 = arith.index_cast %get3A_401 : i32 to index
    %get3A_404 = arith.index_cast %get3A_402 : i32 to index
    %get3A_405 = arith.constant 64 : index
    %get3A_406 = tpu.vector_load %arg11[%get3A_403, %get3A_404, %get3A_405] {strides = array<i32>} : memref<16x2x128xf32, #tpu.memory_space<vmem>>, vector<16xf32>,
    %add3A_407 = arith.addf %get3A_393, %get3A_406 : vector<16xf32>
    %get3A_408 = arith.constant 2 : i32
    %get3A_409 = arith.constant 0 : i32
    %get3A_410 = arith.index_cast %get3A_408 : i32 to index
    %get3A_411 = arith.index_cast %get3A_409 : i32 to index
    %get3A_412 = arith.constant 64 : index
    %get3A_413 = tpu.vector_load %arg11[%get3A_410, %get3A_411, %get3A_412] {strides = array<i32>} : memref<16x2x128xf32, #tpu.memory_space<vmem>>, vector<16xf32>,
    %add3A_414 = arith.addf %add3A_400, %get3A_413 : vector<16xf32>
    %get3A_415 = arith.constant 2 : i32
    %get3A_416 = arith.constant 1 : i32
    %get3A_417 = arith.index_cast %get3A_415 : i32 to index
    %get3A_418 = arith.index_cast %get3A_416 : i32 to index
    %get3A_419 = arith.constant 64 : index
    %get3A_420 = tpu.vector_load %arg11[%get3A_417, %get3A_418, %get3A_419] {strides = array<i32>} : memref<16x2x128xf32, #tpu.memory_space<vmem>>, vector<16xf32>,
    %add3A_421 = arith.addf %add3A_407, %get3A_420 : vector<16xf32>
    %get3A_422 = arith.constant 3 : i32
    %get3A_423 = arith.constant 0 : i32
    %get3A_424 = arith.index_cast %get3A_422 : i32 to index
    %get3A_425 = arith.index_cast %get3A_423 : i32 to index
    %get3A_426 = arith.constant 64 : index
    %get3A_427 = tpu.vector_load %arg11[%get3A_424, %get3A_425, %get3A_426] {strides = array<i32>} : memref<16x2x128xf32, #tpu.memory_space<vmem>>, vector<16xf32>,
    %add3A_428 = arith.addf %add3A_414, %get3A_427 : vector<16xf32>
    %get3A_429 = arith.constant 3 : i32
    %get3A_430 = arith.constant 1 : i32
    %get3A_431 = arith.index_cast %get3A_429 : i32 to index
    %get3A_432 = arith.index_cast %get3A_430 : i32 to index
    %get3A_433 = arith.constant 64 : index
    %get3A_434 = tpu.vector_load %arg11[%get3A_431, %get3A_432, %get3A_433] {strides = array<i32>} : memref<16x2x128xf32, #tpu.memory_space<vmem>>, vector<16xf32>,
    %add3A_435 = arith.addf %add3A_421, %get3A_434 : vector<16xf32>
    %mul3A_436 = arith.constant 3.200000e+01 : f32
    %mul3A_437 = vector.broadcast %mul3A_436 : f32 to vector<16xf32>
    %mul3A_438 = arith.mulf %mul3A_437, %add3A_435 : vector<16xf32>
    %add3A_439 = arith.constant 1.000000e-10 : f32
    %add3A_440 = vector.broadcast %add3A_439 : f32 to vector<16xf32>
    %add3A_441 = arith.addf %add3A_440, %mul3A_438 : vector<16xf32>
    %div3A_442 = arith.divf %add3A_428, %add3A_441 : vector<16xf32>
    %mul3A_443 = arith.constant 1.562500e-02 : f32
    %mul3A_444 = vector.broadcast %mul3A_443 : f32 to vector<16xf32>
    %mul3A_445 = arith.mulf %div3A_442, %mul3A_444 : vector<16xf32>
    %get3A_446 = arith.constant 64 : index
    %get3A_447 = tpu.vector_load %arg12[%get3A_446] {strides = array<i32>} : memref<512xf32, #tpu.memory_space<vmem>>, vector<16xf32>,
    %sub3A_448 = arith.subf %mul3A_445, %get3A_447 : vector<16xf32>
    %swap3A_449 = arith.constant 64 : index
    %swap3A_450 = tpu.vector_load %arg13[%swap3A_449] {strides = array<i32>} : memref<512xf32, #tpu.memory_space<vmem>>, vector<16xf32>,
    tpu.vector_store %arg13[%swap3A_449], %sub3A_448 {strides = array<i32>} : memref<512xf32, #tpu.memory_space<vmem>>, vector<16xf32>,
    %get3A_451 = arith.constant 0 : i32
    %get3A_452 = arith.constant 0 : i32
    %get3A_453 = arith.index_cast %get3A_451 : i32 to index
    %get3A_454 = arith.index_cast %get3A_452 : i32 to index
    %get3A_455 = arith.constant 80 : index
    %get3A_456 = tpu.vector_load %arg11[%get3A_453, %get3A_454, %get3A_455] {strides = array<i32>} : memref<16x2x128xf32, #tpu.memory_space<vmem>>, vector<16xf32>,
    %get3A_457 = arith.constant 0 : i32
    %get3A_458 = arith.constant 1 : i32
    %get3A_459 = arith.index_cast %get3A_457 : i32 to index
    %get3A_460 = arith.index_cast %get3A_458 : i32 to index
    %get3A_461 = arith.constant 80 : index
    %get3A_462 = tpu.vector_load %arg11[%get3A_459, %get3A_460, %get3A_461] {strides = array<i32>} : memref<16x2x128xf32, #tpu.memory_space<vmem>>, vector<16xf32>,
    %get3A_463 = arith.constant 1 : i32
    %get3A_464 = arith.constant 0 : i32
    %get3A_465 = arith.index_cast %get3A_463 : i32 to index
    %get3A_466 = arith.index_cast %get3A_464 : i32 to index
    %get3A_467 = arith.constant 80 : index
    %get3A_468 = tpu.vector_load %arg11[%get3A_465, %get3A_466, %get3A_467] {strides = array<i32>} : memref<16x2x128xf32, #tpu.memory_space<vmem>>, vector<16xf32>,
    %add3A_469 = arith.addf %get3A_456, %get3A_468 : vector<16xf32>
    %get3A_470 = arith.constant 1 : i32
    %get3A_471 = arith.constant 1 : i32
    %get3A_472 = arith.index_cast %get3A_470 : i32 to index
    %get3A_473 = arith.index_cast %get3A_471 : i32 to index
    %get3A_474 = arith.constant 80 : index
    %get3A_475 = tpu.vector_load %arg11[%get3A_472, %get3A_473, %get3A_474] {strides = array<i32>} : memref<16x2x128xf32, #tpu.memory_space<vmem>>, vector<16xf32>,
    %add3A_476 = arith.addf %get3A_462, %get3A_475 : vector<16xf32>
    %get3A_477 = arith.constant 2 : i32
    %get3A_478 = arith.constant 0 : i32
    %get3A_479 = arith.index_cast %get3A_477 : i32 to index
    %get3A_480 = arith.index_cast %get3A_478 : i32 to index
    %get3A_481 = arith.constant 80 : index
    %get3A_482 = tpu.vector_load %arg11[%get3A_479, %get3A_480, %get3A_481] {strides = array<i32>} : memref<16x2x128xf32, #tpu.memory_space<vmem>>, vector<16xf32>,
    %add3A_483 = arith.addf %add3A_469, %get3A_482 : vector<16xf32>
    %get3A_484 = arith.constant 2 : i32
    %get3A_485 = arith.constant 1 : i32
    %get3A_486 = arith.index_cast %get3A_484 : i32 to index
    %get3A_487 = arith.index_cast %get3A_485 : i32 to index
    %get3A_488 = arith.constant 80 : index
    %get3A_489 = tpu.vector_load %arg11[%get3A_486, %get3A_487, %get3A_488] {strides = array<i32>} : memref<16x2x128xf32, #tpu.memory_space<vmem>>, vector<16xf32>,
    %add3A_490 = arith.addf %add3A_476, %get3A_489 : vector<16xf32>
    %get3A_491 = arith.constant 3 : i32
    %get3A_492 = arith.constant 0 : i32
    %get3A_493 = arith.index_cast %get3A_491 : i32 to index
    %get3A_494 = arith.index_cast %get3A_492 : i32 to index
    %get3A_495 = arith.constant 80 : index
    %get3A_496 = tpu.vector_load %arg11[%get3A_493, %get3A_494, %get3A_495] {strides = array<i32>} : memref<16x2x128xf32, #tpu.memory_space<vmem>>, vector<16xf32>,
    %add3A_497 = arith.addf %add3A_483, %get3A_496 : vector<16xf32>
    %get3A_498 = arith.constant 3 : i32
    %get3A_499 = arith.constant 1 : i32
    %get3A_500 = arith.index_cast %get3A_498 : i32 to index
    %get3A_501 = arith.index_cast %get3A_499 : i32 to index
    %get3A_502 = arith.constant 80 : index
    %get3A_503 = tpu.vector_load %arg11[%get3A_500, %get3A_501, %get3A_502] {strides = array<i32>} : memref<16x2x128xf32, #tpu.memory_space<vmem>>, vector<16xf32>,
    %add3A_504 = arith.addf %add3A_490, %get3A_503 : vector<16xf32>
    %mul3A_505 = arith.constant 3.200000e+01 : f32
    %mul3A_506 = vector.broadcast %mul3A_505 : f32 to vector<16xf32>
    %mul3A_507 = arith.mulf %mul3A_506, %add3A_504 : vector<16xf32>
    %add3A_508 = arith.constant 1.000000e-10 : f32
    %add3A_509 = vector.broadcast %add3A_508 : f32 to vector<16xf32>
    %add3A_510 = arith.addf %add3A_509, %mul3A_507 : vector<16xf32>
    %div3A_511 = arith.divf %add3A_497, %add3A_510 : vector<16xf32>
    %mul3A_512 = arith.constant 1.562500e-02 : f32
    %mul3A_513 = vector.broadcast %mul3A_512 : f32 to vector<16xf32>
    %mul3A_514 = arith.mulf %div3A_511, %mul3A_513 : vector<16xf32>
    %get3A_515 = arith.constant 80 : index
    %get3A_516 = tpu.vector_load %arg12[%get3A_515] {strides = array<i32>} : memref<512xf32, #tpu.memory_space<vmem>>, vector<16xf32>,
    %sub3A_517 = arith.subf %mul3A_514, %get3A_516 : vector<16xf32>
    %swap3A_518 = arith.constant 80 : index
    %swap3A_519 = tpu.vector_load %arg13[%swap3A_518] {strides = array<i32>} : memref<512xf32, #tpu.memory_space<vmem>>, vector<16xf32>,
    tpu.vector_store %arg13[%swap3A_518], %sub3A_517 {strides = array<i32>} : memref<512xf32, #tpu.memory_space<vmem>>, vector<16xf32>,
    %get3A_520 = arith.constant 0 : i32
    %get3A_521 = arith.constant 0 : i32
    %get3A_522 = arith.index_cast %get3A_520 : i32 to index
    %get3A_523 = arith.index_cast %get3A_521 : i32 to index
    %get3A_524 = arith.constant 96 : index
    %get3A_525 = tpu.vector_load %arg11[%get3A_522, %get3A_523, %get3A_524] {strides = array<i32>} : memref<16x2x128xf32, #tpu.memory_space<vmem>>, vector<16xf32>,
    %get3A_526 = arith.constant 0 : i32
    %get3A_527 = arith.constant 1 : i32
    %get3A_528 = arith.index_cast %get3A_526 : i32 to index
    %get3A_529 = arith.index_cast %get3A_527 : i32 to index
    %get3A_530 = arith.constant 96 : index
    %get3A_531 = tpu.vector_load %arg11[%get3A_528, %get3A_529, %get3A_530] {strides = array<i32>} : memref<16x2x128xf32, #tpu.memory_space<vmem>>, vector<16xf32>,
    %get3A_532 = arith.constant 1 : i32
    %get3A_533 = arith.constant 0 : i32
    %get3A_534 = arith.index_cast %get3A_532 : i32 to index
    %get3A_535 = arith.index_cast %get3A_533 : i32 to index
    %get3A_536 = arith.constant 96 : index
    %get3A_537 = tpu.vector_load %arg11[%get3A_534, %get3A_535, %get3A_536] {strides = array<i32>} : memref<16x2x128xf32, #tpu.memory_space<vmem>>, vector<16xf32>,
    %add3A_538 = arith.addf %get3A_525, %get3A_537 : vector<16xf32>
    %get3A_539 = arith.constant 1 : i32
    %get3A_540 = arith.constant 1 : i32
    %get3A_541 = arith.index_cast %get3A_539 : i32 to index
    %get3A_542 = arith.index_cast %get3A_540 : i32 to index
    %get3A_543 = arith.constant 96 : index
    %get3A_544 = tpu.vector_load %arg11[%get3A_541, %get3A_542, %get3A_543] {strides = array<i32>} : memref<16x2x128xf32, #tpu.memory_space<vmem>>, vector<16xf32>,
    %add3A_545 = arith.addf %get3A_531, %get3A_544 : vector<16xf32>
    %get3A_546 = arith.constant 2 : i32
    %get3A_547 = arith.constant 0 : i32
    %get3A_548 = arith.index_cast %get3A_546 : i32 to index
    %get3A_549 = arith.index_cast %get3A_547 : i32 to index
    %get3A_550 = arith.constant 96 : index
    %get3A_551 = tpu.vector_load %arg11[%get3A_548, %get3A_549, %get3A_550] {strides = array<i32>} : memref<16x2x128xf32, #tpu.memory_space<vmem>>, vector<16xf32>,
    %add3A_552 = arith.addf %add3A_538, %get3A_551 : vector<16xf32>
    %get3A_553 = arith.constant 2 : i32
    %get3A_554 = arith.constant 1 : i32
    %get3A_555 = arith.index_cast %get3A_553 : i32 to index
    %get3A_556 = arith.index_cast %get3A_554 : i32 to index
    %get3A_557 = arith.constant 96 : index
    %get3A_558 = tpu.vector_load %arg11[%get3A_555, %get3A_556, %get3A_557] {strides = array<i32>} : memref<16x2x128xf32, #tpu.memory_space<vmem>>, vector<16xf32>,
    %add3A_559 = arith.addf %add3A_545, %get3A_558 : vector<16xf32>
    %get3A_560 = arith.constant 3 : i32
    %get3A_561 = arith.constant 0 : i32
    %get3A_562 = arith.index_cast %get3A_560 : i32 to index
    %get3A_563 = arith.index_cast %get3A_561 : i32 to index
    %get3A_564 = arith.constant 96 : index
    %get3A_565 = tpu.vector_load %arg11[%get3A_562, %get3A_563, %get3A_564] {strides = array<i32>} : memref<16x2x128xf32, #tpu.memory_space<vmem>>, vector<16xf32>,
    %add3A_566 = arith.addf %add3A_552, %get3A_565 : vector<16xf32>
    %get3A_567 = arith.constant 3 : i32
    %get3A_568 = arith.constant 1 : i32
    %get3A_569 = arith.index_cast %get3A_567 : i32 to index
    %get3A_570 = arith.index_cast %get3A_568 : i32 to index
    %get3A_571 = arith.constant 96 : index
    %get3A_572 = tpu.vector_load %arg11[%get3A_569, %get3A_570, %get3A_571] {strides = array<i32>} : memref<16x2x128xf32, #tpu.memory_space<vmem>>, vector<16xf32>,
    %add3A_573 = arith.addf %add3A_559, %get3A_572 : vector<16xf32>
    %mul3A_574 = arith.constant 3.200000e+01 : f32
    %mul3A_575 = vector.broadcast %mul3A_574 : f32 to vector<16xf32>
    %mul3A_576 = arith.mulf %mul3A_575, %add3A_573 : vector<16xf32>
    %add3A_577 = arith.constant 1.000000e-10 : f32
    %add3A_578 = vector.broadcast %add3A_577 : f32 to vector<16xf32>
    %add3A_579 = arith.addf %add3A_578, %mul3A_576 : vector<16xf32>
    %div3A_580 = arith.divf %add3A_566, %add3A_579 : vector<16xf32>
    %mul3A_581 = arith.constant 1.562500e-02 : f32
    %mul3A_582 = vector.broadcast %mul3A_581 : f32 to vector<16xf32>
    %mul3A_583 = arith.mulf %div3A_580, %mul3A_582 : vector<16xf32>
    %get3A_584 = arith.constant 96 : index
    %get3A_585 = tpu.vector_load %arg12[%get3A_584] {strides = array<i32>} : memref<512xf32, #tpu.memory_space<vmem>>, vector<16xf32>,
    %sub3A_586 = arith.subf %mul3A_583, %get3A_585 : vector<16xf32>
    %swap3A_587 = arith.constant 96 : index
    %swap3A_588 = tpu.vector_load %arg13[%swap3A_587] {strides = array<i32>} : memref<512xf32, #tpu.memory_space<vmem>>, vector<16xf32>,
    tpu.vector_store %arg13[%swap3A_587], %sub3A_586 {strides = array<i32>} : memref<512xf32, #tpu.memory_space<vmem>>, vector<16xf32>,
    %get3A_589 = arith.constant 0 : i32
    %get3A_590 = arith.constant 0 : i32
    %get3A_591 = arith.index_cast %get3A_589 : i32 to index
    %get3A_592 = arith.index_cast %get3A_590 : i32 to index
    %get3A_593 = arith.constant 112 : index
    %get3A_594 = tpu.vector_load %arg11[%get3A_591, %get3A_592, %get3A_593] {strides = array<i32>} : memref<16x2x128xf32, #tpu.memory_space<vmem>>, vector<16xf32>,
    %get3A_595 = arith.constant 0 : i32
    %get3A_596 = arith.constant 1 : i32
    %get3A_597 = arith.index_cast %get3A_595 : i32 to index
    %get3A_598 = arith.index_cast %get3A_596 : i32 to index
    %get3A_599 = arith.constant 112 : index
    %get3A_600 = tpu.vector_load %arg11[%get3A_597, %get3A_598, %get3A_599] {strides = array<i32>} : memref<16x2x128xf32, #tpu.memory_space<vmem>>, vector<16xf32>,
    %get3A_601 = arith.constant 1 : i32
    %get3A_602 = arith.constant 0 : i32
    %get3A_603 = arith.index_cast %get3A_601 : i32 to index
    %get3A_604 = arith.index_cast %get3A_602 : i32 to index
    %get3A_605 = arith.constant 112 : index
    %get3A_606 = tpu.vector_load %arg11[%get3A_603, %get3A_604, %get3A_605] {strides = array<i32>} : memref<16x2x128xf32, #tpu.memory_space<vmem>>, vector<16xf32>,
    %add3A_607 = arith.addf %get3A_594, %get3A_606 : vector<16xf32>
    %get3A_608 = arith.constant 1 : i32
    %get3A_609 = arith.constant 1 : i32
    %get3A_610 = arith.index_cast %get3A_608 : i32 to index
    %get3A_611 = arith.index_cast %get3A_609 : i32 to index
    %get3A_612 = arith.constant 112 : index
    %get3A_613 = tpu.vector_load %arg11[%get3A_610, %get3A_611, %get3A_612] {strides = array<i32>} : memref<16x2x128xf32, #tpu.memory_space<vmem>>, vector<16xf32>,
    %add3A_614 = arith.addf %get3A_600, %get3A_613 : vector<16xf32>
    %get3A_615 = arith.constant 2 : i32
    %get3A_616 = arith.constant 0 : i32
    %get3A_617 = arith.index_cast %get3A_615 : i32 to index
    %get3A_618 = arith.index_cast %get3A_616 : i32 to index
    %get3A_619 = arith.constant 112 : index
    %get3A_620 = tpu.vector_load %arg11[%get3A_617, %get3A_618, %get3A_619] {strides = array<i32>} : memref<16x2x128xf32, #tpu.memory_space<vmem>>, vector<16xf32>,
    %add3A_621 = arith.addf %add3A_607, %get3A_620 : vector<16xf32>
    %get3A_622 = arith.constant 2 : i32
    %get3A_623 = arith.constant 1 : i32
    %get3A_624 = arith.index_cast %get3A_622 : i32 to index
    %get3A_625 = arith.index_cast %get3A_623 : i32 to index
    %get3A_626 = arith.constant 112 : index
    %get3A_627 = tpu.vector_load %arg11[%get3A_624, %get3A_625, %get3A_626] {strides = array<i32>} : memref<16x2x128xf32, #tpu.memory_space<vmem>>, vector<16xf32>,
    %add3A_628 = arith.addf %add3A_614, %get3A_627 : vector<16xf32>
    %get3A_629 = arith.constant 3 : i32
    %get3A_630 = arith.constant 0 : i32
    %get3A_631 = arith.index_cast %get3A_629 : i32 to index
    %get3A_632 = arith.index_cast %get3A_630 : i32 to index
    %get3A_633 = arith.constant 112 : index
    %get3A_634 = tpu.vector_load %arg11[%get3A_631, %get3A_632, %get3A_633] {strides = array<i32>} : memref<16x2x128xf32, #tpu.memory_space<vmem>>, vector<16xf32>,
    %add3A_635 = arith.addf %add3A_621, %get3A_634 : vector<16xf32>
    %get3A_636 = arith.constant 3 : i32
    %get3A_637 = arith.constant 1 : i32
    %get3A_638 = arith.index_cast %get3A_636 : i32 to index
    %get3A_639 = arith.index_cast %get3A_637 : i32 to index
    %get3A_640 = arith.constant 112 : index
    %get3A_641 = tpu.vector_load %arg11[%get3A_638, %get3A_639, %get3A_640] {strides = array<i32>} : memref<16x2x128xf32, #tpu.memory_space<vmem>>, vector<16xf32>,
    %add3A_642 = arith.addf %add3A_628, %get3A_641 : vector<16xf32>
    %mul3A_643 = arith.constant 3.200000e+01 : f32
    %mul3A_644 = vector.broadcast %mul3A_643 : f32 to vector<16xf32>
    %mul3A_645 = arith.mulf %mul3A_644, %add3A_642 : vector<16xf32>
    %add3A_646 = arith.constant 1.000000e-10 : f32
    %add3A_647 = vector.broadcast %add3A_646 : f32 to vector<16xf32>
    %add3A_648 = arith.addf %add3A_647, %mul3A_645 : vector<16xf32>
    %div3A_649 = arith.divf %add3A_635, %add3A_648 : vector<16xf32>
    %mul3A_650 = arith.constant 1.562500e-02 : f32
    %mul3A_651 = vector.broadcast %mul3A_650 : f32 to vector<16xf32>
    %mul3A_652 = arith.mulf %div3A_649, %mul3A_651 : vector<16xf32>
    %get3A_653 = arith.constant 112 : index
    %get3A_654 = tpu.vector_load %arg12[%get3A_653] {strides = array<i32>} : memref<512xf32, #tpu.memory_space<vmem>>, vector<16xf32>,
    %sub3A_655 = arith.subf %mul3A_652, %get3A_654 : vector<16xf32>
    %swap3A_656 = arith.constant 112 : index
    %swap3A_657 = tpu.vector_load %arg13[%swap3A_656] {strides = array<i32>} : memref<512xf32, #tpu.memory_space<vmem>>, vector<16xf32>,
    tpu.vector_store %arg13[%swap3A_656], %sub3A_655 {strides = array<i32>} : memref<512xf32, #tpu.memory_space<vmem>>, vector<16xf32>,
    %get3A_658 = arith.constant 4 : i32
    %get3A_659 = arith.constant 0 : i32
    %get3A_660 = arith.index_cast %get3A_658 : i32 to index
    %get3A_661 = arith.index_cast %get3A_659 : i32 to index
    %get3A_662 = arith.constant 0 : index
    %get3A_663 = tpu.vector_load %arg11[%get3A_660, %get3A_661, %get3A_662] {strides = array<i32>} : memref<16x2x128xf32, #tpu.memory_space<vmem>>, vector<16xf32>,
    %get3A_664 = arith.constant 4 : i32
    %get3A_665 = arith.constant 1 : i32
    %get3A_666 = arith.index_cast %get3A_664 : i32 to index
    %get3A_667 = arith.index_cast %get3A_665 : i32 to index
    %get3A_668 = arith.constant 0 : index
    %get3A_669 = tpu.vector_load %arg11[%get3A_666, %get3A_667, %get3A_668] {strides = array<i32>} : memref<16x2x128xf32, #tpu.memory_space<vmem>>, vector<16xf32>,
    %get3A_670 = arith.constant 5 : i32
    %get3A_671 = arith.constant 0 : i32
    %get3A_672 = arith.index_cast %get3A_670 : i32 to index
    %get3A_673 = arith.index_cast %get3A_671 : i32 to index
    %get3A_674 = arith.constant 0 : index
    %get3A_675 = tpu.vector_load %arg11[%get3A_672, %get3A_673, %get3A_674] {strides = array<i32>} : memref<16x2x128xf32, #tpu.memory_space<vmem>>, vector<16xf32>,
    %add3A_676 = arith.addf %get3A_663, %get3A_675 : vector<16xf32>
    %get3A_677 = arith.constant 5 : i32
    %get3A_678 = arith.constant 1 : i32
    %get3A_679 = arith.index_cast %get3A_677 : i32 to index
    %get3A_680 = arith.index_cast %get3A_678 : i32 to index
    %get3A_681 = arith.constant 0 : index
    %get3A_682 = tpu.vector_load %arg11[%get3A_679, %get3A_680, %get3A_681] {strides = array<i32>} : memref<16x2x128xf32, #tpu.memory_space<vmem>>, vector<16xf32>,
    %add3A_683 = arith.addf %get3A_669, %get3A_682 : vector<16xf32>
    %get3A_684 = arith.constant 6 : i32
    %get3A_685 = arith.constant 0 : i32
    %get3A_686 = arith.index_cast %get3A_684 : i32 to index
    %get3A_687 = arith.index_cast %get3A_685 : i32 to index
    %get3A_688 = arith.constant 0 : index
    %get3A_689 = tpu.vector_load %arg11[%get3A_686, %get3A_687, %get3A_688] {strides = array<i32>} : memref<16x2x128xf32, #tpu.memory_space<vmem>>, vector<16xf32>,
    %add3A_690 = arith.addf %add3A_676, %get3A_689 : vector<16xf32>
    %get3A_691 = arith.constant 6 : i32
    %get3A_692 = arith.constant 1 : i32
    %get3A_693 = arith.index_cast %get3A_691 : i32 to index
    %get3A_694 = arith.index_cast %get3A_692 : i32 to index
    %get3A_695 = arith.constant 0 : index
    %get3A_696 = tpu.vector_load %arg11[%get3A_693, %get3A_694, %get3A_695] {strides = array<i32>} : memref<16x2x128xf32, #tpu.memory_space<vmem>>, vector<16xf32>,
    %add3A_697 = arith.addf %add3A_683, %get3A_696 : vector<16xf32>
    %get3A_698 = arith.constant 7 : i32
    %get3A_699 = arith.constant 0 : i32
    %get3A_700 = arith.index_cast %get3A_698 : i32 to index
    %get3A_701 = arith.index_cast %get3A_699 : i32 to index
    %get3A_702 = arith.constant 0 : index
    %get3A_703 = tpu.vector_load %arg11[%get3A_700, %get3A_701, %get3A_702] {strides = array<i32>} : memref<16x2x128xf32, #tpu.memory_space<vmem>>, vector<16xf32>,
    %add3A_704 = arith.addf %add3A_690, %get3A_703 : vector<16xf32>
    %get3A_705 = arith.constant 7 : i32
    %get3A_706 = arith.constant 1 : i32
    %get3A_707 = arith.index_cast %get3A_705 : i32 to index
    %get3A_708 = arith.index_cast %get3A_706 : i32 to index
    %get3A_709 = arith.constant 0 : index
    %get3A_710 = tpu.vector_load %arg11[%get3A_707, %get3A_708, %get3A_709] {strides = array<i32>} : memref<16x2x128xf32, #tpu.memory_space<vmem>>, vector<16xf32>,
    %add3A_711 = arith.addf %add3A_697, %get3A_710 : vector<16xf32>
    %mul3A_712 = arith.constant 3.200000e+01 : f32
    %mul3A_713 = vector.broadcast %mul3A_712 : f32 to vector<16xf32>
    %mul3A_714 = arith.mulf %mul3A_713, %add3A_711 : vector<16xf32>
    %add3A_715 = arith.constant 1.000000e-10 : f32
    %add3A_716 = vector.broadcast %add3A_715 : f32 to vector<16xf32>
    %add3A_717 = arith.addf %add3A_716, %mul3A_714 : vector<16xf32>
    %div3A_718 = arith.divf %add3A_704, %add3A_717 : vector<16xf32>
    %mul3A_719 = arith.constant 1.562500e-02 : f32
    %mul3A_720 = vector.broadcast %mul3A_719 : f32 to vector<16xf32>
    %mul3A_721 = arith.mulf %div3A_718, %mul3A_720 : vector<16xf32>
    %get3A_722 = arith.constant 128 : index
    %get3A_723 = tpu.vector_load %arg12[%get3A_722] {strides = array<i32>} : memref<512xf32, #tpu.memory_space<vmem>>, vector<16xf32>,
    %sub3A_724 = arith.subf %mul3A_721, %get3A_723 : vector<16xf32>
    %swap3A_725 = arith.constant 128 : index
    %swap3A_726 = tpu.vector_load %arg13[%swap3A_725] {strides = array<i32>} : memref<512xf32, #tpu.memory_space<vmem>>, vector<16xf32>,
    tpu.vector_store %arg13[%swap3A_725], %sub3A_724 {strides = array<i32>} : memref<512xf32, #tpu.memory_space<vmem>>, vector<16xf32>,
    %get3A_727 = arith.constant 4 : i32
    %get3A_728 = arith.constant 0 : i32
    %get3A_729 = arith.index_cast %get3A_727 : i32 to index
    %get3A_730 = arith.index_cast %get3A_728 : i32 to index
    %get3A_731 = arith.constant 16 : index
    %get3A_732 = tpu.vector_load %arg11[%get3A_729, %get3A_730, %get3A_731] {strides = array<i32>} : memref<16x2x128xf32, #tpu.memory_space<vmem>>, vector<16xf32>,
    %get3A_733 = arith.constant 4 : i32
    %get3A_734 = arith.constant 1 : i32
    %get3A_735 = arith.index_cast %get3A_733 : i32 to index
    %get3A_736 = arith.index_cast %get3A_734 : i32 to index
    %get3A_737 = arith.constant 16 : index
    %get3A_738 = tpu.vector_load %arg11[%get3A_735, %get3A_736, %get3A_737] {strides = array<i32>} : memref<16x2x128xf32, #tpu.memory_space<vmem>>, vector<16xf32>,
    %get3A_739 = arith.constant 5 : i32
    %get3A_740 = arith.constant 0 : i32
    %get3A_741 = arith.index_cast %get3A_739 : i32 to index
    %get3A_742 = arith.index_cast %get3A_740 : i32 to index
    %get3A_743 = arith.constant 16 : index
    %get3A_744 = tpu.vector_load %arg11[%get3A_741, %get3A_742, %get3A_743] {strides = array<i32>} : memref<16x2x128xf32, #tpu.memory_space<vmem>>, vector<16xf32>,
    %add3A_745 = arith.addf %get3A_732, %get3A_744 : vector<16xf32>
    %get3A_746 = arith.constant 5 : i32
    %get3A_747 = arith.constant 1 : i32
    %get3A_748 = arith.index_cast %get3A_746 : i32 to index
    %get3A_749 = arith.index_cast %get3A_747 : i32 to index
    %get3A_750 = arith.constant 16 : index
    %get3A_751 = tpu.vector_load %arg11[%get3A_748, %get3A_749, %get3A_750] {strides = array<i32>} : memref<16x2x128xf32, #tpu.memory_space<vmem>>, vector<16xf32>,
    %add3A_752 = arith.addf %get3A_738, %get3A_751 : vector<16xf32>
    %get3A_753 = arith.constant 6 : i32
    %get3A_754 = arith.constant 0 : i32
    %get3A_755 = arith.index_cast %get3A_753 : i32 to index
    %get3A_756 = arith.index_cast %get3A_754 : i32 to index
    %get3A_757 = arith.constant 16 : index
    %get3A_758 = tpu.vector_load %arg11[%get3A_755, %get3A_756, %get3A_757] {strides = array<i32>} : memref<16x2x128xf32, #tpu.memory_space<vmem>>, vector<16xf32>,
    %add3A_759 = arith.addf %add3A_745, %get3A_758 : vector<16xf32>
    %get3A_760 = arith.constant 6 : i32
    %get3A_761 = arith.constant 1 : i32
    %get3A_762 = arith.index_cast %get3A_760 : i32 to index
    %get3A_763 = arith.index_cast %get3A_761 : i32 to index
    %get3A_764 = arith.constant 16 : index
    %get3A_765 = tpu.vector_load %arg11[%get3A_762, %get3A_763, %get3A_764] {strides = array<i32>} : memref<16x2x128xf32, #tpu.memory_space<vmem>>, vector<16xf32>,
    %add3A_766 = arith.addf %add3A_752, %get3A_765 : vector<16xf32>
    %get3A_767 = arith.constant 7 : i32
    %get3A_768 = arith.constant 0 : i32
    %get3A_769 = arith.index_cast %get3A_767 : i32 to index
    %get3A_770 = arith.index_cast %get3A_768 : i32 to index
    %get3A_771 = arith.constant 16 : index
    %get3A_772 = tpu.vector_load %arg11[%get3A_769, %get3A_770, %get3A_771] {strides = array<i32>} : memref<16x2x128xf32, #tpu.memory_space<vmem>>, vector<16xf32>,
    %add3A_773 = arith.addf %add3A_759, %get3A_772 : vector<16xf32>
    %get3A_774 = arith.constant 7 : i32
    %get3A_775 = arith.constant 1 : i32
    %get3A_776 = arith.index_cast %get3A_774 : i32 to index
    %get3A_777 = arith.index_cast %get3A_775 : i32 to index
    %get3A_778 = arith.constant 16 : index
    %get3A_779 = tpu.vector_load %arg11[%get3A_776, %get3A_777, %get3A_778] {strides = array<i32>} : memref<16x2x128xf32, #tpu.memory_space<vmem>>, vector<16xf32>,
    %add3A_780 = arith.addf %add3A_766, %get3A_779 : vector<16xf32>
    %mul3A_781 = arith.constant 3.200000e+01 : f32
    %mul3A_782 = vector.broadcast %mul3A_781 : f32 to vector<16xf32>
    %mul3A_783 = arith.mulf %mul3A_782, %add3A_780 : vector<16xf32>
    %add3A_784 = arith.constant 1.000000e-10 : f32
    %add3A_785 = vector.broadcast %add3A_784 : f32 to vector<16xf32>
    %add3A_786 = arith.addf %add3A_785, %mul3A_783 : vector<16xf32>
    %div3A_787 = arith.divf %add3A_773, %add3A_786 : vector<16xf32>
    %mul3A_788 = arith.constant 1.562500e-02 : f32
    %mul3A_789 = vector.broadcast %mul3A_788 : f32 to vector<16xf32>
    %mul3A_790 = arith.mulf %div3A_787, %mul3A_789 : vector<16xf32>
    %get3A_791 = arith.constant 144 : index
    %get3A_792 = tpu.vector_load %arg12[%get3A_791] {strides = array<i32>} : memref<512xf32, #tpu.memory_space<vmem>>, vector<16xf32>,
    %sub3A_793 = arith.subf %mul3A_790, %get3A_792 : vector<16xf32>
    %swap3A_794 = arith.constant 144 : index
    %swap3A_795 = tpu.vector_load %arg13[%swap3A_794] {strides = array<i32>} : memref<512xf32, #tpu.memory_space<vmem>>, vector<16xf32>,
    tpu.vector_store %arg13[%swap3A_794], %sub3A_793 {strides = array<i32>} : memref<512xf32, #tpu.memory_space<vmem>>, vector<16xf32>,
    %get3A_796 = arith.constant 4 : i32
    %get3A_797 = arith.constant 0 : i32
    %get3A_798 = arith.index_cast %get3A_796 : i32 to index
    %get3A_799 = arith.index_cast %get3A_797 : i32 to index
    %get3A_800 = arith.constant 32 : index
    %get3A_801 = tpu.vector_load %arg11[%get3A_798, %get3A_799, %get3A_800] {strides = array<i32>} : memref<16x2x128xf32, #tpu.memory_space<vmem>>, vector<16xf32>,
    %get3A_802 = arith.constant 4 : i32
    %get3A_803 = arith.constant 1 : i32
    %get3A_804 = arith.index_cast %get3A_802 : i32 to index
    %get3A_805 = arith.index_cast %get3A_803 : i32 to index
    %get3A_806 = arith.constant 32 : index
    %get3A_807 = tpu.vector_load %arg11[%get3A_804, %get3A_805, %get3A_806] {strides = array<i32>} : memref<16x2x128xf32, #tpu.memory_space<vmem>>, vector<16xf32>,
    %get3A_808 = arith.constant 5 : i32
    %get3A_809 = arith.constant 0 : i32
    %get3A_810 = arith.index_cast %get3A_808 : i32 to index
    %get3A_811 = arith.index_cast %get3A_809 : i32 to index
    %get3A_812 = arith.constant 32 : index
    %get3A_813 = tpu.vector_load %arg11[%get3A_810, %get3A_811, %get3A_812] {strides = array<i32>} : memref<16x2x128xf32, #tpu.memory_space<vmem>>, vector<16xf32>,
    %add3A_814 = arith.addf %get3A_801, %get3A_813 : vector<16xf32>
    %get3A_815 = arith.constant 5 : i32
    %get3A_816 = arith.constant 1 : i32
    %get3A_817 = arith.index_cast %get3A_815 : i32 to index
    %get3A_818 = arith.index_cast %get3A_816 : i32 to index
    %get3A_819 = arith.constant 32 : index
    %get3A_820 = tpu.vector_load %arg11[%get3A_817, %get3A_818, %get3A_819] {strides = array<i32>} : memref<16x2x128xf32, #tpu.memory_space<vmem>>, vector<16xf32>,
    %add3A_821 = arith.addf %get3A_807, %get3A_820 : vector<16xf32>
    %get3A_822 = arith.constant 6 : i32
    %get3A_823 = arith.constant 0 : i32
    %get3A_824 = arith.index_cast %get3A_822 : i32 to index
    %get3A_825 = arith.index_cast %get3A_823 : i32 to index
    %get3A_826 = arith.constant 32 : index
    %get3A_827 = tpu.vector_load %arg11[%get3A_824, %get3A_825, %get3A_826] {strides = array<i32>} : memref<16x2x128xf32, #tpu.memory_space<vmem>>, vector<16xf32>,
    %add3A_828 = arith.addf %add3A_814, %get3A_827 : vector<16xf32>
    %get3A_829 = arith.constant 6 : i32
    %get3A_830 = arith.constant 1 : i32
    %get3A_831 = arith.index_cast %get3A_829 : i32 to index
    %get3A_832 = arith.index_cast %get3A_830 : i32 to index
    %get3A_833 = arith.constant 32 : index
    %get3A_834 = tpu.vector_load %arg11[%get3A_831, %get3A_832, %get3A_833] {strides = array<i32>} : memref<16x2x128xf32, #tpu.memory_space<vmem>>, vector<16xf32>,
    %add3A_835 = arith.addf %add3A_821, %get3A_834 : vector<16xf32>
    %get3A_836 = arith.constant 7 : i32
    %get3A_837 = arith.constant 0 : i32
    %get3A_838 = arith.index_cast %get3A_836 : i32 to index
    %get3A_839 = arith.index_cast %get3A_837 : i32 to index
    %get3A_840 = arith.constant 32 : index
    %get3A_841 = tpu.vector_load %arg11[%get3A_838, %get3A_839, %get3A_840] {strides = array<i32>} : memref<16x2x128xf32, #tpu.memory_space<vmem>>, vector<16xf32>,
    %add3A_842 = arith.addf %add3A_828, %get3A_841 : vector<16xf32>
    %get3A_843 = arith.constant 7 : i32
    %get3A_844 = arith.constant 1 : i32
    %get3A_845 = arith.index_cast %get3A_843 : i32 to index
    %get3A_846 = arith.index_cast %get3A_844 : i32 to index
    %get3A_847 = arith.constant 32 : index
    %get3A_848 = tpu.vector_load %arg11[%get3A_845, %get3A_846, %get3A_847] {strides = array<i32>} : memref<16x2x128xf32, #tpu.memory_space<vmem>>, vector<16xf32>,
    %add3A_849 = arith.addf %add3A_835, %get3A_848 : vector<16xf32>
    %mul3A_850 = arith.constant 3.200000e+01 : f32
    %mul3A_851 = vector.broadcast %mul3A_850 : f32 to vector<16xf32>
    %mul3A_852 = arith.mulf %mul3A_851, %add3A_849 : vector<16xf32>
    %add3A_853 = arith.constant 1.000000e-10 : f32
    %add3A_854 = vector.broadcast %add3A_853 : f32 to vector<16xf32>
    %add3A_855 = arith.addf %add3A_854, %mul3A_852 : vector<16xf32>
    %div3A_856 = arith.divf %add3A_842, %add3A_855 : vector<16xf32>
    %mul3A_857 = arith.constant 1.562500e-02 : f32
    %mul3A_858 = vector.broadcast %mul3A_857 : f32 to vector<16xf32>
    %mul3A_859 = arith.mulf %div3A_856, %mul3A_858 : vector<16xf32>
    %get3A_860 = arith.constant 160 : index
    %get3A_861 = tpu.vector_load %arg12[%get3A_860] {strides = array<i32>} : memref<512xf32, #tpu.memory_space<vmem>>, vector<16xf32>,
    %sub3A_862 = arith.subf %mul3A_859, %get3A_861 : vector<16xf32>
    %swap3A_863 = arith.constant 160 : index
    %swap3A_864 = tpu.vector_load %arg13[%swap3A_863] {strides = array<i32>} : memref<512xf32, #tpu.memory_space<vmem>>, vector<16xf32>,
    tpu.vector_store %arg13[%swap3A_863], %sub3A_862 {strides = array<i32>} : memref<512xf32, #tpu.memory_space<vmem>>, vector<16xf32>,
    %get3A_865 = arith.constant 4 : i32
    %get3A_866 = arith.constant 0 : i32
    %get3A_867 = arith.index_cast %get3A_865 : i32 to index
    %get3A_868 = arith.index_cast %get3A_866 : i32 to index
    %get3A_869 = arith.constant 48 : index
    %get3A_870 = tpu.vector_load %arg11[%get3A_867, %get3A_868, %get3A_869] {strides = array<i32>} : memref<16x2x128xf32, #tpu.memory_space<vmem>>, vector<16xf32>,
    %get3A_871 = arith.constant 4 : i32
    %get3A_872 = arith.constant 1 : i32
    %get3A_873 = arith.index_cast %get3A_871 : i32 to index
    %get3A_874 = arith.index_cast %get3A_872 : i32 to index
    %get3A_875 = arith.constant 48 : index
    %get3A_876 = tpu.vector_load %arg11[%get3A_873, %get3A_874, %get3A_875] {strides = array<i32>} : memref<16x2x128xf32, #tpu.memory_space<vmem>>, vector<16xf32>,
    %get3A_877 = arith.constant 5 : i32
    %get3A_878 = arith.constant 0 : i32
    %get3A_879 = arith.index_cast %get3A_877 : i32 to index
    %get3A_880 = arith.index_cast %get3A_878 : i32 to index
    %get3A_881 = arith.constant 48 : index
    %get3A_882 = tpu.vector_load %arg11[%get3A_879, %get3A_880, %get3A_881] {strides = array<i32>} : memref<16x2x128xf32, #tpu.memory_space<vmem>>, vector<16xf32>,
    %add3A_883 = arith.addf %get3A_870, %get3A_882 : vector<16xf32>
    %get3A_884 = arith.constant 5 : i32
    %get3A_885 = arith.constant 1 : i32
    %get3A_886 = arith.index_cast %get3A_884 : i32 to index
    %get3A_887 = arith.index_cast %get3A_885 : i32 to index
    %get3A_888 = arith.constant 48 : index
    %get3A_889 = tpu.vector_load %arg11[%get3A_886, %get3A_887, %get3A_888] {strides = array<i32>} : memref<16x2x128xf32, #tpu.memory_space<vmem>>, vector<16xf32>,
    %add3A_890 = arith.addf %get3A_876, %get3A_889 : vector<16xf32>
    %get3A_891 = arith.constant 6 : i32
    %get3A_892 = arith.constant 0 : i32
    %get3A_893 = arith.index_cast %get3A_891 : i32 to index
    %get3A_894 = arith.index_cast %get3A_892 : i32 to index
    %get3A_895 = arith.constant 48 : index
    %get3A_896 = tpu.vector_load %arg11[%get3A_893, %get3A_894, %get3A_895] {strides = array<i32>} : memref<16x2x128xf32, #tpu.memory_space<vmem>>, vector<16xf32>,
    %add3A_897 = arith.addf %add3A_883, %get3A_896 : vector<16xf32>
    %get3A_898 = arith.constant 6 : i32
    %get3A_899 = arith.constant 1 : i32
    %get3A_900 = arith.index_cast %get3A_898 : i32 to index
    %get3A_901 = arith.index_cast %get3A_899 : i32 to index
    %get3A_902 = arith.constant 48 : index
    %get3A_903 = tpu.vector_load %arg11[%get3A_900, %get3A_901, %get3A_902] {strides = array<i32>} : memref<16x2x128xf32, #tpu.memory_space<vmem>>, vector<16xf32>,
    %add3A_904 = arith.addf %add3A_890, %get3A_903 : vector<16xf32>
    %get3A_905 = arith.constant 7 : i32
    %get3A_906 = arith.constant 0 : i32
    %get3A_907 = arith.index_cast %get3A_905 : i32 to index
    %get3A_908 = arith.index_cast %get3A_906 : i32 to index
    %get3A_909 = arith.constant 48 : index
    %get3A_910 = tpu.vector_load %arg11[%get3A_907, %get3A_908, %get3A_909] {strides = array<i32>} : memref<16x2x128xf32, #tpu.memory_space<vmem>>, vector<16xf32>,
    %add3A_911 = arith.addf %add3A_897, %get3A_910 : vector<16xf32>
    %get3A_912 = arith.constant 7 : i32
    %get3A_913 = arith.constant 1 : i32
    %get3A_914 = arith.index_cast %get3A_912 : i32 to index
    %get3A_915 = arith.index_cast %get3A_913 : i32 to index
    %get3A_916 = arith.constant 48 : index
    %get3A_917 = tpu.vector_load %arg11[%get3A_914, %get3A_915, %get3A_916] {strides = array<i32>} : memref<16x2x128xf32, #tpu.memory_space<vmem>>, vector<16xf32>,
    %add3A_918 = arith.addf %add3A_904, %get3A_917 : vector<16xf32>
    %mul3A_919 = arith.constant 3.200000e+01 : f32
    %mul3A_920 = vector.broadcast %mul3A_919 : f32 to vector<16xf32>
    %mul3A_921 = arith.mulf %mul3A_920, %add3A_918 : vector<16xf32>
    %add3A_922 = arith.constant 1.000000e-10 : f32
    %add3A_923 = vector.broadcast %add3A_922 : f32 to vector<16xf32>
    %add3A_924 = arith.addf %add3A_923, %mul3A_921 : vector<16xf32>
    %div3A_925 = arith.divf %add3A_911, %add3A_924 : vector<16xf32>
    %mul3A_926 = arith.constant 1.562500e-02 : f32
    %mul3A_927 = vector.broadcast %mul3A_926 : f32 to vector<16xf32>
    %mul3A_928 = arith.mulf %div3A_925, %mul3A_927 : vector<16xf32>
    %get3A_929 = arith.constant 176 : index
    %get3A_930 = tpu.vector_load %arg12[%get3A_929] {strides = array<i32>} : memref<512xf32, #tpu.memory_space<vmem>>, vector<16xf32>,
    %sub3A_931 = arith.subf %mul3A_928, %get3A_930 : vector<16xf32>
    %swap3A_932 = arith.constant 176 : index
    %swap3A_933 = tpu.vector_load %arg13[%swap3A_932] {strides = array<i32>} : memref<512xf32, #tpu.memory_space<vmem>>, vector<16xf32>,
    tpu.vector_store %arg13[%swap3A_932], %sub3A_931 {strides = array<i32>} : memref<512xf32, #tpu.memory_space<vmem>>, vector<16xf32>,
    %get3A_934 = arith.constant 4 : i32
    %get3A_935 = arith.constant 0 : i32
    %get3A_936 = arith.index_cast %get3A_934 : i32 to index
    %get3A_937 = arith.index_cast %get3A_935 : i32 to index
    %get3A_938 = arith.constant 64 : index
    %get3A_939 = tpu.vector_load %arg11[%get3A_936, %get3A_937, %get3A_938] {strides = array<i32>} : memref<16x2x128xf32, #tpu.memory_space<vmem>>, vector<16xf32>,
    %get3A_940 = arith.constant 4 : i32
    %get3A_941 = arith.constant 1 : i32
    %get3A_942 = arith.index_cast %get3A_940 : i32 to index
    %get3A_943 = arith.index_cast %get3A_941 : i32 to index
    %get3A_944 = arith.constant 64 : index
    %get3A_945 = tpu.vector_load %arg11[%get3A_942, %get3A_943, %get3A_944] {strides = array<i32>} : memref<16x2x128xf32, #tpu.memory_space<vmem>>, vector<16xf32>,
    %get3A_946 = arith.constant 5 : i32
    %get3A_947 = arith.constant 0 : i32
    %get3A_948 = arith.index_cast %get3A_946 : i32 to index
    %get3A_949 = arith.index_cast %get3A_947 : i32 to index
    %get3A_950 = arith.constant 64 : index
    %get3A_951 = tpu.vector_load %arg11[%get3A_948, %get3A_949, %get3A_950] {strides = array<i32>} : memref<16x2x128xf32, #tpu.memory_space<vmem>>, vector<16xf32>,
    %add3A_952 = arith.addf %get3A_939, %get3A_951 : vector<16xf32>
    %get3A_953 = arith.constant 5 : i32
    %get3A_954 = arith.constant 1 : i32
    %get3A_955 = arith.index_cast %get3A_953 : i32 to index
    %get3A_956 = arith.index_cast %get3A_954 : i32 to index
    %get3A_957 = arith.constant 64 : index
    %get3A_958 = tpu.vector_load %arg11[%get3A_955, %get3A_956, %get3A_957] {strides = array<i32>} : memref<16x2x128xf32, #tpu.memory_space<vmem>>, vector<16xf32>,
    %add3A_959 = arith.addf %get3A_945, %get3A_958 : vector<16xf32>
    %get3A_960 = arith.constant 6 : i32
    %get3A_961 = arith.constant 0 : i32
    %get3A_962 = arith.index_cast %get3A_960 : i32 to index
    %get3A_963 = arith.index_cast %get3A_961 : i32 to index
    %get3A_964 = arith.constant 64 : index
    %get3A_965 = tpu.vector_load %arg11[%get3A_962, %get3A_963, %get3A_964] {strides = array<i32>} : memref<16x2x128xf32, #tpu.memory_space<vmem>>, vector<16xf32>,
    %add3A_966 = arith.addf %add3A_952, %get3A_965 : vector<16xf32>
    %get3A_967 = arith.constant 6 : i32
    %get3A_968 = arith.constant 1 : i32
    %get3A_969 = arith.index_cast %get3A_967 : i32 to index
    %get3A_970 = arith.index_cast %get3A_968 : i32 to index
    %get3A_971 = arith.constant 64 : index
    %get3A_972 = tpu.vector_load %arg11[%get3A_969, %get3A_970, %get3A_971] {strides = array<i32>} : memref<16x2x128xf32, #tpu.memory_space<vmem>>, vector<16xf32>,
    %add3A_973 = arith.addf %add3A_959, %get3A_972 : vector<16xf32>
    %get3A_974 = arith.constant 7 : i32
    %get3A_975 = arith.constant 0 : i32
    %get3A_976 = arith.index_cast %get3A_974 : i32 to index
    %get3A_977 = arith.index_cast %get3A_975 : i32 to index
    %get3A_978 = arith.constant 64 : index
    %get3A_979 = tpu.vector_load %arg11[%get3A_976, %get3A_977, %get3A_978] {strides = array<i32>} : memref<16x2x128xf32, #tpu.memory_space<vmem>>, vector<16xf32>,
    %add3A_980 = arith.addf %add3A_966, %get3A_979 : vector<16xf32>
    %get3A_981 = arith.constant 7 : i32
    %get3A_982 = arith.constant 1 : i32
    %get3A_983 = arith.index_cast %get3A_981 : i32 to index
    %get3A_984 = arith.index_cast %get3A_982 : i32 to index
    %get3A_985 = arith.constant 64 : index
    %get3A_986 = tpu.vector_load %arg11[%get3A_983, %get3A_984, %get3A_985] {strides = array<i32>} : memref<16x2x128xf32, #tpu.memory_space<vmem>>, vector<16xf32>,
    %add3A_987 = arith.addf %add3A_973, %get3A_986 : vector<16xf32>
    %mul3A_988 = arith.constant 3.200000e+01 : f32
    %mul3A_989 = vector.broadcast %mul3A_988 : f32 to vector<16xf32>
    %mul3A_990 = arith.mulf %mul3A_989, %add3A_987 : vector<16xf32>
    %add3A_991 = arith.constant 1.000000e-10 : f32
    %add3A_992 = vector.broadcast %add3A_991 : f32 to vector<16xf32>
    %add3A_993 = arith.addf %add3A_992, %mul3A_990 : vector<16xf32>
    %div3A_994 = arith.divf %add3A_980, %add3A_993 : vector<16xf32>
    %mul3A_995 = arith.constant 1.562500e-02 : f32
    %mul3A_996 = vector.broadcast %mul3A_995 : f32 to vector<16xf32>
    %mul3A_997 = arith.mulf %div3A_994, %mul3A_996 : vector<16xf32>
    %get3A_998 = arith.constant 192 : index
    %get3A_999 = tpu.vector_load %arg12[%get3A_998] {strides = array<i32>} : memref<512xf32, #tpu.memory_space<vmem>>, vector<16xf32>,
    %sub3A_1000 = arith.subf %mul3A_997, %get3A_999 : vector<16xf32>
    %swap3A_1001 = arith.constant 192 : index
    %swap3A_1002 = tpu.vector_load %arg13[%swap3A_1001] {strides = array<i32>} : memref<512xf32, #tpu.memory_space<vmem>>, vector<16xf32>,
    tpu.vector_store %arg13[%swap3A_1001], %sub3A_1000 {strides = array<i32>} : memref<512xf32, #tpu.memory_space<vmem>>, vector<16xf32>,
    %get3A_1003 = arith.constant 4 : i32
    %get3A_1004 = arith.constant 0 : i32
    %get3A_1005 = arith.index_cast %get3A_1003 : i32 to index
    %get3A_1006 = arith.index_cast %get3A_1004 : i32 to index
    %get3A_1007 = arith.constant 80 : index
    %get3A_1008 = tpu.vector_load %arg11[%get3A_1005, %get3A_1006, %get3A_1007] {strides = array<i32>} : memref<16x2x128xf32, #tpu.memory_space<vmem>>, vector<16xf32>,
    %get3A_1009 = arith.constant 4 : i32
    %get3A_1010 = arith.constant 1 : i32
    %get3A_1011 = arith.index_cast %get3A_1009 : i32 to index
    %get3A_1012 = arith.index_cast %get3A_1010 : i32 to index
    %get3A_1013 = arith.constant 80 : index
    %get3A_1014 = tpu.vector_load %arg11[%get3A_1011, %get3A_1012, %get3A_1013] {strides = array<i32>} : memref<16x2x128xf32, #tpu.memory_space<vmem>>, vector<16xf32>,
    %get3A_1015 = arith.constant 5 : i32
    %get3A_1016 = arith.constant 0 : i32
    %get3A_1017 = arith.index_cast %get3A_1015 : i32 to index
    %get3A_1018 = arith.index_cast %get3A_1016 : i32 to index
    %get3A_1019 = arith.constant 80 : index
    %get3A_1020 = tpu.vector_load %arg11[%get3A_1017, %get3A_1018, %get3A_1019] {strides = array<i32>} : memref<16x2x128xf32, #tpu.memory_space<vmem>>, vector<16xf32>,
    %add3A_1021 = arith.addf %get3A_1008, %get3A_1020 : vector<16xf32>
    %get3A_1022 = arith.constant 5 : i32
    %get3A_1023 = arith.constant 1 : i32
    %get3A_1024 = arith.index_cast %get3A_1022 : i32 to index
    %get3A_1025 = arith.index_cast %get3A_1023 : i32 to index
    %get3A_1026 = arith.constant 80 : index
    %get3A_1027 = tpu.vector_load %arg11[%get3A_1024, %get3A_1025, %get3A_1026] {strides = array<i32>} : memref<16x2x128xf32, #tpu.memory_space<vmem>>, vector<16xf32>,
    %add3A_1028 = arith.addf %get3A_1014, %get3A_1027 : vector<16xf32>
    %get3A_1029 = arith.constant 6 : i32
    %get3A_1030 = arith.constant 0 : i32
    %get3A_1031 = arith.index_cast %get3A_1029 : i32 to index
    %get3A_1032 = arith.index_cast %get3A_1030 : i32 to index
    %get3A_1033 = arith.constant 80 : index
    %get3A_1034 = tpu.vector_load %arg11[%get3A_1031, %get3A_1032, %get3A_1033] {strides = array<i32>} : memref<16x2x128xf32, #tpu.memory_space<vmem>>, vector<16xf32>,
    %add3A_1035 = arith.addf %add3A_1021, %get3A_1034 : vector<16xf32>
    %get3A_1036 = arith.constant 6 : i32
    %get3A_1037 = arith.constant 1 : i32
    %get3A_1038 = arith.index_cast %get3A_1036 : i32 to index
    %get3A_1039 = arith.index_cast %get3A_1037 : i32 to index
    %get3A_1040 = arith.constant 80 : index
    %get3A_1041 = tpu.vector_load %arg11[%get3A_1038, %get3A_1039, %get3A_1040] {strides = array<i32>} : memref<16x2x128xf32, #tpu.memory_space<vmem>>, vector<16xf32>,
    %add3A_1042 = arith.addf %add3A_1028, %get3A_1041 : vector<16xf32>
    %get3A_1043 = arith.constant 7 : i32
    %get3A_1044 = arith.constant 0 : i32
    %get3A_1045 = arith.index_cast %get3A_1043 : i32 to index
    %get3A_1046 = arith.index_cast %get3A_1044 : i32 to index
    %get3A_1047 = arith.constant 80 : index
    %get3A_1048 = tpu.vector_load %arg11[%get3A_1045, %get3A_1046, %get3A_1047] {strides = array<i32>} : memref<16x2x128xf32, #tpu.memory_space<vmem>>, vector<16xf32>,
    %add3A_1049 = arith.addf %add3A_1035, %get3A_1048 : vector<16xf32>
    %get3A_1050 = arith.constant 7 : i32
    %get3A_1051 = arith.constant 1 : i32
    %get3A_1052 = arith.index_cast %get3A_1050 : i32 to index
    %get3A_1053 = arith.index_cast %get3A_1051 : i32 to index
    %get3A_1054 = arith.constant 80 : index
    %get3A_1055 = tpu.vector_load %arg11[%get3A_1052, %get3A_1053, %get3A_1054] {strides = array<i32>} : memref<16x2x128xf32, #tpu.memory_space<vmem>>, vector<16xf32>,
    %add3A_1056 = arith.addf %add3A_1042, %get3A_1055 : vector<16xf32>
    %mul3A_1057 = arith.constant 3.200000e+01 : f32
    %mul3A_1058 = vector.broadcast %mul3A_1057 : f32 to vector<16xf32>
    %mul3A_1059 = arith.mulf %mul3A_1058, %add3A_1056 : vector<16xf32>
    %add3A_1060 = arith.constant 1.000000e-10 : f32
    %add3A_1061 = vector.broadcast %add3A_1060 : f32 to vector<16xf32>
    %add3A_1062 = arith.addf %add3A_1061, %mul3A_1059 : vector<16xf32>
    %div3A_1063 = arith.divf %add3A_1049, %add3A_1062 : vector<16xf32>
    %mul3A_1064 = arith.constant 1.562500e-02 : f32
    %mul3A_1065 = vector.broadcast %mul3A_1064 : f32 to vector<16xf32>
    %mul3A_1066 = arith.mulf %div3A_1063, %mul3A_1065 : vector<16xf32>
    %get3A_1067 = arith.constant 208 : index
    %get3A_1068 = tpu.vector_load %arg12[%get3A_1067] {strides = array<i32>} : memref<512xf32, #tpu.memory_space<vmem>>, vector<16xf32>,
    %sub3A_1069 = arith.subf %mul3A_1066, %get3A_1068 : vector<16xf32>
    %swap3A_1070 = arith.constant 208 : index
    %swap3A_1071 = tpu.vector_load %arg13[%swap3A_1070] {strides = array<i32>} : memref<512xf32, #tpu.memory_space<vmem>>, vector<16xf32>,
    tpu.vector_store %arg13[%swap3A_1070], %sub3A_1069 {strides = array<i32>} : memref<512xf32, #tpu.memory_space<vmem>>, vector<16xf32>,
    %get3A_1072 = arith.constant 4 : i32
    %get3A_1073 = arith.constant 0 : i32
    %get3A_1074 = arith.index_cast %get3A_1072 : i32 to index
    %get3A_1075 = arith.index_cast %get3A_1073 : i32 to index
    %get3A_1076 = arith.constant 96 : index
    %get3A_1077 = tpu.vector_load %arg11[%get3A_1074, %get3A_1075, %get3A_1076] {strides = array<i32>} : memref<16x2x128xf32, #tpu.memory_space<vmem>>, vector<16xf32>,
    %get3A_1078 = arith.constant 4 : i32
    %get3A_1079 = arith.constant 1 : i32
    %get3A_1080 = arith.index_cast %get3A_1078 : i32 to index
    %get3A_1081 = arith.index_cast %get3A_1079 : i32 to index
    %get3A_1082 = arith.constant 96 : index
    %get3A_1083 = tpu.vector_load %arg11[%get3A_1080, %get3A_1081, %get3A_1082] {strides = array<i32>} : memref<16x2x128xf32, #tpu.memory_space<vmem>>, vector<16xf32>,
    %get3A_1084 = arith.constant 5 : i32
    %get3A_1085 = arith.constant 0 : i32
    %get3A_1086 = arith.index_cast %get3A_1084 : i32 to index
    %get3A_1087 = arith.index_cast %get3A_1085 : i32 to index
    %get3A_1088 = arith.constant 96 : index
    %get3A_1089 = tpu.vector_load %arg11[%get3A_1086, %get3A_1087, %get3A_1088] {strides = array<i32>} : memref<16x2x128xf32, #tpu.memory_space<vmem>>, vector<16xf32>,
    %add3A_1090 = arith.addf %get3A_1077, %get3A_1089 : vector<16xf32>
    %get3A_1091 = arith.constant 5 : i32
    %get3A_1092 = arith.constant 1 : i32
    %get3A_1093 = arith.index_cast %get3A_1091 : i32 to index
    %get3A_1094 = arith.index_cast %get3A_1092 : i32 to index
    %get3A_1095 = arith.constant 96 : index
    %get3A_1096 = tpu.vector_load %arg11[%get3A_1093, %get3A_1094, %get3A_1095] {strides = array<i32>} : memref<16x2x128xf32, #tpu.memory_space<vmem>>, vector<16xf32>,
    %add3A_1097 = arith.addf %get3A_1083, %get3A_1096 : vector<16xf32>
    %get3A_1098 = arith.constant 6 : i32
    %get3A_1099 = arith.constant 0 : i32
    %get3A_1100 = arith.index_cast %get3A_1098 : i32 to index
    %get3A_1101 = arith.index_cast %get3A_1099 : i32 to index
    %get3A_1102 = arith.constant 96 : index
    %get3A_1103 = tpu.vector_load %arg11[%get3A_1100, %get3A_1101, %get3A_1102] {strides = array<i32>} : memref<16x2x128xf32, #tpu.memory_space<vmem>>, vector<16xf32>,
    %add3A_1104 = arith.addf %add3A_1090, %get3A_1103 : vector<16xf32>
    %get3A_1105 = arith.constant 6 : i32
    %get3A_1106 = arith.constant 1 : i32
    %get3A_1107 = arith.index_cast %get3A_1105 : i32 to index
    %get3A_1108 = arith.index_cast %get3A_1106 : i32 to index
    %get3A_1109 = arith.constant 96 : index
    %get3A_1110 = tpu.vector_load %arg11[%get3A_1107, %get3A_1108, %get3A_1109] {strides = array<i32>} : memref<16x2x128xf32, #tpu.memory_space<vmem>>, vector<16xf32>,
    %add3A_1111 = arith.addf %add3A_1097, %get3A_1110 : vector<16xf32>
    %get3A_1112 = arith.constant 7 : i32
    %get3A_1113 = arith.constant 0 : i32
    %get3A_1114 = arith.index_cast %get3A_1112 : i32 to index
    %get3A_1115 = arith.index_cast %get3A_1113 : i32 to index
    %get3A_1116 = arith.constant 96 : index
    %get3A_1117 = tpu.vector_load %arg11[%get3A_1114, %get3A_1115, %get3A_1116] {strides = array<i32>} : memref<16x2x128xf32, #tpu.memory_space<vmem>>, vector<16xf32>,
    %add3A_1118 = arith.addf %add3A_1104, %get3A_1117 : vector<16xf32>
    %get3A_1119 = arith.constant 7 : i32
    %get3A_1120 = arith.constant 1 : i32
    %get3A_1121 = arith.index_cast %get3A_1119 : i32 to index
    %get3A_1122 = arith.index_cast %get3A_1120 : i32 to index
    %get3A_1123 = arith.constant 96 : index
    %get3A_1124 = tpu.vector_load %arg11[%get3A_1121, %get3A_1122, %get3A_1123] {strides = array<i32>} : memref<16x2x128xf32, #tpu.memory_space<vmem>>, vector<16xf32>,
    %add3A_1125 = arith.addf %add3A_1111, %get3A_1124 : vector<16xf32>
    %mul3A_1126 = arith.constant 3.200000e+01 : f32
    %mul3A_1127 = vector.broadcast %mul3A_1126 : f32 to vector<16xf32>
    %mul3A_1128 = arith.mulf %mul3A_1127, %add3A_1125 : vector<16xf32>
    %add3A_1129 = arith.constant 1.000000e-10 : f32
    %add3A_1130 = vector.broadcast %add3A_1129 : f32 to vector<16xf32>
    %add3A_1131 = arith.addf %add3A_1130, %mul3A_1128 : vector<16xf32>
    %div3A_1132 = arith.divf %add3A_1118, %add3A_1131 : vector<16xf32>
    %mul3A_1133 = arith.constant 1.562500e-02 : f32
    %mul3A_1134 = vector.broadcast %mul3A_1133 : f32 to vector<16xf32>
    %mul3A_1135 = arith.mulf %div3A_1132, %mul3A_1134 : vector<16xf32>
    %get3A_1136 = arith.constant 224 : index
    %get3A_1137 = tpu.vector_load %arg12[%get3A_1136] {strides = array<i32>} : memref<512xf32, #tpu.memory_space<vmem>>, vector<16xf32>,
    %sub3A_1138 = arith.subf %mul3A_1135, %get3A_1137 : vector<16xf32>
    %swap3A_1139 = arith.constant 224 : index
    %swap3A_1140 = tpu.vector_load %arg13[%swap3A_1139] {strides = array<i32>} : memref<512xf32, #tpu.memory_space<vmem>>, vector<16xf32>,
    tpu.vector_store %arg13[%swap3A_1139], %sub3A_1138 {strides = array<i32>} : memref<512xf32, #tpu.memory_space<vmem>>, vector<16xf32>,
    %get3A_1141 = arith.constant 4 : i32
    %get3A_1142 = arith.constant 0 : i32
    %get3A_1143 = arith.index_cast %get3A_1141 : i32 to index
    %get3A_1144 = arith.index_cast %get3A_1142 : i32 to index
    %get3A_1145 = arith.constant 112 : index
    %get3A_1146 = tpu.vector_load %arg11[%get3A_1143, %get3A_1144, %get3A_1145] {strides = array<i32>} : memref<16x2x128xf32, #tpu.memory_space<vmem>>, vector<16xf32>,
    %get3A_1147 = arith.constant 4 : i32
    %get3A_1148 = arith.constant 1 : i32
    %get3A_1149 = arith.index_cast %get3A_1147 : i32 to index
    %get3A_1150 = arith.index_cast %get3A_1148 : i32 to index
    %get3A_1151 = arith.constant 112 : index
    %get3A_1152 = tpu.vector_load %arg11[%get3A_1149, %get3A_1150, %get3A_1151] {strides = array<i32>} : memref<16x2x128xf32, #tpu.memory_space<vmem>>, vector<16xf32>,
    %get3A_1153 = arith.constant 5 : i32
    %get3A_1154 = arith.constant 0 : i32
    %get3A_1155 = arith.index_cast %get3A_1153 : i32 to index
    %get3A_1156 = arith.index_cast %get3A_1154 : i32 to index
    %get3A_1157 = arith.constant 112 : index
    %get3A_1158 = tpu.vector_load %arg11[%get3A_1155, %get3A_1156, %get3A_1157] {strides = array<i32>} : memref<16x2x128xf32, #tpu.memory_space<vmem>>, vector<16xf32>,
    %add3A_1159 = arith.addf %get3A_1146, %get3A_1158 : vector<16xf32>
    %get3A_1160 = arith.constant 5 : i32
    %get3A_1161 = arith.constant 1 : i32
    %get3A_1162 = arith.index_cast %get3A_1160 : i32 to index
    %get3A_1163 = arith.index_cast %get3A_1161 : i32 to index
    %get3A_1164 = arith.constant 112 : index
    %get3A_1165 = tpu.vector_load %arg11[%get3A_1162, %get3A_1163, %get3A_1164] {strides = array<i32>} : memref<16x2x128xf32, #tpu.memory_space<vmem>>, vector<16xf32>,
    %add3A_1166 = arith.addf %get3A_1152, %get3A_1165 : vector<16xf32>
    %get3A_1167 = arith.constant 6 : i32
    %get3A_1168 = arith.constant 0 : i32
    %get3A_1169 = arith.index_cast %get3A_1167 : i32 to index
    %get3A_1170 = arith.index_cast %get3A_1168 : i32 to index
    %get3A_1171 = arith.constant 112 : index
    %get3A_1172 = tpu.vector_load %arg11[%get3A_1169, %get3A_1170, %get3A_1171] {strides = array<i32>} : memref<16x2x128xf32, #tpu.memory_space<vmem>>, vector<16xf32>,
    %add3A_1173 = arith.addf %add3A_1159, %get3A_1172 : vector<16xf32>
    %get3A_1174 = arith.constant 6 : i32
    %get3A_1175 = arith.constant 1 : i32
    %get3A_1176 = arith.index_cast %get3A_1174 : i32 to index
    %get3A_1177 = arith.index_cast %get3A_1175 : i32 to index
    %get3A_1178 = arith.constant 112 : index
    %get3A_1179 = tpu.vector_load %arg11[%get3A_1176, %get3A_1177, %get3A_1178] {strides = array<i32>} : memref<16x2x128xf32, #tpu.memory_space<vmem>>, vector<16xf32>,
    %add3A_1180 = arith.addf %add3A_1166, %get3A_1179 : vector<16xf32>
    %get3A_1181 = arith.constant 7 : i32
    %get3A_1182 = arith.constant 0 : i32
    %get3A_1183 = arith.index_cast %get3A_1181 : i32 to index
    %get3A_1184 = arith.index_cast %get3A_1182 : i32 to index
    %get3A_1185 = arith.constant 112 : index
    %get3A_1186 = tpu.vector_load %arg11[%get3A_1183, %get3A_1184, %get3A_1185] {strides = array<i32>} : memref<16x2x128xf32, #tpu.memory_space<vmem>>, vector<16xf32>,
    %add3A_1187 = arith.addf %add3A_1173, %get3A_1186 : vector<16xf32>
    %get3A_1188 = arith.constant 7 : i32
    %get3A_1189 = arith.constant 1 : i32
    %get3A_1190 = arith.index_cast %get3A_1188 : i32 to index
    %get3A_1191 = arith.index_cast %get3A_1189 : i32 to index
    %get3A_1192 = arith.constant 112 : index
    %get3A_1193 = tpu.vector_load %arg11[%get3A_1190, %get3A_1191, %get3A_1192] {strides = array<i32>} : memref<16x2x128xf32, #tpu.memory_space<vmem>>, vector<16xf32>,
    %add3A_1194 = arith.addf %add3A_1180, %get3A_1193 : vector<16xf32>
    %mul3A_1195 = arith.constant 3.200000e+01 : f32
    %mul3A_1196 = vector.broadcast %mul3A_1195 : f32 to vector<16xf32>
    %mul3A_1197 = arith.mulf %mul3A_1196, %add3A_1194 : vector<16xf32>
    %add3A_1198 = arith.constant 1.000000e-10 : f32
    %add3A_1199 = vector.broadcast %add3A_1198 : f32 to vector<16xf32>
    %add3A_1200 = arith.addf %add3A_1199, %mul3A_1197 : vector<16xf32>
    %div3A_1201 = arith.divf %add3A_1187, %add3A_1200 : vector<16xf32>
    %mul3A_1202 = arith.constant 1.562500e-02 : f32
    %mul3A_1203 = vector.broadcast %mul3A_1202 : f32 to vector<16xf32>
    %mul3A_1204 = arith.mulf %div3A_1201, %mul3A_1203 : vector<16xf32>
    %get3A_1205 = arith.constant 240 : index
    %get3A_1206 = tpu.vector_load %arg12[%get3A_1205] {strides = array<i32>} : memref<512xf32, #tpu.memory_space<vmem>>, vector<16xf32>,
    %sub3A_1207 = arith.subf %mul3A_1204, %get3A_1206 : vector<16xf32>
    %swap3A_1208 = arith.constant 240 : index
    %swap3A_1209 = tpu.vector_load %arg13[%swap3A_1208] {strides = array<i32>} : memref<512xf32, #tpu.memory_space<vmem>>, vector<16xf32>,
    tpu.vector_store %arg13[%swap3A_1208], %sub3A_1207 {strides = array<i32>} : memref<512xf32, #tpu.memory_space<vmem>>, vector<16xf32>,
    %get3A_1210 = arith.constant 8 : i32
    %get3A_1211 = arith.constant 0 : i32
    %get3A_1212 = arith.index_cast %get3A_1210 : i32 to index
    %get3A_1213 = arith.index_cast %get3A_1211 : i32 to index
    %get3A_1214 = arith.constant 0 : index
    %get3A_1215 = tpu.vector_load %arg11[%get3A_1212, %get3A_1213, %get3A_1214] {strides = array<i32>} : memref<16x2x128xf32, #tpu.memory_space<vmem>>, vector<16xf32>,
    %get3A_1216 = arith.constant 8 : i32
    %get3A_1217 = arith.constant 1 : i32
    %get3A_1218 = arith.index_cast %get3A_1216 : i32 to index
    %get3A_1219 = arith.index_cast %get3A_1217 : i32 to index
    %get3A_1220 = arith.constant 0 : index
    %get3A_1221 = tpu.vector_load %arg11[%get3A_1218, %get3A_1219, %get3A_1220] {strides = array<i32>} : memref<16x2x128xf32, #tpu.memory_space<vmem>>, vector<16xf32>,
    %get3A_1222 = arith.constant 9 : i32
    %get3A_1223 = arith.constant 0 : i32
    %get3A_1224 = arith.index_cast %get3A_1222 : i32 to index
    %get3A_1225 = arith.index_cast %get3A_1223 : i32 to index
    %get3A_1226 = arith.constant 0 : index
    %get3A_1227 = tpu.vector_load %arg11[%get3A_1224, %get3A_1225, %get3A_1226] {strides = array<i32>} : memref<16x2x128xf32, #tpu.memory_space<vmem>>, vector<16xf32>,
    %add3A_1228 = arith.addf %get3A_1215, %get3A_1227 : vector<16xf32>
    %get3A_1229 = arith.constant 9 : i32
    %get3A_1230 = arith.constant 1 : i32
    %get3A_1231 = arith.index_cast %get3A_1229 : i32 to index
    %get3A_1232 = arith.index_cast %get3A_1230 : i32 to index
    %get3A_1233 = arith.constant 0 : index
    %get3A_1234 = tpu.vector_load %arg11[%get3A_1231, %get3A_1232, %get3A_1233] {strides = array<i32>} : memref<16x2x128xf32, #tpu.memory_space<vmem>>, vector<16xf32>,
    %add3A_1235 = arith.addf %get3A_1221, %get3A_1234 : vector<16xf32>
    %get3A_1236 = arith.constant 10 : i32
    %get3A_1237 = arith.constant 0 : i32
    %get3A_1238 = arith.index_cast %get3A_1236 : i32 to index
    %get3A_1239 = arith.index_cast %get3A_1237 : i32 to index
    %get3A_1240 = arith.constant 0 : index
    %get3A_1241 = tpu.vector_load %arg11[%get3A_1238, %get3A_1239, %get3A_1240] {strides = array<i32>} : memref<16x2x128xf32, #tpu.memory_space<vmem>>, vector<16xf32>,
    %add3A_1242 = arith.addf %add3A_1228, %get3A_1241 : vector<16xf32>
    %get3A_1243 = arith.constant 10 : i32
    %get3A_1244 = arith.constant 1 : i32
    %get3A_1245 = arith.index_cast %get3A_1243 : i32 to index
    %get3A_1246 = arith.index_cast %get3A_1244 : i32 to index
    %get3A_1247 = arith.constant 0 : index
    %get3A_1248 = tpu.vector_load %arg11[%get3A_1245, %get3A_1246, %get3A_1247] {strides = array<i32>} : memref<16x2x128xf32, #tpu.memory_space<vmem>>, vector<16xf32>,
    %add3A_1249 = arith.addf %add3A_1235, %get3A_1248 : vector<16xf32>
    %get3A_1250 = arith.constant 11 : i32
    %get3A_1251 = arith.constant 0 : i32
    %get3A_1252 = arith.index_cast %get3A_1250 : i32 to index
    %get3A_1253 = arith.index_cast %get3A_1251 : i32 to index
    %get3A_1254 = arith.constant 0 : index
    %get3A_1255 = tpu.vector_load %arg11[%get3A_1252, %get3A_1253, %get3A_1254] {strides = array<i32>} : memref<16x2x128xf32, #tpu.memory_space<vmem>>, vector<16xf32>,
    %add3A_1256 = arith.addf %add3A_1242, %get3A_1255 : vector<16xf32>
    %get3A_1257 = arith.constant 11 : i32
    %get3A_1258 = arith.constant 1 : i32
    %get3A_1259 = arith.index_cast %get3A_1257 : i32 to index
    %get3A_1260 = arith.index_cast %get3A_1258 : i32 to index
    %get3A_1261 = arith.constant 0 : index
    %get3A_1262 = tpu.vector_load %arg11[%get3A_1259, %get3A_1260, %get3A_1261] {strides = array<i32>} : memref<16x2x128xf32, #tpu.memory_space<vmem>>, vector<16xf32>,
    %add3A_1263 = arith.addf %add3A_1249, %get3A_1262 : vector<16xf32>
    %mul3A_1264 = arith.constant 3.200000e+01 : f32
    %mul3A_1265 = vector.broadcast %mul3A_1264 : f32 to vector<16xf32>
    %mul3A_1266 = arith.mulf %mul3A_1265, %add3A_1263 : vector<16xf32>
    %add3A_1267 = arith.constant 1.000000e-10 : f32
    %add3A_1268 = vector.broadcast %add3A_1267 : f32 to vector<16xf32>
    %add3A_1269 = arith.addf %add3A_1268, %mul3A_1266 : vector<16xf32>
    %div3A_1270 = arith.divf %add3A_1256, %add3A_1269 : vector<16xf32>
    %mul3A_1271 = arith.constant 1.562500e-02 : f32
    %mul3A_1272 = vector.broadcast %mul3A_1271 : f32 to vector<16xf32>
    %mul3A_1273 = arith.mulf %div3A_1270, %mul3A_1272 : vector<16xf32>
    %get3A_1274 = arith.constant 256 : index
    %get3A_1275 = tpu.vector_load %arg12[%get3A_1274] {strides = array<i32>} : memref<512xf32, #tpu.memory_space<vmem>>, vector<16xf32>,
    %sub3A_1276 = arith.subf %mul3A_1273, %get3A_1275 : vector<16xf32>
    %swap3A_1277 = arith.constant 256 : index
    %swap3A_1278 = tpu.vector_load %arg13[%swap3A_1277] {strides = array<i32>} : memref<512xf32, #tpu.memory_space<vmem>>, vector<16xf32>,
    tpu.vector_store %arg13[%swap3A_1277], %sub3A_1276 {strides = array<i32>} : memref<512xf32, #tpu.memory_space<vmem>>, vector<16xf32>,
    %get3A_1279 = arith.constant 8 : i32
    %get3A_1280 = arith.constant 0 : i32
    %get3A_1281 = arith.index_cast %get3A_1279 : i32 to index
    %get3A_1282 = arith.index_cast %get3A_1280 : i32 to index
    %get3A_1283 = arith.constant 16 : index
    %get3A_1284 = tpu.vector_load %arg11[%get3A_1281, %get3A_1282, %get3A_1283] {strides = array<i32>} : memref<16x2x128xf32, #tpu.memory_space<vmem>>, vector<16xf32>,
    %get3A_1285 = arith.constant 8 : i32
    %get3A_1286 = arith.constant 1 : i32
    %get3A_1287 = arith.index_cast %get3A_1285 : i32 to index
    %get3A_1288 = arith.index_cast %get3A_1286 : i32 to index
    %get3A_1289 = arith.constant 16 : index
    %get3A_1290 = tpu.vector_load %arg11[%get3A_1287, %get3A_1288, %get3A_1289] {strides = array<i32>} : memref<16x2x128xf32, #tpu.memory_space<vmem>>, vector<16xf32>,
    %get3A_1291 = arith.constant 9 : i32
    %get3A_1292 = arith.constant 0 : i32
    %get3A_1293 = arith.index_cast %get3A_1291 : i32 to index
    %get3A_1294 = arith.index_cast %get3A_1292 : i32 to index
    %get3A_1295 = arith.constant 16 : index
    %get3A_1296 = tpu.vector_load %arg11[%get3A_1293, %get3A_1294, %get3A_1295] {strides = array<i32>} : memref<16x2x128xf32, #tpu.memory_space<vmem>>, vector<16xf32>,
    %add3A_1297 = arith.addf %get3A_1284, %get3A_1296 : vector<16xf32>
    %get3A_1298 = arith.constant 9 : i32
    %get3A_1299 = arith.constant 1 : i32
    %get3A_1300 = arith.index_cast %get3A_1298 : i32 to index
    %get3A_1301 = arith.index_cast %get3A_1299 : i32 to index
    %get3A_1302 = arith.constant 16 : index
    %get3A_1303 = tpu.vector_load %arg11[%get3A_1300, %get3A_1301, %get3A_1302] {strides = array<i32>} : memref<16x2x128xf32, #tpu.memory_space<vmem>>, vector<16xf32>,
    %add3A_1304 = arith.addf %get3A_1290, %get3A_1303 : vector<16xf32>
    %get3A_1305 = arith.constant 10 : i32
    %get3A_1306 = arith.constant 0 : i32
    %get3A_1307 = arith.index_cast %get3A_1305 : i32 to index
    %get3A_1308 = arith.index_cast %get3A_1306 : i32 to index
    %get3A_1309 = arith.constant 16 : index
    %get3A_1310 = tpu.vector_load %arg11[%get3A_1307, %get3A_1308, %get3A_1309] {strides = array<i32>} : memref<16x2x128xf32, #tpu.memory_space<vmem>>, vector<16xf32>,
    %add3A_1311 = arith.addf %add3A_1297, %get3A_1310 : vector<16xf32>
    %get3A_1312 = arith.constant 10 : i32
    %get3A_1313 = arith.constant 1 : i32
    %get3A_1314 = arith.index_cast %get3A_1312 : i32 to index
    %get3A_1315 = arith.index_cast %get3A_1313 : i32 to index
    %get3A_1316 = arith.constant 16 : index
    %get3A_1317 = tpu.vector_load %arg11[%get3A_1314, %get3A_1315, %get3A_1316] {strides = array<i32>} : memref<16x2x128xf32, #tpu.memory_space<vmem>>, vector<16xf32>,
    %add3A_1318 = arith.addf %add3A_1304, %get3A_1317 : vector<16xf32>
    %get3A_1319 = arith.constant 11 : i32
    %get3A_1320 = arith.constant 0 : i32
    %get3A_1321 = arith.index_cast %get3A_1319 : i32 to index
    %get3A_1322 = arith.index_cast %get3A_1320 : i32 to index
    %get3A_1323 = arith.constant 16 : index
    %get3A_1324 = tpu.vector_load %arg11[%get3A_1321, %get3A_1322, %get3A_1323] {strides = array<i32>} : memref<16x2x128xf32, #tpu.memory_space<vmem>>, vector<16xf32>,
    %add3A_1325 = arith.addf %add3A_1311, %get3A_1324 : vector<16xf32>
    %get3A_1326 = arith.constant 11 : i32
    %get3A_1327 = arith.constant 1 : i32
    %get3A_1328 = arith.index_cast %get3A_1326 : i32 to index
    %get3A_1329 = arith.index_cast %get3A_1327 : i32 to index
    %get3A_1330 = arith.constant 16 : index
    %get3A_1331 = tpu.vector_load %arg11[%get3A_1328, %get3A_1329, %get3A_1330] {strides = array<i32>} : memref<16x2x128xf32, #tpu.memory_space<vmem>>, vector<16xf32>,
    %add3A_1332 = arith.addf %add3A_1318, %get3A_1331 : vector<16xf32>
    %mul3A_1333 = arith.constant 3.200000e+01 : f32
    %mul3A_1334 = vector.broadcast %mul3A_1333 : f32 to vector<16xf32>
    %mul3A_1335 = arith.mulf %mul3A_1334, %add3A_1332 : vector<16xf32>
    %add3A_1336 = arith.constant 1.000000e-10 : f32
    %add3A_1337 = vector.broadcast %add3A_1336 : f32 to vector<16xf32>
    %add3A_1338 = arith.addf %add3A_1337, %mul3A_1335 : vector<16xf32>
    %div3A_1339 = arith.divf %add3A_1325, %add3A_1338 : vector<16xf32>
    %mul3A_1340 = arith.constant 1.562500e-02 : f32
    %mul3A_1341 = vector.broadcast %mul3A_1340 : f32 to vector<16xf32>
    %mul3A_1342 = arith.mulf %div3A_1339, %mul3A_1341 : vector<16xf32>
    %get3A_1343 = arith.constant 272 : index
    %get3A_1344 = tpu.vector_load %arg12[%get3A_1343] {strides = array<i32>} : memref<512xf32, #tpu.memory_space<vmem>>, vector<16xf32>,
    %sub3A_1345 = arith.subf %mul3A_1342, %get3A_1344 : vector<16xf32>
    %swap3A_1346 = arith.constant 272 : index
    %swap3A_1347 = tpu.vector_load %arg13[%swap3A_1346] {strides = array<i32>} : memref<512xf32, #tpu.memory_space<vmem>>, vector<16xf32>,
    tpu.vector_store %arg13[%swap3A_1346], %sub3A_1345 {strides = array<i32>} : memref<512xf32, #tpu.memory_space<vmem>>, vector<16xf32>,
    %get3A_1348 = arith.constant 8 : i32
    %get3A_1349 = arith.constant 0 : i32
    %get3A_1350 = arith.index_cast %get3A_1348 : i32 to index
    %get3A_1351 = arith.index_cast %get3A_1349 : i32 to index
    %get3A_1352 = arith.constant 32 : index
    %get3A_1353 = tpu.vector_load %arg11[%get3A_1350, %get3A_1351, %get3A_1352] {strides = array<i32>} : memref<16x2x128xf32, #tpu.memory_space<vmem>>, vector<16xf32>,
    %get3A_1354 = arith.constant 8 : i32
    %get3A_1355 = arith.constant 1 : i32
    %get3A_1356 = arith.index_cast %get3A_1354 : i32 to index
    %get3A_1357 = arith.index_cast %get3A_1355 : i32 to index
    %get3A_1358 = arith.constant 32 : index
    %get3A_1359 = tpu.vector_load %arg11[%get3A_1356, %get3A_1357, %get3A_1358] {strides = array<i32>} : memref<16x2x128xf32, #tpu.memory_space<vmem>>, vector<16xf32>,
    %get3A_1360 = arith.constant 9 : i32
    %get3A_1361 = arith.constant 0 : i32
    %get3A_1362 = arith.index_cast %get3A_1360 : i32 to index
    %get3A_1363 = arith.index_cast %get3A_1361 : i32 to index
    %get3A_1364 = arith.constant 32 : index
    %get3A_1365 = tpu.vector_load %arg11[%get3A_1362, %get3A_1363, %get3A_1364] {strides = array<i32>} : memref<16x2x128xf32, #tpu.memory_space<vmem>>, vector<16xf32>,
    %add3A_1366 = arith.addf %get3A_1353, %get3A_1365 : vector<16xf32>
    %get3A_1367 = arith.constant 9 : i32
    %get3A_1368 = arith.constant 1 : i32
    %get3A_1369 = arith.index_cast %get3A_1367 : i32 to index
    %get3A_1370 = arith.index_cast %get3A_1368 : i32 to index
    %get3A_1371 = arith.constant 32 : index
    %get3A_1372 = tpu.vector_load %arg11[%get3A_1369, %get3A_1370, %get3A_1371] {strides = array<i32>} : memref<16x2x128xf32, #tpu.memory_space<vmem>>, vector<16xf32>,
    %add3A_1373 = arith.addf %get3A_1359, %get3A_1372 : vector<16xf32>
    %get3A_1374 = arith.constant 10 : i32
    %get3A_1375 = arith.constant 0 : i32
    %get3A_1376 = arith.index_cast %get3A_1374 : i32 to index
    %get3A_1377 = arith.index_cast %get3A_1375 : i32 to index
    %get3A_1378 = arith.constant 32 : index
    %get3A_1379 = tpu.vector_load %arg11[%get3A_1376, %get3A_1377, %get3A_1378] {strides = array<i32>} : memref<16x2x128xf32, #tpu.memory_space<vmem>>, vector<16xf32>,
    %add3A_1380 = arith.addf %add3A_1366, %get3A_1379 : vector<16xf32>
    %get3A_1381 = arith.constant 10 : i32
    %get3A_1382 = arith.constant 1 : i32
    %get3A_1383 = arith.index_cast %get3A_1381 : i32 to index
    %get3A_1384 = arith.index_cast %get3A_1382 : i32 to index
    %get3A_1385 = arith.constant 32 : index
    %get3A_1386 = tpu.vector_load %arg11[%get3A_1383, %get3A_1384, %get3A_1385] {strides = array<i32>} : memref<16x2x128xf32, #tpu.memory_space<vmem>>, vector<16xf32>,
    %add3A_1387 = arith.addf %add3A_1373, %get3A_1386 : vector<16xf32>
    %get3A_1388 = arith.constant 11 : i32
    %get3A_1389 = arith.constant 0 : i32
    %get3A_1390 = arith.index_cast %get3A_1388 : i32 to index
    %get3A_1391 = arith.index_cast %get3A_1389 : i32 to index
    %get3A_1392 = arith.constant 32 : index
    %get3A_1393 = tpu.vector_load %arg11[%get3A_1390, %get3A_1391, %get3A_1392] {strides = array<i32>} : memref<16x2x128xf32, #tpu.memory_space<vmem>>, vector<16xf32>,
    %add3A_1394 = arith.addf %add3A_1380, %get3A_1393 : vector<16xf32>
    %get3A_1395 = arith.constant 11 : i32
    %get3A_1396 = arith.constant 1 : i32
    %get3A_1397 = arith.index_cast %get3A_1395 : i32 to index
    %get3A_1398 = arith.index_cast %get3A_1396 : i32 to index
    %get3A_1399 = arith.constant 32 : index
    %get3A_1400 = tpu.vector_load %arg11[%get3A_1397, %get3A_1398, %get3A_1399] {strides = array<i32>} : memref<16x2x128xf32, #tpu.memory_space<vmem>>, vector<16xf32>,
    %add3A_1401 = arith.addf %add3A_1387, %get3A_1400 : vector<16xf32>
    %mul3A_1402 = arith.constant 3.200000e+01 : f32
    %mul3A_1403 = vector.broadcast %mul3A_1402 : f32 to vector<16xf32>
    %mul3A_1404 = arith.mulf %mul3A_1403, %add3A_1401 : vector<16xf32>
    %add3A_1405 = arith.constant 1.000000e-10 : f32
    %add3A_1406 = vector.broadcast %add3A_1405 : f32 to vector<16xf32>
    %add3A_1407 = arith.addf %add3A_1406, %mul3A_1404 : vector<16xf32>
    %div3A_1408 = arith.divf %add3A_1394, %add3A_1407 : vector<16xf32>
    %mul3A_1409 = arith.constant 1.562500e-02 : f32
    %mul3A_1410 = vector.broadcast %mul3A_1409 : f32 to vector<16xf32>
    %mul3A_1411 = arith.mulf %div3A_1408, %mul3A_1410 : vector<16xf32>
    %get3A_1412 = arith.constant 288 : index
    %get3A_1413 = tpu.vector_load %arg12[%get3A_1412] {strides = array<i32>} : memref<512xf32, #tpu.memory_space<vmem>>, vector<16xf32>,
    %sub3A_1414 = arith.subf %mul3A_1411, %get3A_1413 : vector<16xf32>
    %swap3A_1415 = arith.constant 288 : index
    %swap3A_1416 = tpu.vector_load %arg13[%swap3A_1415] {strides = array<i32>} : memref<512xf32, #tpu.memory_space<vmem>>, vector<16xf32>,
    tpu.vector_store %arg13[%swap3A_1415], %sub3A_1414 {strides = array<i32>} : memref<512xf32, #tpu.memory_space<vmem>>, vector<16xf32>,
    %get3A_1417 = arith.constant 8 : i32
    %get3A_1418 = arith.constant 0 : i32
    %get3A_1419 = arith.index_cast %get3A_1417 : i32 to index
    %get3A_1420 = arith.index_cast %get3A_1418 : i32 to index
    %get3A_1421 = arith.constant 48 : index
    %get3A_1422 = tpu.vector_load %arg11[%get3A_1419, %get3A_1420, %get3A_1421] {strides = array<i32>} : memref<16x2x128xf32, #tpu.memory_space<vmem>>, vector<16xf32>,
    %get3A_1423 = arith.constant 8 : i32
    %get3A_1424 = arith.constant 1 : i32
    %get3A_1425 = arith.index_cast %get3A_1423 : i32 to index
    %get3A_1426 = arith.index_cast %get3A_1424 : i32 to index
    %get3A_1427 = arith.constant 48 : index
    %get3A_1428 = tpu.vector_load %arg11[%get3A_1425, %get3A_1426, %get3A_1427] {strides = array<i32>} : memref<16x2x128xf32, #tpu.memory_space<vmem>>, vector<16xf32>,
    %get3A_1429 = arith.constant 9 : i32
    %get3A_1430 = arith.constant 0 : i32
    %get3A_1431 = arith.index_cast %get3A_1429 : i32 to index
    %get3A_1432 = arith.index_cast %get3A_1430 : i32 to index
    %get3A_1433 = arith.constant 48 : index
    %get3A_1434 = tpu.vector_load %arg11[%get3A_1431, %get3A_1432, %get3A_1433] {strides = array<i32>} : memref<16x2x128xf32, #tpu.memory_space<vmem>>, vector<16xf32>,
    %add3A_1435 = arith.addf %get3A_1422, %get3A_1434 : vector<16xf32>
    %get3A_1436 = arith.constant 9 : i32
    %get3A_1437 = arith.constant 1 : i32
    %get3A_1438 = arith.index_cast %get3A_1436 : i32 to index
    %get3A_1439 = arith.index_cast %get3A_1437 : i32 to index
    %get3A_1440 = arith.constant 48 : index
    %get3A_1441 = tpu.vector_load %arg11[%get3A_1438, %get3A_1439, %get3A_1440] {strides = array<i32>} : memref<16x2x128xf32, #tpu.memory_space<vmem>>, vector<16xf32>,
    %add3A_1442 = arith.addf %get3A_1428, %get3A_1441 : vector<16xf32>
    %get3A_1443 = arith.constant 10 : i32
    %get3A_1444 = arith.constant 0 : i32
    %get3A_1445 = arith.index_cast %get3A_1443 : i32 to index
    %get3A_1446 = arith.index_cast %get3A_1444 : i32 to index
    %get3A_1447 = arith.constant 48 : index
    %get3A_1448 = tpu.vector_load %arg11[%get3A_1445, %get3A_1446, %get3A_1447] {strides = array<i32>} : memref<16x2x128xf32, #tpu.memory_space<vmem>>, vector<16xf32>,
    %add3A_1449 = arith.addf %add3A_1435, %get3A_1448 : vector<16xf32>
    %get3A_1450 = arith.constant 10 : i32
    %get3A_1451 = arith.constant 1 : i32
    %get3A_1452 = arith.index_cast %get3A_1450 : i32 to index
    %get3A_1453 = arith.index_cast %get3A_1451 : i32 to index
    %get3A_1454 = arith.constant 48 : index
    %get3A_1455 = tpu.vector_load %arg11[%get3A_1452, %get3A_1453, %get3A_1454] {strides = array<i32>} : memref<16x2x128xf32, #tpu.memory_space<vmem>>, vector<16xf32>,
    %add3A_1456 = arith.addf %add3A_1442, %get3A_1455 : vector<16xf32>
    %get3A_1457 = arith.constant 11 : i32
    %get3A_1458 = arith.constant 0 : i32
    %get3A_1459 = arith.index_cast %get3A_1457 : i32 to index
    %get3A_1460 = arith.index_cast %get3A_1458 : i32 to index
    %get3A_1461 = arith.constant 48 : index
    %get3A_1462 = tpu.vector_load %arg11[%get3A_1459, %get3A_1460, %get3A_1461] {strides = array<i32>} : memref<16x2x128xf32, #tpu.memory_space<vmem>>, vector<16xf32>,
    %add3A_1463 = arith.addf %add3A_1449, %get3A_1462 : vector<16xf32>
    %get3A_1464 = arith.constant 11 : i32
    %get3A_1465 = arith.constant 1 : i32
    %get3A_1466 = arith.index_cast %get3A_1464 : i32 to index
    %get3A_1467 = arith.index_cast %get3A_1465 : i32 to index
    %get3A_1468 = arith.constant 48 : index
    %get3A_1469 = tpu.vector_load %arg11[%get3A_1466, %get3A_1467, %get3A_1468] {strides = array<i32>} : memref<16x2x128xf32, #tpu.memory_space<vmem>>, vector<16xf32>,
    %add3A_1470 = arith.addf %add3A_1456, %get3A_1469 : vector<16xf32>
    %mul3A_1471 = arith.constant 3.200000e+01 : f32
    %mul3A_1472 = vector.broadcast %mul3A_1471 : f32 to vector<16xf32>
    %mul3A_1473 = arith.mulf %mul3A_1472, %add3A_1470 : vector<16xf32>
    %add3A_1474 = arith.constant 1.000000e-10 : f32
    %add3A_1475 = vector.broadcast %add3A_1474 : f32 to vector<16xf32>
    %add3A_1476 = arith.addf %add3A_1475, %mul3A_1473 : vector<16xf32>
    %div3A_1477 = arith.divf %add3A_1463, %add3A_1476 : vector<16xf32>
    %mul3A_1478 = arith.constant 1.562500e-02 : f32
    %mul3A_1479 = vector.broadcast %mul3A_1478 : f32 to vector<16xf32>
    %mul3A_1480 = arith.mulf %div3A_1477, %mul3A_1479 : vector<16xf32>
    %get3A_1481 = arith.constant 304 : index
    %get3A_1482 = tpu.vector_load %arg12[%get3A_1481] {strides = array<i32>} : memref<512xf32, #tpu.memory_space<vmem>>, vector<16xf32>,
    %sub3A_1483 = arith.subf %mul3A_1480, %get3A_1482 : vector<16xf32>
    %swap3A_1484 = arith.constant 304 : index
    %swap3A_1485 = tpu.vector_load %arg13[%swap3A_1484] {strides = array<i32>} : memref<512xf32, #tpu.memory_space<vmem>>, vector<16xf32>,
    tpu.vector_store %arg13[%swap3A_1484], %sub3A_1483 {strides = array<i32>} : memref<512xf32, #tpu.memory_space<vmem>>, vector<16xf32>,
    %get3A_1486 = arith.constant 8 : i32
    %get3A_1487 = arith.constant 0 : i32
    %get3A_1488 = arith.index_cast %get3A_1486 : i32 to index
    %get3A_1489 = arith.index_cast %get3A_1487 : i32 to index
    %get3A_1490 = arith.constant 64 : index
    %get3A_1491 = tpu.vector_load %arg11[%get3A_1488, %get3A_1489, %get3A_1490] {strides = array<i32>} : memref<16x2x128xf32, #tpu.memory_space<vmem>>, vector<16xf32>,
    %get3A_1492 = arith.constant 8 : i32
    %get3A_1493 = arith.constant 1 : i32
    %get3A_1494 = arith.index_cast %get3A_1492 : i32 to index
    %get3A_1495 = arith.index_cast %get3A_1493 : i32 to index
    %get3A_1496 = arith.constant 64 : index
    %get3A_1497 = tpu.vector_load %arg11[%get3A_1494, %get3A_1495, %get3A_1496] {strides = array<i32>} : memref<16x2x128xf32, #tpu.memory_space<vmem>>, vector<16xf32>,
    %get3A_1498 = arith.constant 9 : i32
    %get3A_1499 = arith.constant 0 : i32
    %get3A_1500 = arith.index_cast %get3A_1498 : i32 to index
    %get3A_1501 = arith.index_cast %get3A_1499 : i32 to index
    %get3A_1502 = arith.constant 64 : index
    %get3A_1503 = tpu.vector_load %arg11[%get3A_1500, %get3A_1501, %get3A_1502] {strides = array<i32>} : memref<16x2x128xf32, #tpu.memory_space<vmem>>, vector<16xf32>,
    %add3A_1504 = arith.addf %get3A_1491, %get3A_1503 : vector<16xf32>
    %get3A_1505 = arith.constant 9 : i32
    %get3A_1506 = arith.constant 1 : i32
    %get3A_1507 = arith.index_cast %get3A_1505 : i32 to index
    %get3A_1508 = arith.index_cast %get3A_1506 : i32 to index
    %get3A_1509 = arith.constant 64 : index
    %get3A_1510 = tpu.vector_load %arg11[%get3A_1507, %get3A_1508, %get3A_1509] {strides = array<i32>} : memref<16x2x128xf32, #tpu.memory_space<vmem>>, vector<16xf32>,
    %add3A_1511 = arith.addf %get3A_1497, %get3A_1510 : vector<16xf32>
    %get3A_1512 = arith.constant 10 : i32
    %get3A_1513 = arith.constant 0 : i32
    %get3A_1514 = arith.index_cast %get3A_1512 : i32 to index
    %get3A_1515 = arith.index_cast %get3A_1513 : i32 to index
    %get3A_1516 = arith.constant 64 : index
    %get3A_1517 = tpu.vector_load %arg11[%get3A_1514, %get3A_1515, %get3A_1516] {strides = array<i32>} : memref<16x2x128xf32, #tpu.memory_space<vmem>>, vector<16xf32>,
    %add3A_1518 = arith.addf %add3A_1504, %get3A_1517 : vector<16xf32>
    %get3A_1519 = arith.constant 10 : i32
    %get3A_1520 = arith.constant 1 : i32
    %get3A_1521 = arith.index_cast %get3A_1519 : i32 to index
    %get3A_1522 = arith.index_cast %get3A_1520 : i32 to index
    %get3A_1523 = arith.constant 64 : index
    %get3A_1524 = tpu.vector_load %arg11[%get3A_1521, %get3A_1522, %get3A_1523] {strides = array<i32>} : memref<16x2x128xf32, #tpu.memory_space<vmem>>, vector<16xf32>,
    %add3A_1525 = arith.addf %add3A_1511, %get3A_1524 : vector<16xf32>
    %get3A_1526 = arith.constant 11 : i32
    %get3A_1527 = arith.constant 0 : i32
    %get3A_1528 = arith.index_cast %get3A_1526 : i32 to index
    %get3A_1529 = arith.index_cast %get3A_1527 : i32 to index
    %get3A_1530 = arith.constant 64 : index
    %get3A_1531 = tpu.vector_load %arg11[%get3A_1528, %get3A_1529, %get3A_1530] {strides = array<i32>} : memref<16x2x128xf32, #tpu.memory_space<vmem>>, vector<16xf32>,
    %add3A_1532 = arith.addf %add3A_1518, %get3A_1531 : vector<16xf32>
    %get3A_1533 = arith.constant 11 : i32
    %get3A_1534 = arith.constant 1 : i32
    %get3A_1535 = arith.index_cast %get3A_1533 : i32 to index
    %get3A_1536 = arith.index_cast %get3A_1534 : i32 to index
    %get3A_1537 = arith.constant 64 : index
    %get3A_1538 = tpu.vector_load %arg11[%get3A_1535, %get3A_1536, %get3A_1537] {strides = array<i32>} : memref<16x2x128xf32, #tpu.memory_space<vmem>>, vector<16xf32>,
    %add3A_1539 = arith.addf %add3A_1525, %get3A_1538 : vector<16xf32>
    %mul3A_1540 = arith.constant 3.200000e+01 : f32
    %mul3A_1541 = vector.broadcast %mul3A_1540 : f32 to vector<16xf32>
    %mul3A_1542 = arith.mulf %mul3A_1541, %add3A_1539 : vector<16xf32>
    %add3A_1543 = arith.constant 1.000000e-10 : f32
    %add3A_1544 = vector.broadcast %add3A_1543 : f32 to vector<16xf32>
    %add3A_1545 = arith.addf %add3A_1544, %mul3A_1542 : vector<16xf32>
    %div3A_1546 = arith.divf %add3A_1532, %add3A_1545 : vector<16xf32>
    %mul3A_1547 = arith.constant 1.562500e-02 : f32
    %mul3A_1548 = vector.broadcast %mul3A_1547 : f32 to vector<16xf32>
    %mul3A_1549 = arith.mulf %div3A_1546, %mul3A_1548 : vector<16xf32>
    %get3A_1550 = arith.constant 320 : index
    %get3A_1551 = tpu.vector_load %arg12[%get3A_1550] {strides = array<i32>} : memref<512xf32, #tpu.memory_space<vmem>>, vector<16xf32>,
    %sub3A_1552 = arith.subf %mul3A_1549, %get3A_1551 : vector<16xf32>
    %swap3A_1553 = arith.constant 320 : index
    %swap3A_1554 = tpu.vector_load %arg13[%swap3A_1553] {strides = array<i32>} : memref<512xf32, #tpu.memory_space<vmem>>, vector<16xf32>,
    tpu.vector_store %arg13[%swap3A_1553], %sub3A_1552 {strides = array<i32>} : memref<512xf32, #tpu.memory_space<vmem>>, vector<16xf32>,
    %get3A_1555 = arith.constant 8 : i32
    %get3A_1556 = arith.constant 0 : i32
    %get3A_1557 = arith.index_cast %get3A_1555 : i32 to index
    %get3A_1558 = arith.index_cast %get3A_1556 : i32 to index
    %get3A_1559 = arith.constant 80 : index
    %get3A_1560 = tpu.vector_load %arg11[%get3A_1557, %get3A_1558, %get3A_1559] {strides = array<i32>} : memref<16x2x128xf32, #tpu.memory_space<vmem>>, vector<16xf32>,
    %get3A_1561 = arith.constant 8 : i32
    %get3A_1562 = arith.constant 1 : i32
    %get3A_1563 = arith.index_cast %get3A_1561 : i32 to index
    %get3A_1564 = arith.index_cast %get3A_1562 : i32 to index
    %get3A_1565 = arith.constant 80 : index
    %get3A_1566 = tpu.vector_load %arg11[%get3A_1563, %get3A_1564, %get3A_1565] {strides = array<i32>} : memref<16x2x128xf32, #tpu.memory_space<vmem>>, vector<16xf32>,
    %get3A_1567 = arith.constant 9 : i32
    %get3A_1568 = arith.constant 0 : i32
    %get3A_1569 = arith.index_cast %get3A_1567 : i32 to index
    %get3A_1570 = arith.index_cast %get3A_1568 : i32 to index
    %get3A_1571 = arith.constant 80 : index
    %get3A_1572 = tpu.vector_load %arg11[%get3A_1569, %get3A_1570, %get3A_1571] {strides = array<i32>} : memref<16x2x128xf32, #tpu.memory_space<vmem>>, vector<16xf32>,
    %add3A_1573 = arith.addf %get3A_1560, %get3A_1572 : vector<16xf32>
    %get3A_1574 = arith.constant 9 : i32
    %get3A_1575 = arith.constant 1 : i32
    %get3A_1576 = arith.index_cast %get3A_1574 : i32 to index
    %get3A_1577 = arith.index_cast %get3A_1575 : i32 to index
    %get3A_1578 = arith.constant 80 : index
    %get3A_1579 = tpu.vector_load %arg11[%get3A_1576, %get3A_1577, %get3A_1578] {strides = array<i32>} : memref<16x2x128xf32, #tpu.memory_space<vmem>>, vector<16xf32>,
    %add3A_1580 = arith.addf %get3A_1566, %get3A_1579 : vector<16xf32>
    %get3A_1581 = arith.constant 10 : i32
    %get3A_1582 = arith.constant 0 : i32
    %get3A_1583 = arith.index_cast %get3A_1581 : i32 to index
    %get3A_1584 = arith.index_cast %get3A_1582 : i32 to index
    %get3A_1585 = arith.constant 80 : index
    %get3A_1586 = tpu.vector_load %arg11[%get3A_1583, %get3A_1584, %get3A_1585] {strides = array<i32>} : memref<16x2x128xf32, #tpu.memory_space<vmem>>, vector<16xf32>,
    %add3A_1587 = arith.addf %add3A_1573, %get3A_1586 : vector<16xf32>
    %get3A_1588 = arith.constant 10 : i32
    %get3A_1589 = arith.constant 1 : i32
    %get3A_1590 = arith.index_cast %get3A_1588 : i32 to index
    %get3A_1591 = arith.index_cast %get3A_1589 : i32 to index
    %get3A_1592 = arith.constant 80 : index
    %get3A_1593 = tpu.vector_load %arg11[%get3A_1590, %get3A_1591, %get3A_1592] {strides = array<i32>} : memref<16x2x128xf32, #tpu.memory_space<vmem>>, vector<16xf32>,
    %add3A_1594 = arith.addf %add3A_1580, %get3A_1593 : vector<16xf32>
    %get3A_1595 = arith.constant 11 : i32
    %get3A_1596 = arith.constant 0 : i32
    %get3A_1597 = arith.index_cast %get3A_1595 : i32 to index
    %get3A_1598 = arith.index_cast %get3A_1596 : i32 to index
    %get3A_1599 = arith.constant 80 : index
    %get3A_1600 = tpu.vector_load %arg11[%get3A_1597, %get3A_1598, %get3A_1599] {strides = array<i32>} : memref<16x2x128xf32, #tpu.memory_space<vmem>>, vector<16xf32>,
    %add3A_1601 = arith.addf %add3A_1587, %get3A_1600 : vector<16xf32>
    %get3A_1602 = arith.constant 11 : i32
    %get3A_1603 = arith.constant 1 : i32
    %get3A_1604 = arith.index_cast %get3A_1602 : i32 to index
    %get3A_1605 = arith.index_cast %get3A_1603 : i32 to index
    %get3A_1606 = arith.constant 80 : index
    %get3A_1607 = tpu.vector_load %arg11[%get3A_1604, %get3A_1605, %get3A_1606] {strides = array<i32>} : memref<16x2x128xf32, #tpu.memory_space<vmem>>, vector<16xf32>,
    %add3A_1608 = arith.addf %add3A_1594, %get3A_1607 : vector<16xf32>
    %mul3A_1609 = arith.constant 3.200000e+01 : f32
    %mul3A_1610 = vector.broadcast %mul3A_1609 : f32 to vector<16xf32>
    %mul3A_1611 = arith.mulf %mul3A_1610, %add3A_1608 : vector<16xf32>
    %add3A_1612 = arith.constant 1.000000e-10 : f32
    %add3A_1613 = vector.broadcast %add3A_1612 : f32 to vector<16xf32>
    %add3A_1614 = arith.addf %add3A_1613, %mul3A_1611 : vector<16xf32>
    %div3A_1615 = arith.divf %add3A_1601, %add3A_1614 : vector<16xf32>
    %mul3A_1616 = arith.constant 1.562500e-02 : f32
    %mul3A_1617 = vector.broadcast %mul3A_1616 : f32 to vector<16xf32>
    %mul3A_1618 = arith.mulf %div3A_1615, %mul3A_1617 : vector<16xf32>
    %get3A_1619 = arith.constant 336 : index
    %get3A_1620 = tpu.vector_load %arg12[%get3A_1619] {strides = array<i32>} : memref<512xf32, #tpu.memory_space<vmem>>, vector<16xf32>,
    %sub3A_1621 = arith.subf %mul3A_1618, %get3A_1620 : vector<16xf32>
    %swap3A_1622 = arith.constant 336 : index
    %swap3A_1623 = tpu.vector_load %arg13[%swap3A_1622] {strides = array<i32>} : memref<512xf32, #tpu.memory_space<vmem>>, vector<16xf32>,
    tpu.vector_store %arg13[%swap3A_1622], %sub3A_1621 {strides = array<i32>} : memref<512xf32, #tpu.memory_space<vmem>>, vector<16xf32>,
    %get3A_1624 = arith.constant 8 : i32
    %get3A_1625 = arith.constant 0 : i32
    %get3A_1626 = arith.index_cast %get3A_1624 : i32 to index
    %get3A_1627 = arith.index_cast %get3A_1625 : i32 to index
    %get3A_1628 = arith.constant 96 : index
    %get3A_1629 = tpu.vector_load %arg11[%get3A_1626, %get3A_1627, %get3A_1628] {strides = array<i32>} : memref<16x2x128xf32, #tpu.memory_space<vmem>>, vector<16xf32>,
    %get3A_1630 = arith.constant 8 : i32
    %get3A_1631 = arith.constant 1 : i32
    %get3A_1632 = arith.index_cast %get3A_1630 : i32 to index
    %get3A_1633 = arith.index_cast %get3A_1631 : i32 to index
    %get3A_1634 = arith.constant 96 : index
    %get3A_1635 = tpu.vector_load %arg11[%get3A_1632, %get3A_1633, %get3A_1634] {strides = array<i32>} : memref<16x2x128xf32, #tpu.memory_space<vmem>>, vector<16xf32>,
    %get3A_1636 = arith.constant 9 : i32
    %get3A_1637 = arith.constant 0 : i32
    %get3A_1638 = arith.index_cast %get3A_1636 : i32 to index
    %get3A_1639 = arith.index_cast %get3A_1637 : i32 to index
    %get3A_1640 = arith.constant 96 : index
    %get3A_1641 = tpu.vector_load %arg11[%get3A_1638, %get3A_1639, %get3A_1640] {strides = array<i32>} : memref<16x2x128xf32, #tpu.memory_space<vmem>>, vector<16xf32>,
    %add3A_1642 = arith.addf %get3A_1629, %get3A_1641 : vector<16xf32>
    %get3A_1643 = arith.constant 9 : i32
    %get3A_1644 = arith.constant 1 : i32
    %get3A_1645 = arith.index_cast %get3A_1643 : i32 to index
    %get3A_1646 = arith.index_cast %get3A_1644 : i32 to index
    %get3A_1647 = arith.constant 96 : index
    %get3A_1648 = tpu.vector_load %arg11[%get3A_1645, %get3A_1646, %get3A_1647] {strides = array<i32>} : memref<16x2x128xf32, #tpu.memory_space<vmem>>, vector<16xf32>,
    %add3A_1649 = arith.addf %get3A_1635, %get3A_1648 : vector<16xf32>
    %get3A_1650 = arith.constant 10 : i32
    %get3A_1651 = arith.constant 0 : i32
    %get3A_1652 = arith.index_cast %get3A_1650 : i32 to index
    %get3A_1653 = arith.index_cast %get3A_1651 : i32 to index
    %get3A_1654 = arith.constant 96 : index
    %get3A_1655 = tpu.vector_load %arg11[%get3A_1652, %get3A_1653, %get3A_1654] {strides = array<i32>} : memref<16x2x128xf32, #tpu.memory_space<vmem>>, vector<16xf32>,
    %add3A_1656 = arith.addf %add3A_1642, %get3A_1655 : vector<16xf32>
    %get3A_1657 = arith.constant 10 : i32
    %get3A_1658 = arith.constant 1 : i32
    %get3A_1659 = arith.index_cast %get3A_1657 : i32 to index
    %get3A_1660 = arith.index_cast %get3A_1658 : i32 to index
    %get3A_1661 = arith.constant 96 : index
    %get3A_1662 = tpu.vector_load %arg11[%get3A_1659, %get3A_1660, %get3A_1661] {strides = array<i32>} : memref<16x2x128xf32, #tpu.memory_space<vmem>>, vector<16xf32>,
    %add3A_1663 = arith.addf %add3A_1649, %get3A_1662 : vector<16xf32>
    %get3A_1664 = arith.constant 11 : i32
    %get3A_1665 = arith.constant 0 : i32
    %get3A_1666 = arith.index_cast %get3A_1664 : i32 to index
    %get3A_1667 = arith.index_cast %get3A_1665 : i32 to index
    %get3A_1668 = arith.constant 96 : index
    %get3A_1669 = tpu.vector_load %arg11[%get3A_1666, %get3A_1667, %get3A_1668] {strides = array<i32>} : memref<16x2x128xf32, #tpu.memory_space<vmem>>, vector<16xf32>,
    %add3A_1670 = arith.addf %add3A_1656, %get3A_1669 : vector<16xf32>
    %get3A_1671 = arith.constant 11 : i32
    %get3A_1672 = arith.constant 1 : i32
    %get3A_1673 = arith.index_cast %get3A_1671 : i32 to index
    %get3A_1674 = arith.index_cast %get3A_1672 : i32 to index
    %get3A_1675 = arith.constant 96 : index
    %get3A_1676 = tpu.vector_load %arg11[%get3A_1673, %get3A_1674, %get3A_1675] {strides = array<i32>} : memref<16x2x128xf32, #tpu.memory_space<vmem>>, vector<16xf32>,
    %add3A_1677 = arith.addf %add3A_1663, %get3A_1676 : vector<16xf32>
    %mul3A_1678 = arith.constant 3.200000e+01 : f32
    %mul3A_1679 = vector.broadcast %mul3A_1678 : f32 to vector<16xf32>
    %mul3A_1680 = arith.mulf %mul3A_1679, %add3A_1677 : vector<16xf32>
    %add3A_1681 = arith.constant 1.000000e-10 : f32
    %add3A_1682 = vector.broadcast %add3A_1681 : f32 to vector<16xf32>
    %add3A_1683 = arith.addf %add3A_1682, %mul3A_1680 : vector<16xf32>
    %div3A_1684 = arith.divf %add3A_1670, %add3A_1683 : vector<16xf32>
    %mul3A_1685 = arith.constant 1.562500e-02 : f32
    %mul3A_1686 = vector.broadcast %mul3A_1685 : f32 to vector<16xf32>
    %mul3A_1687 = arith.mulf %div3A_1684, %mul3A_1686 : vector<16xf32>
    %get3A_1688 = arith.constant 352 : index
    %get3A_1689 = tpu.vector_load %arg12[%get3A_1688] {strides = array<i32>} : memref<512xf32, #tpu.memory_space<vmem>>, vector<16xf32>,
    %sub3A_1690 = arith.subf %mul3A_1687, %get3A_1689 : vector<16xf32>
    %swap3A_1691 = arith.constant 352 : index
    %swap3A_1692 = tpu.vector_load %arg13[%swap3A_1691] {strides = array<i32>} : memref<512xf32, #tpu.memory_space<vmem>>, vector<16xf32>,
    tpu.vector_store %arg13[%swap3A_1691], %sub3A_1690 {strides = array<i32>} : memref<512xf32, #tpu.memory_space<vmem>>, vector<16xf32>,
    %get3A_1693 = arith.constant 8 : i32
    %get3A_1694 = arith.constant 0 : i32
    %get3A_1695 = arith.index_cast %get3A_1693 : i32 to index
    %get3A_1696 = arith.index_cast %get3A_1694 : i32 to index
    %get3A_1697 = arith.constant 112 : index
    %get3A_1698 = tpu.vector_load %arg11[%get3A_1695, %get3A_1696, %get3A_1697] {strides = array<i32>} : memref<16x2x128xf32, #tpu.memory_space<vmem>>, vector<16xf32>,
    %get3A_1699 = arith.constant 8 : i32
    %get3A_1700 = arith.constant 1 : i32
    %get3A_1701 = arith.index_cast %get3A_1699 : i32 to index
    %get3A_1702 = arith.index_cast %get3A_1700 : i32 to index
    %get3A_1703 = arith.constant 112 : index
    %get3A_1704 = tpu.vector_load %arg11[%get3A_1701, %get3A_1702, %get3A_1703] {strides = array<i32>} : memref<16x2x128xf32, #tpu.memory_space<vmem>>, vector<16xf32>,
    %get3A_1705 = arith.constant 9 : i32
    %get3A_1706 = arith.constant 0 : i32
    %get3A_1707 = arith.index_cast %get3A_1705 : i32 to index
    %get3A_1708 = arith.index_cast %get3A_1706 : i32 to index
    %get3A_1709 = arith.constant 112 : index
    %get3A_1710 = tpu.vector_load %arg11[%get3A_1707, %get3A_1708, %get3A_1709] {strides = array<i32>} : memref<16x2x128xf32, #tpu.memory_space<vmem>>, vector<16xf32>,
    %add3A_1711 = arith.addf %get3A_1698, %get3A_1710 : vector<16xf32>
    %get3A_1712 = arith.constant 9 : i32
    %get3A_1713 = arith.constant 1 : i32
    %get3A_1714 = arith.index_cast %get3A_1712 : i32 to index
    %get3A_1715 = arith.index_cast %get3A_1713 : i32 to index
    %get3A_1716 = arith.constant 112 : index
    %get3A_1717 = tpu.vector_load %arg11[%get3A_1714, %get3A_1715, %get3A_1716] {strides = array<i32>} : memref<16x2x128xf32, #tpu.memory_space<vmem>>, vector<16xf32>,
    %add3A_1718 = arith.addf %get3A_1704, %get3A_1717 : vector<16xf32>
    %get3A_1719 = arith.constant 10 : i32
    %get3A_1720 = arith.constant 0 : i32
    %get3A_1721 = arith.index_cast %get3A_1719 : i32 to index
    %get3A_1722 = arith.index_cast %get3A_1720 : i32 to index
    %get3A_1723 = arith.constant 112 : index
    %get3A_1724 = tpu.vector_load %arg11[%get3A_1721, %get3A_1722, %get3A_1723] {strides = array<i32>} : memref<16x2x128xf32, #tpu.memory_space<vmem>>, vector<16xf32>,
    %add3A_1725 = arith.addf %add3A_1711, %get3A_1724 : vector<16xf32>
    %get3A_1726 = arith.constant 10 : i32
    %get3A_1727 = arith.constant 1 : i32
    %get3A_1728 = arith.index_cast %get3A_1726 : i32 to index
    %get3A_1729 = arith.index_cast %get3A_1727 : i32 to index
    %get3A_1730 = arith.constant 112 : index
    %get3A_1731 = tpu.vector_load %arg11[%get3A_1728, %get3A_1729, %get3A_1730] {strides = array<i32>} : memref<16x2x128xf32, #tpu.memory_space<vmem>>, vector<16xf32>,
    %add3A_1732 = arith.addf %add3A_1718, %get3A_1731 : vector<16xf32>
    %get3A_1733 = arith.constant 11 : i32
    %get3A_1734 = arith.constant 0 : i32
    %get3A_1735 = arith.index_cast %get3A_1733 : i32 to index
    %get3A_1736 = arith.index_cast %get3A_1734 : i32 to index
    %get3A_1737 = arith.constant 112 : index
    %get3A_1738 = tpu.vector_load %arg11[%get3A_1735, %get3A_1736, %get3A_1737] {strides = array<i32>} : memref<16x2x128xf32, #tpu.memory_space<vmem>>, vector<16xf32>,
    %add3A_1739 = arith.addf %add3A_1725, %get3A_1738 : vector<16xf32>
    %get3A_1740 = arith.constant 11 : i32
    %get3A_1741 = arith.constant 1 : i32
    %get3A_1742 = arith.index_cast %get3A_1740 : i32 to index
    %get3A_1743 = arith.index_cast %get3A_1741 : i32 to index
    %get3A_1744 = arith.constant 112 : index
    %get3A_1745 = tpu.vector_load %arg11[%get3A_1742, %get3A_1743, %get3A_1744] {strides = array<i32>} : memref<16x2x128xf32, #tpu.memory_space<vmem>>, vector<16xf32>,
    %add3A_1746 = arith.addf %add3A_1732, %get3A_1745 : vector<16xf32>
    %mul3A_1747 = arith.constant 3.200000e+01 : f32
    %mul3A_1748 = vector.broadcast %mul3A_1747 : f32 to vector<16xf32>
    %mul3A_1749 = arith.mulf %mul3A_1748, %add3A_1746 : vector<16xf32>
    %add3A_1750 = arith.constant 1.000000e-10 : f32
    %add3A_1751 = vector.broadcast %add3A_1750 : f32 to vector<16xf32>
    %add3A_1752 = arith.addf %add3A_1751, %mul3A_1749 : vector<16xf32>
    %div3A_1753 = arith.divf %add3A_1739, %add3A_1752 : vector<16xf32>
    %mul3A_1754 = arith.constant 1.562500e-02 : f32
    %mul3A_1755 = vector.broadcast %mul3A_1754 : f32 to vector<16xf32>
    %mul3A_1756 = arith.mulf %div3A_1753, %mul3A_1755 : vector<16xf32>
    %get3A_1757 = arith.constant 368 : index
    %get3A_1758 = tpu.vector_load %arg12[%get3A_1757] {strides = array<i32>} : memref<512xf32, #tpu.memory_space<vmem>>, vector<16xf32>,
    %sub3A_1759 = arith.subf %mul3A_1756, %get3A_1758 : vector<16xf32>
    %swap3A_1760 = arith.constant 368 : index
    %swap3A_1761 = tpu.vector_load %arg13[%swap3A_1760] {strides = array<i32>} : memref<512xf32, #tpu.memory_space<vmem>>, vector<16xf32>,
    tpu.vector_store %arg13[%swap3A_1760], %sub3A_1759 {strides = array<i32>} : memref<512xf32, #tpu.memory_space<vmem>>, vector<16xf32>,
    %get3A_1762 = arith.constant 12 : i32
    %get3A_1763 = arith.constant 0 : i32
    %get3A_1764 = arith.index_cast %get3A_1762 : i32 to index
    %get3A_1765 = arith.index_cast %get3A_1763 : i32 to index
    %get3A_1766 = arith.constant 0 : index
    %get3A_1767 = tpu.vector_load %arg11[%get3A_1764, %get3A_1765, %get3A_1766] {strides = array<i32>} : memref<16x2x128xf32, #tpu.memory_space<vmem>>, vector<16xf32>,
    %get3A_1768 = arith.constant 12 : i32
    %get3A_1769 = arith.constant 1 : i32
    %get3A_1770 = arith.index_cast %get3A_1768 : i32 to index
    %get3A_1771 = arith.index_cast %get3A_1769 : i32 to index
    %get3A_1772 = arith.constant 0 : index
    %get3A_1773 = tpu.vector_load %arg11[%get3A_1770, %get3A_1771, %get3A_1772] {strides = array<i32>} : memref<16x2x128xf32, #tpu.memory_space<vmem>>, vector<16xf32>,
    %get3A_1774 = arith.constant 13 : i32
    %get3A_1775 = arith.constant 0 : i32
    %get3A_1776 = arith.index_cast %get3A_1774 : i32 to index
    %get3A_1777 = arith.index_cast %get3A_1775 : i32 to index
    %get3A_1778 = arith.constant 0 : index
    %get3A_1779 = tpu.vector_load %arg11[%get3A_1776, %get3A_1777, %get3A_1778] {strides = array<i32>} : memref<16x2x128xf32, #tpu.memory_space<vmem>>, vector<16xf32>,
    %add3A_1780 = arith.addf %get3A_1767, %get3A_1779 : vector<16xf32>
    %get3A_1781 = arith.constant 13 : i32
    %get3A_1782 = arith.constant 1 : i32
    %get3A_1783 = arith.index_cast %get3A_1781 : i32 to index
    %get3A_1784 = arith.index_cast %get3A_1782 : i32 to index
    %get3A_1785 = arith.constant 0 : index
    %get3A_1786 = tpu.vector_load %arg11[%get3A_1783, %get3A_1784, %get3A_1785] {strides = array<i32>} : memref<16x2x128xf32, #tpu.memory_space<vmem>>, vector<16xf32>,
    %add3A_1787 = arith.addf %get3A_1773, %get3A_1786 : vector<16xf32>
    %get3A_1788 = arith.constant 14 : i32
    %get3A_1789 = arith.constant 0 : i32
    %get3A_1790 = arith.index_cast %get3A_1788 : i32 to index
    %get3A_1791 = arith.index_cast %get3A_1789 : i32 to index
    %get3A_1792 = arith.constant 0 : index
    %get3A_1793 = tpu.vector_load %arg11[%get3A_1790, %get3A_1791, %get3A_1792] {strides = array<i32>} : memref<16x2x128xf32, #tpu.memory_space<vmem>>, vector<16xf32>,
    %add3A_1794 = arith.addf %add3A_1780, %get3A_1793 : vector<16xf32>
    %get3A_1795 = arith.constant 14 : i32
    %get3A_1796 = arith.constant 1 : i32
    %get3A_1797 = arith.index_cast %get3A_1795 : i32 to index
    %get3A_1798 = arith.index_cast %get3A_1796 : i32 to index
    %get3A_1799 = arith.constant 0 : index
    %get3A_1800 = tpu.vector_load %arg11[%get3A_1797, %get3A_1798, %get3A_1799] {strides = array<i32>} : memref<16x2x128xf32, #tpu.memory_space<vmem>>, vector<16xf32>,
    %add3A_1801 = arith.addf %add3A_1787, %get3A_1800 : vector<16xf32>
    %get3A_1802 = arith.constant 15 : i32
    %get3A_1803 = arith.constant 0 : i32
    %get3A_1804 = arith.index_cast %get3A_1802 : i32 to index
    %get3A_1805 = arith.index_cast %get3A_1803 : i32 to index
    %get3A_1806 = arith.constant 0 : index
    %get3A_1807 = tpu.vector_load %arg11[%get3A_1804, %get3A_1805, %get3A_1806] {strides = array<i32>} : memref<16x2x128xf32, #tpu.memory_space<vmem>>, vector<16xf32>,
    %add3A_1808 = arith.addf %add3A_1794, %get3A_1807 : vector<16xf32>
    %get3A_1809 = arith.constant 15 : i32
    %get3A_1810 = arith.constant 1 : i32
    %get3A_1811 = arith.index_cast %get3A_1809 : i32 to index
    %get3A_1812 = arith.index_cast %get3A_1810 : i32 to index
    %get3A_1813 = arith.constant 0 : index
    %get3A_1814 = tpu.vector_load %arg11[%get3A_1811, %get3A_1812, %get3A_1813] {strides = array<i32>} : memref<16x2x128xf32, #tpu.memory_space<vmem>>, vector<16xf32>,
    %add3A_1815 = arith.addf %add3A_1801, %get3A_1814 : vector<16xf32>
    %mul3A_1816 = arith.constant 3.200000e+01 : f32
    %mul3A_1817 = vector.broadcast %mul3A_1816 : f32 to vector<16xf32>
    %mul3A_1818 = arith.mulf %mul3A_1817, %add3A_1815 : vector<16xf32>
    %add3A_1819 = arith.constant 1.000000e-10 : f32
    %add3A_1820 = vector.broadcast %add3A_1819 : f32 to vector<16xf32>
    %add3A_1821 = arith.addf %add3A_1820, %mul3A_1818 : vector<16xf32>
    %div3A_1822 = arith.divf %add3A_1808, %add3A_1821 : vector<16xf32>
    %mul3A_1823 = arith.constant 1.562500e-02 : f32
    %mul3A_1824 = vector.broadcast %mul3A_1823 : f32 to vector<16xf32>
    %mul3A_1825 = arith.mulf %div3A_1822, %mul3A_1824 : vector<16xf32>
    %get3A_1826 = arith.constant 384 : index
    %get3A_1827 = tpu.vector_load %arg12[%get3A_1826] {strides = array<i32>} : memref<512xf32, #tpu.memory_space<vmem>>, vector<16xf32>,
    %sub3A_1828 = arith.subf %mul3A_1825, %get3A_1827 : vector<16xf32>
    %swap3A_1829 = arith.constant 384 : index
    %swap3A_1830 = tpu.vector_load %arg13[%swap3A_1829] {strides = array<i32>} : memref<512xf32, #tpu.memory_space<vmem>>, vector<16xf32>,
    tpu.vector_store %arg13[%swap3A_1829], %sub3A_1828 {strides = array<i32>} : memref<512xf32, #tpu.memory_space<vmem>>, vector<16xf32>,
    %get3A_1831 = arith.constant 12 : i32
    %get3A_1832 = arith.constant 0 : i32
    %get3A_1833 = arith.index_cast %get3A_1831 : i32 to index
    %get3A_1834 = arith.index_cast %get3A_1832 : i32 to index
    %get3A_1835 = arith.constant 16 : index
    %get3A_1836 = tpu.vector_load %arg11[%get3A_1833, %get3A_1834, %get3A_1835] {strides = array<i32>} : memref<16x2x128xf32, #tpu.memory_space<vmem>>, vector<16xf32>,
    %get3A_1837 = arith.constant 12 : i32
    %get3A_1838 = arith.constant 1 : i32
    %get3A_1839 = arith.index_cast %get3A_1837 : i32 to index
    %get3A_1840 = arith.index_cast %get3A_1838 : i32 to index
    %get3A_1841 = arith.constant 16 : index
    %get3A_1842 = tpu.vector_load %arg11[%get3A_1839, %get3A_1840, %get3A_1841] {strides = array<i32>} : memref<16x2x128xf32, #tpu.memory_space<vmem>>, vector<16xf32>,
    %get3A_1843 = arith.constant 13 : i32
    %get3A_1844 = arith.constant 0 : i32
    %get3A_1845 = arith.index_cast %get3A_1843 : i32 to index
    %get3A_1846 = arith.index_cast %get3A_1844 : i32 to index
    %get3A_1847 = arith.constant 16 : index
    %get3A_1848 = tpu.vector_load %arg11[%get3A_1845, %get3A_1846, %get3A_1847] {strides = array<i32>} : memref<16x2x128xf32, #tpu.memory_space<vmem>>, vector<16xf32>,
    %add3A_1849 = arith.addf %get3A_1836, %get3A_1848 : vector<16xf32>
    %get3A_1850 = arith.constant 13 : i32
    %get3A_1851 = arith.constant 1 : i32
    %get3A_1852 = arith.index_cast %get3A_1850 : i32 to index
    %get3A_1853 = arith.index_cast %get3A_1851 : i32 to index
    %get3A_1854 = arith.constant 16 : index
    %get3A_1855 = tpu.vector_load %arg11[%get3A_1852, %get3A_1853, %get3A_1854] {strides = array<i32>} : memref<16x2x128xf32, #tpu.memory_space<vmem>>, vector<16xf32>,
    %add3A_1856 = arith.addf %get3A_1842, %get3A_1855 : vector<16xf32>
    %get3A_1857 = arith.constant 14 : i32
    %get3A_1858 = arith.constant 0 : i32
    %get3A_1859 = arith.index_cast %get3A_1857 : i32 to index
    %get3A_1860 = arith.index_cast %get3A_1858 : i32 to index
    %get3A_1861 = arith.constant 16 : index
    %get3A_1862 = tpu.vector_load %arg11[%get3A_1859, %get3A_1860, %get3A_1861] {strides = array<i32>} : memref<16x2x128xf32, #tpu.memory_space<vmem>>, vector<16xf32>,
    %add3A_1863 = arith.addf %add3A_1849, %get3A_1862 : vector<16xf32>
    %get3A_1864 = arith.constant 14 : i32
    %get3A_1865 = arith.constant 1 : i32
    %get3A_1866 = arith.index_cast %get3A_1864 : i32 to index
    %get3A_1867 = arith.index_cast %get3A_1865 : i32 to index
    %get3A_1868 = arith.constant 16 : index
    %get3A_1869 = tpu.vector_load %arg11[%get3A_1866, %get3A_1867, %get3A_1868] {strides = array<i32>} : memref<16x2x128xf32, #tpu.memory_space<vmem>>, vector<16xf32>,
    %add3A_1870 = arith.addf %add3A_1856, %get3A_1869 : vector<16xf32>
    %get3A_1871 = arith.constant 15 : i32
    %get3A_1872 = arith.constant 0 : i32
    %get3A_1873 = arith.index_cast %get3A_1871 : i32 to index
    %get3A_1874 = arith.index_cast %get3A_1872 : i32 to index
    %get3A_1875 = arith.constant 16 : index
    %get3A_1876 = tpu.vector_load %arg11[%get3A_1873, %get3A_1874, %get3A_1875] {strides = array<i32>} : memref<16x2x128xf32, #tpu.memory_space<vmem>>, vector<16xf32>,
    %add3A_1877 = arith.addf %add3A_1863, %get3A_1876 : vector<16xf32>
    %get3A_1878 = arith.constant 15 : i32
    %get3A_1879 = arith.constant 1 : i32
    %get3A_1880 = arith.index_cast %get3A_1878 : i32 to index
    %get3A_1881 = arith.index_cast %get3A_1879 : i32 to index
    %get3A_1882 = arith.constant 16 : index
    %get3A_1883 = tpu.vector_load %arg11[%get3A_1880, %get3A_1881, %get3A_1882] {strides = array<i32>} : memref<16x2x128xf32, #tpu.memory_space<vmem>>, vector<16xf32>,
    %add3A_1884 = arith.addf %add3A_1870, %get3A_1883 : vector<16xf32>
    %mul3A_1885 = arith.constant 3.200000e+01 : f32
    %mul3A_1886 = vector.broadcast %mul3A_1885 : f32 to vector<16xf32>
    %mul3A_1887 = arith.mulf %mul3A_1886, %add3A_1884 : vector<16xf32>
    %add3A_1888 = arith.constant 1.000000e-10 : f32
    %add3A_1889 = vector.broadcast %add3A_1888 : f32 to vector<16xf32>
    %add3A_1890 = arith.addf %add3A_1889, %mul3A_1887 : vector<16xf32>
    %div3A_1891 = arith.divf %add3A_1877, %add3A_1890 : vector<16xf32>
    %mul3A_1892 = arith.constant 1.562500e-02 : f32
    %mul3A_1893 = vector.broadcast %mul3A_1892 : f32 to vector<16xf32>
    %mul3A_1894 = arith.mulf %div3A_1891, %mul3A_1893 : vector<16xf32>
    %get3A_1895 = arith.constant 400 : index
    %get3A_1896 = tpu.vector_load %arg12[%get3A_1895] {strides = array<i32>} : memref<512xf32, #tpu.memory_space<vmem>>, vector<16xf32>,
    %sub3A_1897 = arith.subf %mul3A_1894, %get3A_1896 : vector<16xf32>
    %swap3A_1898 = arith.constant 400 : index
    %swap3A_1899 = tpu.vector_load %arg13[%swap3A_1898] {strides = array<i32>} : memref<512xf32, #tpu.memory_space<vmem>>, vector<16xf32>,
    tpu.vector_store %arg13[%swap3A_1898], %sub3A_1897 {strides = array<i32>} : memref<512xf32, #tpu.memory_space<vmem>>, vector<16xf32>,
    %get3A_1900 = arith.constant 12 : i32
    %get3A_1901 = arith.constant 0 : i32
    %get3A_1902 = arith.index_cast %get3A_1900 : i32 to index
    %get3A_1903 = arith.index_cast %get3A_1901 : i32 to index
    %get3A_1904 = arith.constant 32 : index
    %get3A_1905 = tpu.vector_load %arg11[%get3A_1902, %get3A_1903, %get3A_1904] {strides = array<i32>} : memref<16x2x128xf32, #tpu.memory_space<vmem>>, vector<16xf32>,
    %get3A_1906 = arith.constant 12 : i32
    %get3A_1907 = arith.constant 1 : i32
    %get3A_1908 = arith.index_cast %get3A_1906 : i32 to index
    %get3A_1909 = arith.index_cast %get3A_1907 : i32 to index
    %get3A_1910 = arith.constant 32 : index
    %get3A_1911 = tpu.vector_load %arg11[%get3A_1908, %get3A_1909, %get3A_1910] {strides = array<i32>} : memref<16x2x128xf32, #tpu.memory_space<vmem>>, vector<16xf32>,
    %get3A_1912 = arith.constant 13 : i32
    %get3A_1913 = arith.constant 0 : i32
    %get3A_1914 = arith.index_cast %get3A_1912 : i32 to index
    %get3A_1915 = arith.index_cast %get3A_1913 : i32 to index
    %get3A_1916 = arith.constant 32 : index
    %get3A_1917 = tpu.vector_load %arg11[%get3A_1914, %get3A_1915, %get3A_1916] {strides = array<i32>} : memref<16x2x128xf32, #tpu.memory_space<vmem>>, vector<16xf32>,
    %add3A_1918 = arith.addf %get3A_1905, %get3A_1917 : vector<16xf32>
    %get3A_1919 = arith.constant 13 : i32
    %get3A_1920 = arith.constant 1 : i32
    %get3A_1921 = arith.index_cast %get3A_1919 : i32 to index
    %get3A_1922 = arith.index_cast %get3A_1920 : i32 to index
    %get3A_1923 = arith.constant 32 : index
    %get3A_1924 = tpu.vector_load %arg11[%get3A_1921, %get3A_1922, %get3A_1923] {strides = array<i32>} : memref<16x2x128xf32, #tpu.memory_space<vmem>>, vector<16xf32>,
    %add3A_1925 = arith.addf %get3A_1911, %get3A_1924 : vector<16xf32>
    %get3A_1926 = arith.constant 14 : i32
    %get3A_1927 = arith.constant 0 : i32
    %get3A_1928 = arith.index_cast %get3A_1926 : i32 to index
    %get3A_1929 = arith.index_cast %get3A_1927 : i32 to index
    %get3A_1930 = arith.constant 32 : index
    %get3A_1931 = tpu.vector_load %arg11[%get3A_1928, %get3A_1929, %get3A_1930] {strides = array<i32>} : memref<16x2x128xf32, #tpu.memory_space<vmem>>, vector<16xf32>,
    %add3A_1932 = arith.addf %add3A_1918, %get3A_1931 : vector<16xf32>
    %get3A_1933 = arith.constant 14 : i32
    %get3A_1934 = arith.constant 1 : i32
    %get3A_1935 = arith.index_cast %get3A_1933 : i32 to index
    %get3A_1936 = arith.index_cast %get3A_1934 : i32 to index
    %get3A_1937 = arith.constant 32 : index
    %get3A_1938 = tpu.vector_load %arg11[%get3A_1935, %get3A_1936, %get3A_1937] {strides = array<i32>} : memref<16x2x128xf32, #tpu.memory_space<vmem>>, vector<16xf32>,
    %add3A_1939 = arith.addf %add3A_1925, %get3A_1938 : vector<16xf32>
    %get3A_1940 = arith.constant 15 : i32
    %get3A_1941 = arith.constant 0 : i32
    %get3A_1942 = arith.index_cast %get3A_1940 : i32 to index
    %get3A_1943 = arith.index_cast %get3A_1941 : i32 to index
    %get3A_1944 = arith.constant 32 : index
    %get3A_1945 = tpu.vector_load %arg11[%get3A_1942, %get3A_1943, %get3A_1944] {strides = array<i32>} : memref<16x2x128xf32, #tpu.memory_space<vmem>>, vector<16xf32>,
    %add3A_1946 = arith.addf %add3A_1932, %get3A_1945 : vector<16xf32>
    %get3A_1947 = arith.constant 15 : i32
    %get3A_1948 = arith.constant 1 : i32
    %get3A_1949 = arith.index_cast %get3A_1947 : i32 to index
    %get3A_1950 = arith.index_cast %get3A_1948 : i32 to index
    %get3A_1951 = arith.constant 32 : index
    %get3A_1952 = tpu.vector_load %arg11[%get3A_1949, %get3A_1950, %get3A_1951] {strides = array<i32>} : memref<16x2x128xf32, #tpu.memory_space<vmem>>, vector<16xf32>,
    %add3A_1953 = arith.addf %add3A_1939, %get3A_1952 : vector<16xf32>
    %mul3A_1954 = arith.constant 3.200000e+01 : f32
    %mul3A_1955 = vector.broadcast %mul3A_1954 : f32 to vector<16xf32>
    %mul3A_1956 = arith.mulf %mul3A_1955, %add3A_1953 : vector<16xf32>
    %add3A_1957 = arith.constant 1.000000e-10 : f32
    %add3A_1958 = vector.broadcast %add3A_1957 : f32 to vector<16xf32>
    %add3A_1959 = arith.addf %add3A_1958, %mul3A_1956 : vector<16xf32>
    %div3A_1960 = arith.divf %add3A_1946, %add3A_1959 : vector<16xf32>
    %mul3A_1961 = arith.constant 1.562500e-02 : f32
    %mul3A_1962 = vector.broadcast %mul3A_1961 : f32 to vector<16xf32>
    %mul3A_1963 = arith.mulf %div3A_1960, %mul3A_1962 : vector<16xf32>
    %get3A_1964 = arith.constant 416 : index
    %get3A_1965 = tpu.vector_load %arg12[%get3A_1964] {strides = array<i32>} : memref<512xf32, #tpu.memory_space<vmem>>, vector<16xf32>,
    %sub3A_1966 = arith.subf %mul3A_1963, %get3A_1965 : vector<16xf32>
    %swap3A_1967 = arith.constant 416 : index
    %swap3A_1968 = tpu.vector_load %arg13[%swap3A_1967] {strides = array<i32>} : memref<512xf32, #tpu.memory_space<vmem>>, vector<16xf32>,
    tpu.vector_store %arg13[%swap3A_1967], %sub3A_1966 {strides = array<i32>} : memref<512xf32, #tpu.memory_space<vmem>>, vector<16xf32>,
    %get3A_1969 = arith.constant 12 : i32
    %get3A_1970 = arith.constant 0 : i32
    %get3A_1971 = arith.index_cast %get3A_1969 : i32 to index
    %get3A_1972 = arith.index_cast %get3A_1970 : i32 to index
    %get3A_1973 = arith.constant 48 : index
    %get3A_1974 = tpu.vector_load %arg11[%get3A_1971, %get3A_1972, %get3A_1973] {strides = array<i32>} : memref<16x2x128xf32, #tpu.memory_space<vmem>>, vector<16xf32>,
    %get3A_1975 = arith.constant 12 : i32
    %get3A_1976 = arith.constant 1 : i32
    %get3A_1977 = arith.index_cast %get3A_1975 : i32 to index
    %get3A_1978 = arith.index_cast %get3A_1976 : i32 to index
    %get3A_1979 = arith.constant 48 : index
    %get3A_1980 = tpu.vector_load %arg11[%get3A_1977, %get3A_1978, %get3A_1979] {strides = array<i32>} : memref<16x2x128xf32, #tpu.memory_space<vmem>>, vector<16xf32>,
    %get3A_1981 = arith.constant 13 : i32
    %get3A_1982 = arith.constant 0 : i32
    %get3A_1983 = arith.index_cast %get3A_1981 : i32 to index
    %get3A_1984 = arith.index_cast %get3A_1982 : i32 to index
    %get3A_1985 = arith.constant 48 : index
    %get3A_1986 = tpu.vector_load %arg11[%get3A_1983, %get3A_1984, %get3A_1985] {strides = array<i32>} : memref<16x2x128xf32, #tpu.memory_space<vmem>>, vector<16xf32>,
    %add3A_1987 = arith.addf %get3A_1974, %get3A_1986 : vector<16xf32>
    %get3A_1988 = arith.constant 13 : i32
    %get3A_1989 = arith.constant 1 : i32
    %get3A_1990 = arith.index_cast %get3A_1988 : i32 to index
    %get3A_1991 = arith.index_cast %get3A_1989 : i32 to index
    %get3A_1992 = arith.constant 48 : index
    %get3A_1993 = tpu.vector_load %arg11[%get3A_1990, %get3A_1991, %get3A_1992] {strides = array<i32>} : memref<16x2x128xf32, #tpu.memory_space<vmem>>, vector<16xf32>,
    %add3A_1994 = arith.addf %get3A_1980, %get3A_1993 : vector<16xf32>
    %get3A_1995 = arith.constant 14 : i32
    %get3A_1996 = arith.constant 0 : i32
    %get3A_1997 = arith.index_cast %get3A_1995 : i32 to index
    %get3A_1998 = arith.index_cast %get3A_1996 : i32 to index
    %get3A_1999 = arith.constant 48 : index
    %get3A_2000 = tpu.vector_load %arg11[%get3A_1997, %get3A_1998, %get3A_1999] {strides = array<i32>} : memref<16x2x128xf32, #tpu.memory_space<vmem>>, vector<16xf32>,
    %add3A_2001 = arith.addf %add3A_1987, %get3A_2000 : vector<16xf32>
    %get3A_2002 = arith.constant 14 : i32
    %get3A_2003 = arith.constant 1 : i32
    %get3A_2004 = arith.index_cast %get3A_2002 : i32 to index
    %get3A_2005 = arith.index_cast %get3A_2003 : i32 to index
    %get3A_2006 = arith.constant 48 : index
    %get3A_2007 = tpu.vector_load %arg11[%get3A_2004, %get3A_2005, %get3A_2006] {strides = array<i32>} : memref<16x2x128xf32, #tpu.memory_space<vmem>>, vector<16xf32>,
    %add3A_2008 = arith.addf %add3A_1994, %get3A_2007 : vector<16xf32>
    %get3A_2009 = arith.constant 15 : i32
    %get3A_2010 = arith.constant 0 : i32
    %get3A_2011 = arith.index_cast %get3A_2009 : i32 to index
    %get3A_2012 = arith.index_cast %get3A_2010 : i32 to index
    %get3A_2013 = arith.constant 48 : index
    %get3A_2014 = tpu.vector_load %arg11[%get3A_2011, %get3A_2012, %get3A_2013] {strides = array<i32>} : memref<16x2x128xf32, #tpu.memory_space<vmem>>, vector<16xf32>,
    %add3A_2015 = arith.addf %add3A_2001, %get3A_2014 : vector<16xf32>
    %get3A_2016 = arith.constant 15 : i32
    %get3A_2017 = arith.constant 1 : i32
    %get3A_2018 = arith.index_cast %get3A_2016 : i32 to index
    %get3A_2019 = arith.index_cast %get3A_2017 : i32 to index
    %get3A_2020 = arith.constant 48 : index
    %get3A_2021 = tpu.vector_load %arg11[%get3A_2018, %get3A_2019, %get3A_2020] {strides = array<i32>} : memref<16x2x128xf32, #tpu.memory_space<vmem>>, vector<16xf32>,
    %add3A_2022 = arith.addf %add3A_2008, %get3A_2021 : vector<16xf32>
    %mul3A_2023 = arith.constant 3.200000e+01 : f32
    %mul3A_2024 = vector.broadcast %mul3A_2023 : f32 to vector<16xf32>
    %mul3A_2025 = arith.mulf %mul3A_2024, %add3A_2022 : vector<16xf32>
    %add3A_2026 = arith.constant 1.000000e-10 : f32
    %add3A_2027 = vector.broadcast %add3A_2026 : f32 to vector<16xf32>
    %add3A_2028 = arith.addf %add3A_2027, %mul3A_2025 : vector<16xf32>
    %div3A_2029 = arith.divf %add3A_2015, %add3A_2028 : vector<16xf32>
    %mul3A_2030 = arith.constant 1.562500e-02 : f32
    %mul3A_2031 = vector.broadcast %mul3A_2030 : f32 to vector<16xf32>
    %mul3A_2032 = arith.mulf %div3A_2029, %mul3A_2031 : vector<16xf32>
    %get3A_2033 = arith.constant 432 : index
    %get3A_2034 = tpu.vector_load %arg12[%get3A_2033] {strides = array<i32>} : memref<512xf32, #tpu.memory_space<vmem>>, vector<16xf32>,
    %sub3A_2035 = arith.subf %mul3A_2032, %get3A_2034 : vector<16xf32>
    %swap3A_2036 = arith.constant 432 : index
    %swap3A_2037 = tpu.vector_load %arg13[%swap3A_2036] {strides = array<i32>} : memref<512xf32, #tpu.memory_space<vmem>>, vector<16xf32>,
    tpu.vector_store %arg13[%swap3A_2036], %sub3A_2035 {strides = array<i32>} : memref<512xf32, #tpu.memory_space<vmem>>, vector<16xf32>,
    %get3A_2038 = arith.constant 12 : i32
    %get3A_2039 = arith.constant 0 : i32
    %get3A_2040 = arith.index_cast %get3A_2038 : i32 to index
    %get3A_2041 = arith.index_cast %get3A_2039 : i32 to index
    %get3A_2042 = arith.constant 64 : index
    %get3A_2043 = tpu.vector_load %arg11[%get3A_2040, %get3A_2041, %get3A_2042] {strides = array<i32>} : memref<16x2x128xf32, #tpu.memory_space<vmem>>, vector<16xf32>,
    %get3A_2044 = arith.constant 12 : i32
    %get3A_2045 = arith.constant 1 : i32
    %get3A_2046 = arith.index_cast %get3A_2044 : i32 to index
    %get3A_2047 = arith.index_cast %get3A_2045 : i32 to index
    %get3A_2048 = arith.constant 64 : index
    %get3A_2049 = tpu.vector_load %arg11[%get3A_2046, %get3A_2047, %get3A_2048] {strides = array<i32>} : memref<16x2x128xf32, #tpu.memory_space<vmem>>, vector<16xf32>,
    %get3A_2050 = arith.constant 13 : i32
    %get3A_2051 = arith.constant 0 : i32
    %get3A_2052 = arith.index_cast %get3A_2050 : i32 to index
    %get3A_2053 = arith.index_cast %get3A_2051 : i32 to index
    %get3A_2054 = arith.constant 64 : index
    %get3A_2055 = tpu.vector_load %arg11[%get3A_2052, %get3A_2053, %get3A_2054] {strides = array<i32>} : memref<16x2x128xf32, #tpu.memory_space<vmem>>, vector<16xf32>,
    %add3A_2056 = arith.addf %get3A_2043, %get3A_2055 : vector<16xf32>
    %get3A_2057 = arith.constant 13 : i32
    %get3A_2058 = arith.constant 1 : i32
    %get3A_2059 = arith.index_cast %get3A_2057 : i32 to index
    %get3A_2060 = arith.index_cast %get3A_2058 : i32 to index
    %get3A_2061 = arith.constant 64 : index
    %get3A_2062 = tpu.vector_load %arg11[%get3A_2059, %get3A_2060, %get3A_2061] {strides = array<i32>} : memref<16x2x128xf32, #tpu.memory_space<vmem>>, vector<16xf32>,
    %add3A_2063 = arith.addf %get3A_2049, %get3A_2062 : vector<16xf32>
    %get3A_2064 = arith.constant 14 : i32
    %get3A_2065 = arith.constant 0 : i32
    %get3A_2066 = arith.index_cast %get3A_2064 : i32 to index
    %get3A_2067 = arith.index_cast %get3A_2065 : i32 to index
    %get3A_2068 = arith.constant 64 : index
    %get3A_2069 = tpu.vector_load %arg11[%get3A_2066, %get3A_2067, %get3A_2068] {strides = array<i32>} : memref<16x2x128xf32, #tpu.memory_space<vmem>>, vector<16xf32>,
    %add3A_2070 = arith.addf %add3A_2056, %get3A_2069 : vector<16xf32>
    %get3A_2071 = arith.constant 14 : i32
    %get3A_2072 = arith.constant 1 : i32
    %get3A_2073 = arith.index_cast %get3A_2071 : i32 to index
    %get3A_2074 = arith.index_cast %get3A_2072 : i32 to index
    %get3A_2075 = arith.constant 64 : index
    %get3A_2076 = tpu.vector_load %arg11[%get3A_2073, %get3A_2074, %get3A_2075] {strides = array<i32>} : memref<16x2x128xf32, #tpu.memory_space<vmem>>, vector<16xf32>,
    %add3A_2077 = arith.addf %add3A_2063, %get3A_2076 : vector<16xf32>
    %get3A_2078 = arith.constant 15 : i32
    %get3A_2079 = arith.constant 0 : i32
    %get3A_2080 = arith.index_cast %get3A_2078 : i32 to index
    %get3A_2081 = arith.index_cast %get3A_2079 : i32 to index
    %get3A_2082 = arith.constant 64 : index
    %get3A_2083 = tpu.vector_load %arg11[%get3A_2080, %get3A_2081, %get3A_2082] {strides = array<i32>} : memref<16x2x128xf32, #tpu.memory_space<vmem>>, vector<16xf32>,
    %add3A_2084 = arith.addf %add3A_2070, %get3A_2083 : vector<16xf32>
    %get3A_2085 = arith.constant 15 : i32
    %get3A_2086 = arith.constant 1 : i32
    %get3A_2087 = arith.index_cast %get3A_2085 : i32 to index
    %get3A_2088 = arith.index_cast %get3A_2086 : i32 to index
    %get3A_2089 = arith.constant 64 : index
    %get3A_2090 = tpu.vector_load %arg11[%get3A_2087, %get3A_2088, %get3A_2089] {strides = array<i32>} : memref<16x2x128xf32, #tpu.memory_space<vmem>>, vector<16xf32>,
    %add3A_2091 = arith.addf %add3A_2077, %get3A_2090 : vector<16xf32>
    %mul3A_2092 = arith.constant 3.200000e+01 : f32
    %mul3A_2093 = vector.broadcast %mul3A_2092 : f32 to vector<16xf32>
    %mul3A_2094 = arith.mulf %mul3A_2093, %add3A_2091 : vector<16xf32>
    %add3A_2095 = arith.constant 1.000000e-10 : f32
    %add3A_2096 = vector.broadcast %add3A_2095 : f32 to vector<16xf32>
    %add3A_2097 = arith.addf %add3A_2096, %mul3A_2094 : vector<16xf32>
    %div3A_2098 = arith.divf %add3A_2084, %add3A_2097 : vector<16xf32>
    %mul3A_2099 = arith.constant 1.562500e-02 : f32
    %mul3A_2100 = vector.broadcast %mul3A_2099 : f32 to vector<16xf32>
    %mul3A_2101 = arith.mulf %div3A_2098, %mul3A_2100 : vector<16xf32>
    %get3A_2102 = arith.constant 448 : index
    %get3A_2103 = tpu.vector_load %arg12[%get3A_2102] {strides = array<i32>} : memref<512xf32, #tpu.memory_space<vmem>>, vector<16xf32>,
    %sub3A_2104 = arith.subf %mul3A_2101, %get3A_2103 : vector<16xf32>
    %swap3A_2105 = arith.constant 448 : index
    %swap3A_2106 = tpu.vector_load %arg13[%swap3A_2105] {strides = array<i32>} : memref<512xf32, #tpu.memory_space<vmem>>, vector<16xf32>,
    tpu.vector_store %arg13[%swap3A_2105], %sub3A_2104 {strides = array<i32>} : memref<512xf32, #tpu.memory_space<vmem>>, vector<16xf32>,
    %get3A_2107 = arith.constant 12 : i32
    %get3A_2108 = arith.constant 0 : i32
    %get3A_2109 = arith.index_cast %get3A_2107 : i32 to index
    %get3A_2110 = arith.index_cast %get3A_2108 : i32 to index
    %get3A_2111 = arith.constant 80 : index
    %get3A_2112 = tpu.vector_load %arg11[%get3A_2109, %get3A_2110, %get3A_2111] {strides = array<i32>} : memref<16x2x128xf32, #tpu.memory_space<vmem>>, vector<16xf32>,
    %get3A_2113 = arith.constant 12 : i32
    %get3A_2114 = arith.constant 1 : i32
    %get3A_2115 = arith.index_cast %get3A_2113 : i32 to index
    %get3A_2116 = arith.index_cast %get3A_2114 : i32 to index
    %get3A_2117 = arith.constant 80 : index
    %get3A_2118 = tpu.vector_load %arg11[%get3A_2115, %get3A_2116, %get3A_2117] {strides = array<i32>} : memref<16x2x128xf32, #tpu.memory_space<vmem>>, vector<16xf32>,
    %get3A_2119 = arith.constant 13 : i32
    %get3A_2120 = arith.constant 0 : i32
    %get3A_2121 = arith.index_cast %get3A_2119 : i32 to index
    %get3A_2122 = arith.index_cast %get3A_2120 : i32 to index
    %get3A_2123 = arith.constant 80 : index
    %get3A_2124 = tpu.vector_load %arg11[%get3A_2121, %get3A_2122, %get3A_2123] {strides = array<i32>} : memref<16x2x128xf32, #tpu.memory_space<vmem>>, vector<16xf32>,
    %add3A_2125 = arith.addf %get3A_2112, %get3A_2124 : vector<16xf32>
    %get3A_2126 = arith.constant 13 : i32
    %get3A_2127 = arith.constant 1 : i32
    %get3A_2128 = arith.index_cast %get3A_2126 : i32 to index
    %get3A_2129 = arith.index_cast %get3A_2127 : i32 to index
    %get3A_2130 = arith.constant 80 : index
    %get3A_2131 = tpu.vector_load %arg11[%get3A_2128, %get3A_2129, %get3A_2130] {strides = array<i32>} : memref<16x2x128xf32, #tpu.memory_space<vmem>>, vector<16xf32>,
    %add3A_2132 = arith.addf %get3A_2118, %get3A_2131 : vector<16xf32>
    %get3A_2133 = arith.constant 14 : i32
    %get3A_2134 = arith.constant 0 : i32
    %get3A_2135 = arith.index_cast %get3A_2133 : i32 to index
    %get3A_2136 = arith.index_cast %get3A_2134 : i32 to index
    %get3A_2137 = arith.constant 80 : index
    %get3A_2138 = tpu.vector_load %arg11[%get3A_2135, %get3A_2136, %get3A_2137] {strides = array<i32>} : memref<16x2x128xf32, #tpu.memory_space<vmem>>, vector<16xf32>,
    %add3A_2139 = arith.addf %add3A_2125, %get3A_2138 : vector<16xf32>
    %get3A_2140 = arith.constant 14 : i32
    %get3A_2141 = arith.constant 1 : i32
    %get3A_2142 = arith.index_cast %get3A_2140 : i32 to index
    %get3A_2143 = arith.index_cast %get3A_2141 : i32 to index
    %get3A_2144 = arith.constant 80 : index
    %get3A_2145 = tpu.vector_load %arg11[%get3A_2142, %get3A_2143, %get3A_2144] {strides = array<i32>} : memref<16x2x128xf32, #tpu.memory_space<vmem>>, vector<16xf32>,
    %add3A_2146 = arith.addf %add3A_2132, %get3A_2145 : vector<16xf32>
    %get3A_2147 = arith.constant 15 : i32
    %get3A_2148 = arith.constant 0 : i32
    %get3A_2149 = arith.index_cast %get3A_2147 : i32 to index
    %get3A_2150 = arith.index_cast %get3A_2148 : i32 to index
    %get3A_2151 = arith.constant 80 : index
    %get3A_2152 = tpu.vector_load %arg11[%get3A_2149, %get3A_2150, %get3A_2151] {strides = array<i32>} : memref<16x2x128xf32, #tpu.memory_space<vmem>>, vector<16xf32>,
    %add3A_2153 = arith.addf %add3A_2139, %get3A_2152 : vector<16xf32>
    %get3A_2154 = arith.constant 15 : i32
    %get3A_2155 = arith.constant 1 : i32
    %get3A_2156 = arith.index_cast %get3A_2154 : i32 to index
    %get3A_2157 = arith.index_cast %get3A_2155 : i32 to index
    %get3A_2158 = arith.constant 80 : index
    %get3A_2159 = tpu.vector_load %arg11[%get3A_2156, %get3A_2157, %get3A_2158] {strides = array<i32>} : memref<16x2x128xf32, #tpu.memory_space<vmem>>, vector<16xf32>,
    %add3A_2160 = arith.addf %add3A_2146, %get3A_2159 : vector<16xf32>
    %mul3A_2161 = arith.constant 3.200000e+01 : f32
    %mul3A_2162 = vector.broadcast %mul3A_2161 : f32 to vector<16xf32>
    %mul3A_2163 = arith.mulf %mul3A_2162, %add3A_2160 : vector<16xf32>
    %add3A_2164 = arith.constant 1.000000e-10 : f32
    %add3A_2165 = vector.broadcast %add3A_2164 : f32 to vector<16xf32>
    %add3A_2166 = arith.addf %add3A_2165, %mul3A_2163 : vector<16xf32>
    %div3A_2167 = arith.divf %add3A_2153, %add3A_2166 : vector<16xf32>
    %mul3A_2168 = arith.constant 1.562500e-02 : f32
    %mul3A_2169 = vector.broadcast %mul3A_2168 : f32 to vector<16xf32>
    %mul3A_2170 = arith.mulf %div3A_2167, %mul3A_2169 : vector<16xf32>
    %get3A_2171 = arith.constant 464 : index
    %get3A_2172 = tpu.vector_load %arg12[%get3A_2171] {strides = array<i32>} : memref<512xf32, #tpu.memory_space<vmem>>, vector<16xf32>,
    %sub3A_2173 = arith.subf %mul3A_2170, %get3A_2172 : vector<16xf32>
    %swap3A_2174 = arith.constant 464 : index
    %swap3A_2175 = tpu.vector_load %arg13[%swap3A_2174] {strides = array<i32>} : memref<512xf32, #tpu.memory_space<vmem>>, vector<16xf32>,
    tpu.vector_store %arg13[%swap3A_2174], %sub3A_2173 {strides = array<i32>} : memref<512xf32, #tpu.memory_space<vmem>>, vector<16xf32>,
    %get3A_2176 = arith.constant 12 : i32
    %get3A_2177 = arith.constant 0 : i32
    %get3A_2178 = arith.index_cast %get3A_2176 : i32 to index
    %get3A_2179 = arith.index_cast %get3A_2177 : i32 to index
    %get3A_2180 = arith.constant 96 : index
    %get3A_2181 = tpu.vector_load %arg11[%get3A_2178, %get3A_2179, %get3A_2180] {strides = array<i32>} : memref<16x2x128xf32, #tpu.memory_space<vmem>>, vector<16xf32>,
    %get3A_2182 = arith.constant 12 : i32
    %get3A_2183 = arith.constant 1 : i32
    %get3A_2184 = arith.index_cast %get3A_2182 : i32 to index
    %get3A_2185 = arith.index_cast %get3A_2183 : i32 to index
    %get3A_2186 = arith.constant 96 : index
    %get3A_2187 = tpu.vector_load %arg11[%get3A_2184, %get3A_2185, %get3A_2186] {strides = array<i32>} : memref<16x2x128xf32, #tpu.memory_space<vmem>>, vector<16xf32>,
    %get3A_2188 = arith.constant 13 : i32
    %get3A_2189 = arith.constant 0 : i32
    %get3A_2190 = arith.index_cast %get3A_2188 : i32 to index
    %get3A_2191 = arith.index_cast %get3A_2189 : i32 to index
    %get3A_2192 = arith.constant 96 : index
    %get3A_2193 = tpu.vector_load %arg11[%get3A_2190, %get3A_2191, %get3A_2192] {strides = array<i32>} : memref<16x2x128xf32, #tpu.memory_space<vmem>>, vector<16xf32>,
    %add3A_2194 = arith.addf %get3A_2181, %get3A_2193 : vector<16xf32>
    %get3A_2195 = arith.constant 13 : i32
    %get3A_2196 = arith.constant 1 : i32
    %get3A_2197 = arith.index_cast %get3A_2195 : i32 to index
    %get3A_2198 = arith.index_cast %get3A_2196 : i32 to index
    %get3A_2199 = arith.constant 96 : index
    %get3A_2200 = tpu.vector_load %arg11[%get3A_2197, %get3A_2198, %get3A_2199] {strides = array<i32>} : memref<16x2x128xf32, #tpu.memory_space<vmem>>, vector<16xf32>,
    %add3A_2201 = arith.addf %get3A_2187, %get3A_2200 : vector<16xf32>
    %get3A_2202 = arith.constant 14 : i32
    %get3A_2203 = arith.constant 0 : i32
    %get3A_2204 = arith.index_cast %get3A_2202 : i32 to index
    %get3A_2205 = arith.index_cast %get3A_2203 : i32 to index
    %get3A_2206 = arith.constant 96 : index
    %get3A_2207 = tpu.vector_load %arg11[%get3A_2204, %get3A_2205, %get3A_2206] {strides = array<i32>} : memref<16x2x128xf32, #tpu.memory_space<vmem>>, vector<16xf32>,
    %add3A_2208 = arith.addf %add3A_2194, %get3A_2207 : vector<16xf32>
    %get3A_2209 = arith.constant 14 : i32
    %get3A_2210 = arith.constant 1 : i32
    %get3A_2211 = arith.index_cast %get3A_2209 : i32 to index
    %get3A_2212 = arith.index_cast %get3A_2210 : i32 to index
    %get3A_2213 = arith.constant 96 : index
    %get3A_2214 = tpu.vector_load %arg11[%get3A_2211, %get3A_2212, %get3A_2213] {strides = array<i32>} : memref<16x2x128xf32, #tpu.memory_space<vmem>>, vector<16xf32>,
    %add3A_2215 = arith.addf %add3A_2201, %get3A_2214 : vector<16xf32>
    %get3A_2216 = arith.constant 15 : i32
    %get3A_2217 = arith.constant 0 : i32
    %get3A_2218 = arith.index_cast %get3A_2216 : i32 to index
    %get3A_2219 = arith.index_cast %get3A_2217 : i32 to index
    %get3A_2220 = arith.constant 96 : index
    %get3A_2221 = tpu.vector_load %arg11[%get3A_2218, %get3A_2219, %get3A_2220] {strides = array<i32>} : memref<16x2x128xf32, #tpu.memory_space<vmem>>, vector<16xf32>,
    %add3A_2222 = arith.addf %add3A_2208, %get3A_2221 : vector<16xf32>
    %get3A_2223 = arith.constant 15 : i32
    %get3A_2224 = arith.constant 1 : i32
    %get3A_2225 = arith.index_cast %get3A_2223 : i32 to index
    %get3A_2226 = arith.index_cast %get3A_2224 : i32 to index
    %get3A_2227 = arith.constant 96 : index
    %get3A_2228 = tpu.vector_load %arg11[%get3A_2225, %get3A_2226, %get3A_2227] {strides = array<i32>} : memref<16x2x128xf32, #tpu.memory_space<vmem>>, vector<16xf32>,
    %add3A_2229 = arith.addf %add3A_2215, %get3A_2228 : vector<16xf32>
    %mul3A_2230 = arith.constant 3.200000e+01 : f32
    %mul3A_2231 = vector.broadcast %mul3A_2230 : f32 to vector<16xf32>
    %mul3A_2232 = arith.mulf %mul3A_2231, %add3A_2229 : vector<16xf32>
    %add3A_2233 = arith.constant 1.000000e-10 : f32
    %add3A_2234 = vector.broadcast %add3A_2233 : f32 to vector<16xf32>
    %add3A_2235 = arith.addf %add3A_2234, %mul3A_2232 : vector<16xf32>
    %div3A_2236 = arith.divf %add3A_2222, %add3A_2235 : vector<16xf32>
    %mul3A_2237 = arith.constant 1.562500e-02 : f32
    %mul3A_2238 = vector.broadcast %mul3A_2237 : f32 to vector<16xf32>
    %mul3A_2239 = arith.mulf %div3A_2236, %mul3A_2238 : vector<16xf32>
    %get3A_2240 = arith.constant 480 : index
    %get3A_2241 = tpu.vector_load %arg12[%get3A_2240] {strides = array<i32>} : memref<512xf32, #tpu.memory_space<vmem>>, vector<16xf32>,
    %sub3A_2242 = arith.subf %mul3A_2239, %get3A_2241 : vector<16xf32>
    %swap3A_2243 = arith.constant 480 : index
    %swap3A_2244 = tpu.vector_load %arg13[%swap3A_2243] {strides = array<i32>} : memref<512xf32, #tpu.memory_space<vmem>>, vector<16xf32>,
    tpu.vector_store %arg13[%swap3A_2243], %sub3A_2242 {strides = array<i32>} : memref<512xf32, #tpu.memory_space<vmem>>, vector<16xf32>,
    %get3A_2245 = arith.constant 12 : i32
    %get3A_2246 = arith.constant 0 : i32
    %get3A_2247 = arith.index_cast %get3A_2245 : i32 to index
    %get3A_2248 = arith.index_cast %get3A_2246 : i32 to index
    %get3A_2249 = arith.constant 112 : index
    %get3A_2250 = tpu.vector_load %arg11[%get3A_2247, %get3A_2248, %get3A_2249] {strides = array<i32>} : memref<16x2x128xf32, #tpu.memory_space<vmem>>, vector<16xf32>,
    %get3A_2251 = arith.constant 12 : i32
    %get3A_2252 = arith.constant 1 : i32
    %get3A_2253 = arith.index_cast %get3A_2251 : i32 to index
    %get3A_2254 = arith.index_cast %get3A_2252 : i32 to index
    %get3A_2255 = arith.constant 112 : index
    %get3A_2256 = tpu.vector_load %arg11[%get3A_2253, %get3A_2254, %get3A_2255] {strides = array<i32>} : memref<16x2x128xf32, #tpu.memory_space<vmem>>, vector<16xf32>,
    %get3A_2257 = arith.constant 13 : i32
    %get3A_2258 = arith.constant 0 : i32
    %get3A_2259 = arith.index_cast %get3A_2257 : i32 to index
    %get3A_2260 = arith.index_cast %get3A_2258 : i32 to index
    %get3A_2261 = arith.constant 112 : index
    %get3A_2262 = tpu.vector_load %arg11[%get3A_2259, %get3A_2260, %get3A_2261] {strides = array<i32>} : memref<16x2x128xf32, #tpu.memory_space<vmem>>, vector<16xf32>,
    %add3A_2263 = arith.addf %get3A_2250, %get3A_2262 : vector<16xf32>
    %get3A_2264 = arith.constant 13 : i32
    %get3A_2265 = arith.constant 1 : i32
    %get3A_2266 = arith.index_cast %get3A_2264 : i32 to index
    %get3A_2267 = arith.index_cast %get3A_2265 : i32 to index
    %get3A_2268 = arith.constant 112 : index
    %get3A_2269 = tpu.vector_load %arg11[%get3A_2266, %get3A_2267, %get3A_2268] {strides = array<i32>} : memref<16x2x128xf32, #tpu.memory_space<vmem>>, vector<16xf32>,
    %add3A_2270 = arith.addf %get3A_2256, %get3A_2269 : vector<16xf32>
    %get3A_2271 = arith.constant 14 : i32
    %get3A_2272 = arith.constant 0 : i32
    %get3A_2273 = arith.index_cast %get3A_2271 : i32 to index
    %get3A_2274 = arith.index_cast %get3A_2272 : i32 to index
    %get3A_2275 = arith.constant 112 : index
    %get3A_2276 = tpu.vector_load %arg11[%get3A_2273, %get3A_2274, %get3A_2275] {strides = array<i32>} : memref<16x2x128xf32, #tpu.memory_space<vmem>>, vector<16xf32>,
    %add3A_2277 = arith.addf %add3A_2263, %get3A_2276 : vector<16xf32>
    %get3A_2278 = arith.constant 14 : i32
    %get3A_2279 = arith.constant 1 : i32
    %get3A_2280 = arith.index_cast %get3A_2278 : i32 to index
    %get3A_2281 = arith.index_cast %get3A_2279 : i32 to index
    %get3A_2282 = arith.constant 112 : index
    %get3A_2283 = tpu.vector_load %arg11[%get3A_2280, %get3A_2281, %get3A_2282] {strides = array<i32>} : memref<16x2x128xf32, #tpu.memory_space<vmem>>, vector<16xf32>,
    %add3A_2284 = arith.addf %add3A_2270, %get3A_2283 : vector<16xf32>
    %get3A_2285 = arith.constant 15 : i32
    %get3A_2286 = arith.constant 0 : i32
    %get3A_2287 = arith.index_cast %get3A_2285 : i32 to index
    %get3A_2288 = arith.index_cast %get3A_2286 : i32 to index
    %get3A_2289 = arith.constant 112 : index
    %get3A_2290 = tpu.vector_load %arg11[%get3A_2287, %get3A_2288, %get3A_2289] {strides = array<i32>} : memref<16x2x128xf32, #tpu.memory_space<vmem>>, vector<16xf32>,
    %add3A_2291 = arith.addf %add3A_2277, %get3A_2290 : vector<16xf32>
    %get3A_2292 = arith.constant 15 : i32
    %get3A_2293 = arith.constant 1 : i32
    %get3A_2294 = arith.index_cast %get3A_2292 : i32 to index
    %get3A_2295 = arith.index_cast %get3A_2293 : i32 to index
    %get3A_2296 = arith.constant 112 : index
    %get3A_2297 = tpu.vector_load %arg11[%get3A_2294, %get3A_2295, %get3A_2296] {strides = array<i32>} : memref<16x2x128xf32, #tpu.memory_space<vmem>>, vector<16xf32>,
    %add3A_2298 = arith.addf %add3A_2284, %get3A_2297 : vector<16xf32>
    %mul3A_2299 = arith.constant 3.200000e+01 : f32
    %mul3A_2300 = vector.broadcast %mul3A_2299 : f32 to vector<16xf32>
    %mul3A_2301 = arith.mulf %mul3A_2300, %add3A_2298 : vector<16xf32>
    %add3A_2302 = arith.constant 1.000000e-10 : f32
    %add3A_2303 = vector.broadcast %add3A_2302 : f32 to vector<16xf32>
    %add3A_2304 = arith.addf %add3A_2303, %mul3A_2301 : vector<16xf32>
    %div3A_2305 = arith.divf %add3A_2291, %add3A_2304 : vector<16xf32>
    %mul3A_2306 = arith.constant 1.562500e-02 : f32
    %mul3A_2307 = vector.broadcast %mul3A_2306 : f32 to vector<16xf32>
    %mul3A_2308 = arith.mulf %div3A_2305, %mul3A_2307 : vector<16xf32>
    %get3A_2309 = arith.constant 496 : index
    %get3A_2310 = tpu.vector_load %arg12[%get3A_2309] {strides = array<i32>} : memref<512xf32, #tpu.memory_space<vmem>>, vector<16xf32>,
    %sub3A_2311 = arith.subf %mul3A_2308, %get3A_2310 : vector<16xf32>
    %swap3A_2312 = arith.constant 496 : index
    %swap3A_2313 = tpu.vector_load %arg13[%swap3A_2312] {strides = array<i32>} : memref<512xf32, #tpu.memory_space<vmem>>, vector<16xf32>,
    tpu.vector_store %arg13[%swap3A_2312], %sub3A_2311 {strides = array<i32>} : memref<512xf32, #tpu.memory_space<vmem>>, vector<16xf32>,
    %get3A_2314 = arith.constant 0 : i32
    %get3A_2315 = arith.constant 0 : i32
    %get3A_2316 = arith.index_cast %get3A_2314 : i32 to index
    %get3A_2317 = arith.index_cast %get3A_2315 : i32 to index
    %get3A_2318 = arith.constant 0 : index
    %get3A_2319 = tpu.vector_load %arg8[%get3A_2316, %get3A_2317, %get3A_2318] {strides = array<i32>} : memref<2x4x64xi32, #tpu.memory_space<vmem>>, vector<16xi32>,
    %add3A_2320 = arith.constant 0 : i32
    %add3A_2321 = vector.broadcast %add3A_2320 : i32 to vector<16xi32>
    %add3A_2322 = arith.addi %get3A_2319, %add3A_2321 : vector<16xi32>
    %gather3A = tpu.vector_load_idx %arg13[%add3A_2322] : memref<512xf32, #tpu.memory_space<vmem>>[vector<16xi32>], vector<16xf32>,
    %swap3A_2323 = arith.constant 0 : i32
    %swap3A_2324 = arith.index_cast %swap3A_2323 : i32 to index
    %swap3A_2325 = arith.constant 0 : index
    %swap3A_2326 = tpu.vector_load %arg14[%swap3A_2324, %swap3A_2325] {strides = array<i32>} : memref<2x256xf32, #tpu.memory_space<vmem>>, vector<16xf32>,
    tpu.vector_store %arg14[%swap3A_2324, %swap3A_2325], %gather3A {strides = array<i32>} : memref<2x256xf32, #tpu.memory_space<vmem>>, vector<16xf32>,
    %get3A_2327 = arith.constant 0 : i32
    %get3A_2328 = arith.constant 0 : i32
    %get3A_2329 = arith.index_cast %get3A_2327 : i32 to index
    %get3A_2330 = arith.index_cast %get3A_2328 : i32 to index
    %get3A_2331 = arith.constant 16 : index
    %get3A_2332 = tpu.vector_load %arg8[%get3A_2329, %get3A_2330, %get3A_2331] {strides = array<i32>} : memref<2x4x64xi32, #tpu.memory_space<vmem>>, vector<16xi32>,
    %add3A_2333 = arith.constant 0 : i32
    %add3A_2334 = vector.broadcast %add3A_2333 : i32 to vector<16xi32>
    %add3A_2335 = arith.addi %get3A_2332, %add3A_2334 : vector<16xi32>
    %gather3A_2336 = tpu.vector_load_idx %arg13[%add3A_2335] : memref<512xf32, #tpu.memory_space<vmem>>[vector<16xi32>], vector<16xf32>,
    %swap3A_2337 = arith.constant 0 : i32
    %swap3A_2338 = arith.index_cast %swap3A_2337 : i32 to index
    %swap3A_2339 = arith.constant 16 : index
    %swap3A_2340 = tpu.vector_load %arg14[%swap3A_2338, %swap3A_2339] {strides = array<i32>} : memref<2x256xf32, #tpu.memory_space<vmem>>, vector<16xf32>,
    tpu.vector_store %arg14[%swap3A_2338, %swap3A_2339], %gather3A_2336 {strides = array<i32>} : memref<2x256xf32, #tpu.memory_space<vmem>>, vector<16xf32>,
    %get3A_2341 = arith.constant 0 : i32
    %get3A_2342 = arith.constant 0 : i32
    %get3A_2343 = arith.index_cast %get3A_2341 : i32 to index
    %get3A_2344 = arith.index_cast %get3A_2342 : i32 to index
    %get3A_2345 = arith.constant 32 : index
    %get3A_2346 = tpu.vector_load %arg8[%get3A_2343, %get3A_2344, %get3A_2345] {strides = array<i32>} : memref<2x4x64xi32, #tpu.memory_space<vmem>>, vector<16xi32>,
    %add3A_2347 = arith.constant 0 : i32
    %add3A_2348 = vector.broadcast %add3A_2347 : i32 to vector<16xi32>
    %add3A_2349 = arith.addi %get3A_2346, %add3A_2348 : vector<16xi32>
    %gather3A_2350 = tpu.vector_load_idx %arg13[%add3A_2349] : memref<512xf32, #tpu.memory_space<vmem>>[vector<16xi32>], vector<16xf32>,
    %swap3A_2351 = arith.constant 0 : i32
    %swap3A_2352 = arith.index_cast %swap3A_2351 : i32 to index
    %swap3A_2353 = arith.constant 32 : index
    %swap3A_2354 = tpu.vector_load %arg14[%swap3A_2352, %swap3A_2353] {strides = array<i32>} : memref<2x256xf32, #tpu.memory_space<vmem>>, vector<16xf32>,
    tpu.vector_store %arg14[%swap3A_2352, %swap3A_2353], %gather3A_2350 {strides = array<i32>} : memref<2x256xf32, #tpu.memory_space<vmem>>, vector<16xf32>,
    %get3A_2355 = arith.constant 0 : i32
    %get3A_2356 = arith.constant 0 : i32
    %get3A_2357 = arith.index_cast %get3A_2355 : i32 to index
    %get3A_2358 = arith.index_cast %get3A_2356 : i32 to index
    %get3A_2359 = arith.constant 48 : index
    %get3A_2360 = tpu.vector_load %arg8[%get3A_2357, %get3A_2358, %get3A_2359] {strides = array<i32>} : memref<2x4x64xi32, #tpu.memory_space<vmem>>, vector<16xi32>,
    %add3A_2361 = arith.constant 0 : i32
    %add3A_2362 = vector.broadcast %add3A_2361 : i32 to vector<16xi32>
    %add3A_2363 = arith.addi %get3A_2360, %add3A_2362 : vector<16xi32>
    %gather3A_2364 = tpu.vector_load_idx %arg13[%add3A_2363] : memref<512xf32, #tpu.memory_space<vmem>>[vector<16xi32>], vector<16xf32>,
    %swap3A_2365 = arith.constant 0 : i32
    %swap3A_2366 = arith.index_cast %swap3A_2365 : i32 to index
    %swap3A_2367 = arith.constant 48 : index
    %swap3A_2368 = tpu.vector_load %arg14[%swap3A_2366, %swap3A_2367] {strides = array<i32>} : memref<2x256xf32, #tpu.memory_space<vmem>>, vector<16xf32>,
    tpu.vector_store %arg14[%swap3A_2366, %swap3A_2367], %gather3A_2364 {strides = array<i32>} : memref<2x256xf32, #tpu.memory_space<vmem>>, vector<16xf32>,
    %get3A_2369 = arith.constant 0 : i32
    %get3A_2370 = arith.constant 1 : i32
    %get3A_2371 = arith.index_cast %get3A_2369 : i32 to index
    %get3A_2372 = arith.index_cast %get3A_2370 : i32 to index
    %get3A_2373 = arith.constant 0 : index
    %get3A_2374 = tpu.vector_load %arg8[%get3A_2371, %get3A_2372, %get3A_2373] {strides = array<i32>} : memref<2x4x64xi32, #tpu.memory_space<vmem>>, vector<16xi32>,
    %add3A_2375 = arith.constant 128 : i32
    %add3A_2376 = vector.broadcast %add3A_2375 : i32 to vector<16xi32>
    %add3A_2377 = arith.addi %get3A_2374, %add3A_2376 : vector<16xi32>
    %gather3A_2378 = tpu.vector_load_idx %arg13[%add3A_2377] : memref<512xf32, #tpu.memory_space<vmem>>[vector<16xi32>], vector<16xf32>,
    %swap3A_2379 = arith.constant 0 : i32
    %swap3A_2380 = arith.index_cast %swap3A_2379 : i32 to index
    %swap3A_2381 = arith.constant 64 : index
    %swap3A_2382 = tpu.vector_load %arg14[%swap3A_2380, %swap3A_2381] {strides = array<i32>} : memref<2x256xf32, #tpu.memory_space<vmem>>, vector<16xf32>,
    tpu.vector_store %arg14[%swap3A_2380, %swap3A_2381], %gather3A_2378 {strides = array<i32>} : memref<2x256xf32, #tpu.memory_space<vmem>>, vector<16xf32>,
    %get3A_2383 = arith.constant 0 : i32
    %get3A_2384 = arith.constant 1 : i32
    %get3A_2385 = arith.index_cast %get3A_2383 : i32 to index
    %get3A_2386 = arith.index_cast %get3A_2384 : i32 to index
    %get3A_2387 = arith.constant 16 : index
    %get3A_2388 = tpu.vector_load %arg8[%get3A_2385, %get3A_2386, %get3A_2387] {strides = array<i32>} : memref<2x4x64xi32, #tpu.memory_space<vmem>>, vector<16xi32>,
    %add3A_2389 = arith.constant 128 : i32
    %add3A_2390 = vector.broadcast %add3A_2389 : i32 to vector<16xi32>
    %add3A_2391 = arith.addi %get3A_2388, %add3A_2390 : vector<16xi32>
    %gather3A_2392 = tpu.vector_load_idx %arg13[%add3A_2391] : memref<512xf32, #tpu.memory_space<vmem>>[vector<16xi32>], vector<16xf32>,
    %swap3A_2393 = arith.constant 0 : i32
    %swap3A_2394 = arith.index_cast %swap3A_2393 : i32 to index
    %swap3A_2395 = arith.constant 80 : index
    %swap3A_2396 = tpu.vector_load %arg14[%swap3A_2394, %swap3A_2395] {strides = array<i32>} : memref<2x256xf32, #tpu.memory_space<vmem>>, vector<16xf32>,
    tpu.vector_store %arg14[%swap3A_2394, %swap3A_2395], %gather3A_2392 {strides = array<i32>} : memref<2x256xf32, #tpu.memory_space<vmem>>, vector<16xf32>,
    %get3A_2397 = arith.constant 0 : i32
    %get3A_2398 = arith.constant 1 : i32
    %get3A_2399 = arith.index_cast %get3A_2397 : i32 to index
    %get3A_2400 = arith.index_cast %get3A_2398 : i32 to index
    %get3A_2401 = arith.constant 32 : index
    %get3A_2402 = tpu.vector_load %arg8[%get3A_2399, %get3A_2400, %get3A_2401] {strides = array<i32>} : memref<2x4x64xi32, #tpu.memory_space<vmem>>, vector<16xi32>,
    %add3A_2403 = arith.constant 128 : i32
    %add3A_2404 = vector.broadcast %add3A_2403 : i32 to vector<16xi32>
    %add3A_2405 = arith.addi %get3A_2402, %add3A_2404 : vector<16xi32>
    %gather3A_2406 = tpu.vector_load_idx %arg13[%add3A_2405] : memref<512xf32, #tpu.memory_space<vmem>>[vector<16xi32>], vector<16xf32>,
    %swap3A_2407 = arith.constant 0 : i32
    %swap3A_2408 = arith.index_cast %swap3A_2407 : i32 to index
    %swap3A_2409 = arith.constant 96 : index
    %swap3A_2410 = tpu.vector_load %arg14[%swap3A_2408, %swap3A_2409] {strides = array<i32>} : memref<2x256xf32, #tpu.memory_space<vmem>>, vector<16xf32>,
    tpu.vector_store %arg14[%swap3A_2408, %swap3A_2409], %gather3A_2406 {strides = array<i32>} : memref<2x256xf32, #tpu.memory_space<vmem>>, vector<16xf32>,
    %get3A_2411 = arith.constant 0 : i32
    %get3A_2412 = arith.constant 1 : i32
    %get3A_2413 = arith.index_cast %get3A_2411 : i32 to index
    %get3A_2414 = arith.index_cast %get3A_2412 : i32 to index
    %get3A_2415 = arith.constant 48 : index
    %get3A_2416 = tpu.vector_load %arg8[%get3A_2413, %get3A_2414, %get3A_2415] {strides = array<i32>} : memref<2x4x64xi32, #tpu.memory_space<vmem>>, vector<16xi32>,
    %add3A_2417 = arith.constant 128 : i32
    %add3A_2418 = vector.broadcast %add3A_2417 : i32 to vector<16xi32>
    %add3A_2419 = arith.addi %get3A_2416, %add3A_2418 : vector<16xi32>
    %gather3A_2420 = tpu.vector_load_idx %arg13[%add3A_2419] : memref<512xf32, #tpu.memory_space<vmem>>[vector<16xi32>], vector<16xf32>,
    %swap3A_2421 = arith.constant 0 : i32
    %swap3A_2422 = arith.index_cast %swap3A_2421 : i32 to index
    %swap3A_2423 = arith.constant 112 : index
    %swap3A_2424 = tpu.vector_load %arg14[%swap3A_2422, %swap3A_2423] {strides = array<i32>} : memref<2x256xf32, #tpu.memory_space<vmem>>, vector<16xf32>,
    tpu.vector_store %arg14[%swap3A_2422, %swap3A_2423], %gather3A_2420 {strides = array<i32>} : memref<2x256xf32, #tpu.memory_space<vmem>>, vector<16xf32>,
    %get3A_2425 = arith.constant 0 : i32
    %get3A_2426 = arith.constant 2 : i32
    %get3A_2427 = arith.index_cast %get3A_2425 : i32 to index
    %get3A_2428 = arith.index_cast %get3A_2426 : i32 to index
    %get3A_2429 = arith.constant 0 : index
    %get3A_2430 = tpu.vector_load %arg8[%get3A_2427, %get3A_2428, %get3A_2429] {strides = array<i32>} : memref<2x4x64xi32, #tpu.memory_space<vmem>>, vector<16xi32>,
    %add3A_2431 = arith.constant 256 : i32
    %add3A_2432 = vector.broadcast %add3A_2431 : i32 to vector<16xi32>
    %add3A_2433 = arith.addi %get3A_2430, %add3A_2432 : vector<16xi32>
    %gather3A_2434 = tpu.vector_load_idx %arg13[%add3A_2433] : memref<512xf32, #tpu.memory_space<vmem>>[vector<16xi32>], vector<16xf32>,
    %swap3A_2435 = arith.constant 0 : i32
    %swap3A_2436 = arith.index_cast %swap3A_2435 : i32 to index
    %swap3A_2437 = arith.constant 128 : index
    %swap3A_2438 = tpu.vector_load %arg14[%swap3A_2436, %swap3A_2437] {strides = array<i32>} : memref<2x256xf32, #tpu.memory_space<vmem>>, vector<16xf32>,
    tpu.vector_store %arg14[%swap3A_2436, %swap3A_2437], %gather3A_2434 {strides = array<i32>} : memref<2x256xf32, #tpu.memory_space<vmem>>, vector<16xf32>,
    %get3A_2439 = arith.constant 0 : i32
    %get3A_2440 = arith.constant 2 : i32
    %get3A_2441 = arith.index_cast %get3A_2439 : i32 to index
    %get3A_2442 = arith.index_cast %get3A_2440 : i32 to index
    %get3A_2443 = arith.constant 16 : index
    %get3A_2444 = tpu.vector_load %arg8[%get3A_2441, %get3A_2442, %get3A_2443] {strides = array<i32>} : memref<2x4x64xi32, #tpu.memory_space<vmem>>, vector<16xi32>,
    %add3A_2445 = arith.constant 256 : i32
    %add3A_2446 = vector.broadcast %add3A_2445 : i32 to vector<16xi32>
    %add3A_2447 = arith.addi %get3A_2444, %add3A_2446 : vector<16xi32>
    %gather3A_2448 = tpu.vector_load_idx %arg13[%add3A_2447] : memref<512xf32, #tpu.memory_space<vmem>>[vector<16xi32>], vector<16xf32>,
    %swap3A_2449 = arith.constant 0 : i32
    %swap3A_2450 = arith.index_cast %swap3A_2449 : i32 to index
    %swap3A_2451 = arith.constant 144 : index
    %swap3A_2452 = tpu.vector_load %arg14[%swap3A_2450, %swap3A_2451] {strides = array<i32>} : memref<2x256xf32, #tpu.memory_space<vmem>>, vector<16xf32>,
    tpu.vector_store %arg14[%swap3A_2450, %swap3A_2451], %gather3A_2448 {strides = array<i32>} : memref<2x256xf32, #tpu.memory_space<vmem>>, vector<16xf32>,
    %get3A_2453 = arith.constant 0 : i32
    %get3A_2454 = arith.constant 2 : i32
    %get3A_2455 = arith.index_cast %get3A_2453 : i32 to index
    %get3A_2456 = arith.index_cast %get3A_2454 : i32 to index
    %get3A_2457 = arith.constant 32 : index
    %get3A_2458 = tpu.vector_load %arg8[%get3A_2455, %get3A_2456, %get3A_2457] {strides = array<i32>} : memref<2x4x64xi32, #tpu.memory_space<vmem>>, vector<16xi32>,
    %add3A_2459 = arith.constant 256 : i32
    %add3A_2460 = vector.broadcast %add3A_2459 : i32 to vector<16xi32>
    %add3A_2461 = arith.addi %get3A_2458, %add3A_2460 : vector<16xi32>
    %gather3A_2462 = tpu.vector_load_idx %arg13[%add3A_2461] : memref<512xf32, #tpu.memory_space<vmem>>[vector<16xi32>], vector<16xf32>,
    %swap3A_2463 = arith.constant 0 : i32
    %swap3A_2464 = arith.index_cast %swap3A_2463 : i32 to index
    %swap3A_2465 = arith.constant 160 : index
    %swap3A_2466 = tpu.vector_load %arg14[%swap3A_2464, %swap3A_2465] {strides = array<i32>} : memref<2x256xf32, #tpu.memory_space<vmem>>, vector<16xf32>,
    tpu.vector_store %arg14[%swap3A_2464, %swap3A_2465], %gather3A_2462 {strides = array<i32>} : memref<2x256xf32, #tpu.memory_space<vmem>>, vector<16xf32>,
    %get3A_2467 = arith.constant 0 : i32
    %get3A_2468 = arith.constant 2 : i32
    %get3A_2469 = arith.index_cast %get3A_2467 : i32 to index
    %get3A_2470 = arith.index_cast %get3A_2468 : i32 to index
    %get3A_2471 = arith.constant 48 : index
    %get3A_2472 = tpu.vector_load %arg8[%get3A_2469, %get3A_2470, %get3A_2471] {strides = array<i32>} : memref<2x4x64xi32, #tpu.memory_space<vmem>>, vector<16xi32>,
    %add3A_2473 = arith.constant 256 : i32
    %add3A_2474 = vector.broadcast %add3A_2473 : i32 to vector<16xi32>
    %add3A_2475 = arith.addi %get3A_2472, %add3A_2474 : vector<16xi32>
    %gather3A_2476 = tpu.vector_load_idx %arg13[%add3A_2475] : memref<512xf32, #tpu.memory_space<vmem>>[vector<16xi32>], vector<16xf32>,
    %swap3A_2477 = arith.constant 0 : i32
    %swap3A_2478 = arith.index_cast %swap3A_2477 : i32 to index
    %swap3A_2479 = arith.constant 176 : index
    %swap3A_2480 = tpu.vector_load %arg14[%swap3A_2478, %swap3A_2479] {strides = array<i32>} : memref<2x256xf32, #tpu.memory_space<vmem>>, vector<16xf32>,
    tpu.vector_store %arg14[%swap3A_2478, %swap3A_2479], %gather3A_2476 {strides = array<i32>} : memref<2x256xf32, #tpu.memory_space<vmem>>, vector<16xf32>,
    %get3A_2481 = arith.constant 0 : i32
    %get3A_2482 = arith.constant 3 : i32
    %get3A_2483 = arith.index_cast %get3A_2481 : i32 to index
    %get3A_2484 = arith.index_cast %get3A_2482 : i32 to index
    %get3A_2485 = arith.constant 0 : index
    %get3A_2486 = tpu.vector_load %arg8[%get3A_2483, %get3A_2484, %get3A_2485] {strides = array<i32>} : memref<2x4x64xi32, #tpu.memory_space<vmem>>, vector<16xi32>,
    %add3A_2487 = arith.constant 384 : i32
    %add3A_2488 = vector.broadcast %add3A_2487 : i32 to vector<16xi32>
    %add3A_2489 = arith.addi %get3A_2486, %add3A_2488 : vector<16xi32>
    %gather3A_2490 = tpu.vector_load_idx %arg13[%add3A_2489] : memref<512xf32, #tpu.memory_space<vmem>>[vector<16xi32>], vector<16xf32>,
    %swap3A_2491 = arith.constant 0 : i32
    %swap3A_2492 = arith.index_cast %swap3A_2491 : i32 to index
    %swap3A_2493 = arith.constant 192 : index
    %swap3A_2494 = tpu.vector_load %arg14[%swap3A_2492, %swap3A_2493] {strides = array<i32>} : memref<2x256xf32, #tpu.memory_space<vmem>>, vector<16xf32>,
    tpu.vector_store %arg14[%swap3A_2492, %swap3A_2493], %gather3A_2490 {strides = array<i32>} : memref<2x256xf32, #tpu.memory_space<vmem>>, vector<16xf32>,
    %get3A_2495 = arith.constant 0 : i32
    %get3A_2496 = arith.constant 3 : i32
    %get3A_2497 = arith.index_cast %get3A_2495 : i32 to index
    %get3A_2498 = arith.index_cast %get3A_2496 : i32 to index
    %get3A_2499 = arith.constant 16 : index
    %get3A_2500 = tpu.vector_load %arg8[%get3A_2497, %get3A_2498, %get3A_2499] {strides = array<i32>} : memref<2x4x64xi32, #tpu.memory_space<vmem>>, vector<16xi32>,
    %add3A_2501 = arith.constant 384 : i32
    %add3A_2502 = vector.broadcast %add3A_2501 : i32 to vector<16xi32>
    %add3A_2503 = arith.addi %get3A_2500, %add3A_2502 : vector<16xi32>
    %gather3A_2504 = tpu.vector_load_idx %arg13[%add3A_2503] : memref<512xf32, #tpu.memory_space<vmem>>[vector<16xi32>], vector<16xf32>,
    %swap3A_2505 = arith.constant 0 : i32
    %swap3A_2506 = arith.index_cast %swap3A_2505 : i32 to index
    %swap3A_2507 = arith.constant 208 : index
    %swap3A_2508 = tpu.vector_load %arg14[%swap3A_2506, %swap3A_2507] {strides = array<i32>} : memref<2x256xf32, #tpu.memory_space<vmem>>, vector<16xf32>,
    tpu.vector_store %arg14[%swap3A_2506, %swap3A_2507], %gather3A_2504 {strides = array<i32>} : memref<2x256xf32, #tpu.memory_space<vmem>>, vector<16xf32>,
    %get3A_2509 = arith.constant 0 : i32
    %get3A_2510 = arith.constant 3 : i32
    %get3A_2511 = arith.index_cast %get3A_2509 : i32 to index
    %get3A_2512 = arith.index_cast %get3A_2510 : i32 to index
    %get3A_2513 = arith.constant 32 : index
    %get3A_2514 = tpu.vector_load %arg8[%get3A_2511, %get3A_2512, %get3A_2513] {strides = array<i32>} : memref<2x4x64xi32, #tpu.memory_space<vmem>>, vector<16xi32>,
    %add3A_2515 = arith.constant 384 : i32
    %add3A_2516 = vector.broadcast %add3A_2515 : i32 to vector<16xi32>
    %add3A_2517 = arith.addi %get3A_2514, %add3A_2516 : vector<16xi32>
    %gather3A_2518 = tpu.vector_load_idx %arg13[%add3A_2517] : memref<512xf32, #tpu.memory_space<vmem>>[vector<16xi32>], vector<16xf32>,
    %swap3A_2519 = arith.constant 0 : i32
    %swap3A_2520 = arith.index_cast %swap3A_2519 : i32 to index
    %swap3A_2521 = arith.constant 224 : index
    %swap3A_2522 = tpu.vector_load %arg14[%swap3A_2520, %swap3A_2521] {strides = array<i32>} : memref<2x256xf32, #tpu.memory_space<vmem>>, vector<16xf32>,
    tpu.vector_store %arg14[%swap3A_2520, %swap3A_2521], %gather3A_2518 {strides = array<i32>} : memref<2x256xf32, #tpu.memory_space<vmem>>, vector<16xf32>,
    %get3A_2523 = arith.constant 0 : i32
    %get3A_2524 = arith.constant 3 : i32
    %get3A_2525 = arith.index_cast %get3A_2523 : i32 to index
    %get3A_2526 = arith.index_cast %get3A_2524 : i32 to index
    %get3A_2527 = arith.constant 48 : index
    %get3A_2528 = tpu.vector_load %arg8[%get3A_2525, %get3A_2526, %get3A_2527] {strides = array<i32>} : memref<2x4x64xi32, #tpu.memory_space<vmem>>, vector<16xi32>,
    %add3A_2529 = arith.constant 384 : i32
    %add3A_2530 = vector.broadcast %add3A_2529 : i32 to vector<16xi32>
    %add3A_2531 = arith.addi %get3A_2528, %add3A_2530 : vector<16xi32>
    %gather3A_2532 = tpu.vector_load_idx %arg13[%add3A_2531] : memref<512xf32, #tpu.memory_space<vmem>>[vector<16xi32>], vector<16xf32>,
    %swap3A_2533 = arith.constant 0 : i32
    %swap3A_2534 = arith.index_cast %swap3A_2533 : i32 to index
    %swap3A_2535 = arith.constant 240 : index
    %swap3A_2536 = tpu.vector_load %arg14[%swap3A_2534, %swap3A_2535] {strides = array<i32>} : memref<2x256xf32, #tpu.memory_space<vmem>>, vector<16xf32>,
    tpu.vector_store %arg14[%swap3A_2534, %swap3A_2535], %gather3A_2532 {strides = array<i32>} : memref<2x256xf32, #tpu.memory_space<vmem>>, vector<16xf32>,
    %get3A_2537 = arith.constant 1 : i32
    %get3A_2538 = arith.constant 0 : i32
    %get3A_2539 = arith.index_cast %get3A_2537 : i32 to index
    %get3A_2540 = arith.index_cast %get3A_2538 : i32 to index
    %get3A_2541 = arith.constant 0 : index
    %get3A_2542 = tpu.vector_load %arg8[%get3A_2539, %get3A_2540, %get3A_2541] {strides = array<i32>} : memref<2x4x64xi32, #tpu.memory_space<vmem>>, vector<16xi32>,
    %add3A_2543 = arith.constant 0 : i32
    %add3A_2544 = vector.broadcast %add3A_2543 : i32 to vector<16xi32>
    %add3A_2545 = arith.addi %get3A_2542, %add3A_2544 : vector<16xi32>
    %gather3A_2546 = tpu.vector_load_idx %arg13[%add3A_2545] : memref<512xf32, #tpu.memory_space<vmem>>[vector<16xi32>], vector<16xf32>,
    %swap3A_2547 = arith.constant 1 : i32
    %swap3A_2548 = arith.index_cast %swap3A_2547 : i32 to index
    %swap3A_2549 = arith.constant 0 : index
    %swap3A_2550 = tpu.vector_load %arg14[%swap3A_2548, %swap3A_2549] {strides = array<i32>} : memref<2x256xf32, #tpu.memory_space<vmem>>, vector<16xf32>,
    tpu.vector_store %arg14[%swap3A_2548, %swap3A_2549], %gather3A_2546 {strides = array<i32>} : memref<2x256xf32, #tpu.memory_space<vmem>>, vector<16xf32>,
    %get3A_2551 = arith.constant 1 : i32
    %get3A_2552 = arith.constant 0 : i32
    %get3A_2553 = arith.index_cast %get3A_2551 : i32 to index
    %get3A_2554 = arith.index_cast %get3A_2552 : i32 to index
    %get3A_2555 = arith.constant 16 : index
    %get3A_2556 = tpu.vector_load %arg8[%get3A_2553, %get3A_2554, %get3A_2555] {strides = array<i32>} : memref<2x4x64xi32, #tpu.memory_space<vmem>>, vector<16xi32>,
    %add3A_2557 = arith.constant 0 : i32
    %add3A_2558 = vector.broadcast %add3A_2557 : i32 to vector<16xi32>
    %add3A_2559 = arith.addi %get3A_2556, %add3A_2558 : vector<16xi32>
    %gather3A_2560 = tpu.vector_load_idx %arg13[%add3A_2559] : memref<512xf32, #tpu.memory_space<vmem>>[vector<16xi32>], vector<16xf32>,
    %swap3A_2561 = arith.constant 1 : i32
    %swap3A_2562 = arith.index_cast %swap3A_2561 : i32 to index
    %swap3A_2563 = arith.constant 16 : index
    %swap3A_2564 = tpu.vector_load %arg14[%swap3A_2562, %swap3A_2563] {strides = array<i32>} : memref<2x256xf32, #tpu.memory_space<vmem>>, vector<16xf32>,
    tpu.vector_store %arg14[%swap3A_2562, %swap3A_2563], %gather3A_2560 {strides = array<i32>} : memref<2x256xf32, #tpu.memory_space<vmem>>, vector<16xf32>,
    %get3A_2565 = arith.constant 1 : i32
    %get3A_2566 = arith.constant 0 : i32
    %get3A_2567 = arith.index_cast %get3A_2565 : i32 to index
    %get3A_2568 = arith.index_cast %get3A_2566 : i32 to index
    %get3A_2569 = arith.constant 32 : index
    %get3A_2570 = tpu.vector_load %arg8[%get3A_2567, %get3A_2568, %get3A_2569] {strides = array<i32>} : memref<2x4x64xi32, #tpu.memory_space<vmem>>, vector<16xi32>,
    %add3A_2571 = arith.constant 0 : i32
    %add3A_2572 = vector.broadcast %add3A_2571 : i32 to vector<16xi32>
    %add3A_2573 = arith.addi %get3A_2570, %add3A_2572 : vector<16xi32>
    %gather3A_2574 = tpu.vector_load_idx %arg13[%add3A_2573] : memref<512xf32, #tpu.memory_space<vmem>>[vector<16xi32>], vector<16xf32>,
    %swap3A_2575 = arith.constant 1 : i32
    %swap3A_2576 = arith.index_cast %swap3A_2575 : i32 to index
    %swap3A_2577 = arith.constant 32 : index
    %swap3A_2578 = tpu.vector_load %arg14[%swap3A_2576, %swap3A_2577] {strides = array<i32>} : memref<2x256xf32, #tpu.memory_space<vmem>>, vector<16xf32>,
    tpu.vector_store %arg14[%swap3A_2576, %swap3A_2577], %gather3A_2574 {strides = array<i32>} : memref<2x256xf32, #tpu.memory_space<vmem>>, vector<16xf32>,
    %get3A_2579 = arith.constant 1 : i32
    %get3A_2580 = arith.constant 0 : i32
    %get3A_2581 = arith.index_cast %get3A_2579 : i32 to index
    %get3A_2582 = arith.index_cast %get3A_2580 : i32 to index
    %get3A_2583 = arith.constant 48 : index
    %get3A_2584 = tpu.vector_load %arg8[%get3A_2581, %get3A_2582, %get3A_2583] {strides = array<i32>} : memref<2x4x64xi32, #tpu.memory_space<vmem>>, vector<16xi32>,
    %add3A_2585 = arith.constant 0 : i32
    %add3A_2586 = vector.broadcast %add3A_2585 : i32 to vector<16xi32>
    %add3A_2587 = arith.addi %get3A_2584, %add3A_2586 : vector<16xi32>
    %gather3A_2588 = tpu.vector_load_idx %arg13[%add3A_2587] : memref<512xf32, #tpu.memory_space<vmem>>[vector<16xi32>], vector<16xf32>,
    %swap3A_2589 = arith.constant 1 : i32
    %swap3A_2590 = arith.index_cast %swap3A_2589 : i32 to index
    %swap3A_2591 = arith.constant 48 : index
    %swap3A_2592 = tpu.vector_load %arg14[%swap3A_2590, %swap3A_2591] {strides = array<i32>} : memref<2x256xf32, #tpu.memory_space<vmem>>, vector<16xf32>,
    tpu.vector_store %arg14[%swap3A_2590, %swap3A_2591], %gather3A_2588 {strides = array<i32>} : memref<2x256xf32, #tpu.memory_space<vmem>>, vector<16xf32>,
    %get3A_2593 = arith.constant 1 : i32
    %get3A_2594 = arith.constant 1 : i32
    %get3A_2595 = arith.index_cast %get3A_2593 : i32 to index
    %get3A_2596 = arith.index_cast %get3A_2594 : i32 to index
    %get3A_2597 = arith.constant 0 : index
    %get3A_2598 = tpu.vector_load %arg8[%get3A_2595, %get3A_2596, %get3A_2597] {strides = array<i32>} : memref<2x4x64xi32, #tpu.memory_space<vmem>>, vector<16xi32>,
    %add3A_2599 = arith.constant 128 : i32
    %add3A_2600 = vector.broadcast %add3A_2599 : i32 to vector<16xi32>
    %add3A_2601 = arith.addi %get3A_2598, %add3A_2600 : vector<16xi32>
    %gather3A_2602 = tpu.vector_load_idx %arg13[%add3A_2601] : memref<512xf32, #tpu.memory_space<vmem>>[vector<16xi32>], vector<16xf32>,
    %swap3A_2603 = arith.constant 1 : i32
    %swap3A_2604 = arith.index_cast %swap3A_2603 : i32 to index
    %swap3A_2605 = arith.constant 64 : index
    %swap3A_2606 = tpu.vector_load %arg14[%swap3A_2604, %swap3A_2605] {strides = array<i32>} : memref<2x256xf32, #tpu.memory_space<vmem>>, vector<16xf32>,
    tpu.vector_store %arg14[%swap3A_2604, %swap3A_2605], %gather3A_2602 {strides = array<i32>} : memref<2x256xf32, #tpu.memory_space<vmem>>, vector<16xf32>,
    %get3A_2607 = arith.constant 1 : i32
    %get3A_2608 = arith.constant 1 : i32
    %get3A_2609 = arith.index_cast %get3A_2607 : i32 to index
    %get3A_2610 = arith.index_cast %get3A_2608 : i32 to index
    %get3A_2611 = arith.constant 16 : index
    %get3A_2612 = tpu.vector_load %arg8[%get3A_2609, %get3A_2610, %get3A_2611] {strides = array<i32>} : memref<2x4x64xi32, #tpu.memory_space<vmem>>, vector<16xi32>,
    %add3A_2613 = arith.constant 128 : i32
    %add3A_2614 = vector.broadcast %add3A_2613 : i32 to vector<16xi32>
    %add3A_2615 = arith.addi %get3A_2612, %add3A_2614 : vector<16xi32>
    %gather3A_2616 = tpu.vector_load_idx %arg13[%add3A_2615] : memref<512xf32, #tpu.memory_space<vmem>>[vector<16xi32>], vector<16xf32>,
    %swap3A_2617 = arith.constant 1 : i32
    %swap3A_2618 = arith.index_cast %swap3A_2617 : i32 to index
    %swap3A_2619 = arith.constant 80 : index
    %swap3A_2620 = tpu.vector_load %arg14[%swap3A_2618, %swap3A_2619] {strides = array<i32>} : memref<2x256xf32, #tpu.memory_space<vmem>>, vector<16xf32>,
    tpu.vector_store %arg14[%swap3A_2618, %swap3A_2619], %gather3A_2616 {strides = array<i32>} : memref<2x256xf32, #tpu.memory_space<vmem>>, vector<16xf32>,
    %get3A_2621 = arith.constant 1 : i32
    %get3A_2622 = arith.constant 1 : i32
    %get3A_2623 = arith.index_cast %get3A_2621 : i32 to index
    %get3A_2624 = arith.index_cast %get3A_2622 : i32 to index
    %get3A_2625 = arith.constant 32 : index
    %get3A_2626 = tpu.vector_load %arg8[%get3A_2623, %get3A_2624, %get3A_2625] {strides = array<i32>} : memref<2x4x64xi32, #tpu.memory_space<vmem>>, vector<16xi32>,
    %add3A_2627 = arith.constant 128 : i32
    %add3A_2628 = vector.broadcast %add3A_2627 : i32 to vector<16xi32>
    %add3A_2629 = arith.addi %get3A_2626, %add3A_2628 : vector<16xi32>
    %gather3A_2630 = tpu.vector_load_idx %arg13[%add3A_2629] : memref<512xf32, #tpu.memory_space<vmem>>[vector<16xi32>], vector<16xf32>,
    %swap3A_2631 = arith.constant 1 : i32
    %swap3A_2632 = arith.index_cast %swap3A_2631 : i32 to index
    %swap3A_2633 = arith.constant 96 : index
    %swap3A_2634 = tpu.vector_load %arg14[%swap3A_2632, %swap3A_2633] {strides = array<i32>} : memref<2x256xf32, #tpu.memory_space<vmem>>, vector<16xf32>,
    tpu.vector_store %arg14[%swap3A_2632, %swap3A_2633], %gather3A_2630 {strides = array<i32>} : memref<2x256xf32, #tpu.memory_space<vmem>>, vector<16xf32>,
    %get3A_2635 = arith.constant 1 : i32
    %get3A_2636 = arith.constant 1 : i32
    %get3A_2637 = arith.index_cast %get3A_2635 : i32 to index
    %get3A_2638 = arith.index_cast %get3A_2636 : i32 to index
    %get3A_2639 = arith.constant 48 : index
    %get3A_2640 = tpu.vector_load %arg8[%get3A_2637, %get3A_2638, %get3A_2639] {strides = array<i32>} : memref<2x4x64xi32, #tpu.memory_space<vmem>>, vector<16xi32>,
    %add3A_2641 = arith.constant 128 : i32
    %add3A_2642 = vector.broadcast %add3A_2641 : i32 to vector<16xi32>
    %add3A_2643 = arith.addi %get3A_2640, %add3A_2642 : vector<16xi32>
    %gather3A_2644 = tpu.vector_load_idx %arg13[%add3A_2643] : memref<512xf32, #tpu.memory_space<vmem>>[vector<16xi32>], vector<16xf32>,
    %swap3A_2645 = arith.constant 1 : i32
    %swap3A_2646 = arith.index_cast %swap3A_2645 : i32 to index
    %swap3A_2647 = arith.constant 112 : index
    %swap3A_2648 = tpu.vector_load %arg14[%swap3A_2646, %swap3A_2647] {strides = array<i32>} : memref<2x256xf32, #tpu.memory_space<vmem>>, vector<16xf32>,
    tpu.vector_store %arg14[%swap3A_2646, %swap3A_2647], %gather3A_2644 {strides = array<i32>} : memref<2x256xf32, #tpu.memory_space<vmem>>, vector<16xf32>,
    %get3A_2649 = arith.constant 1 : i32
    %get3A_2650 = arith.constant 2 : i32
    %get3A_2651 = arith.index_cast %get3A_2649 : i32 to index
    %get3A_2652 = arith.index_cast %get3A_2650 : i32 to index
    %get3A_2653 = arith.constant 0 : index
    %get3A_2654 = tpu.vector_load %arg8[%get3A_2651, %get3A_2652, %get3A_2653] {strides = array<i32>} : memref<2x4x64xi32, #tpu.memory_space<vmem>>, vector<16xi32>,
    %add3A_2655 = arith.constant 256 : i32
    %add3A_2656 = vector.broadcast %add3A_2655 : i32 to vector<16xi32>
    %add3A_2657 = arith.addi %get3A_2654, %add3A_2656 : vector<16xi32>
    %gather3A_2658 = tpu.vector_load_idx %arg13[%add3A_2657] : memref<512xf32, #tpu.memory_space<vmem>>[vector<16xi32>], vector<16xf32>,
    %swap3A_2659 = arith.constant 1 : i32
    %swap3A_2660 = arith.index_cast %swap3A_2659 : i32 to index
    %swap3A_2661 = arith.constant 128 : index
    %swap3A_2662 = tpu.vector_load %arg14[%swap3A_2660, %swap3A_2661] {strides = array<i32>} : memref<2x256xf32, #tpu.memory_space<vmem>>, vector<16xf32>,
    tpu.vector_store %arg14[%swap3A_2660, %swap3A_2661], %gather3A_2658 {strides = array<i32>} : memref<2x256xf32, #tpu.memory_space<vmem>>, vector<16xf32>,
    %get3A_2663 = arith.constant 1 : i32
    %get3A_2664 = arith.constant 2 : i32
    %get3A_2665 = arith.index_cast %get3A_2663 : i32 to index
    %get3A_2666 = arith.index_cast %get3A_2664 : i32 to index
    %get3A_2667 = arith.constant 16 : index
    %get3A_2668 = tpu.vector_load %arg8[%get3A_2665, %get3A_2666, %get3A_2667] {strides = array<i32>} : memref<2x4x64xi32, #tpu.memory_space<vmem>>, vector<16xi32>,
    %add3A_2669 = arith.constant 256 : i32
    %add3A_2670 = vector.broadcast %add3A_2669 : i32 to vector<16xi32>
    %add3A_2671 = arith.addi %get3A_2668, %add3A_2670 : vector<16xi32>
    %gather3A_2672 = tpu.vector_load_idx %arg13[%add3A_2671] : memref<512xf32, #tpu.memory_space<vmem>>[vector<16xi32>], vector<16xf32>,
    %swap3A_2673 = arith.constant 1 : i32
    %swap3A_2674 = arith.index_cast %swap3A_2673 : i32 to index
    %swap3A_2675 = arith.constant 144 : index
    %swap3A_2676 = tpu.vector_load %arg14[%swap3A_2674, %swap3A_2675] {strides = array<i32>} : memref<2x256xf32, #tpu.memory_space<vmem>>, vector<16xf32>,
    tpu.vector_store %arg14[%swap3A_2674, %swap3A_2675], %gather3A_2672 {strides = array<i32>} : memref<2x256xf32, #tpu.memory_space<vmem>>, vector<16xf32>,
    %get3A_2677 = arith.constant 1 : i32
    %get3A_2678 = arith.constant 2 : i32
    %get3A_2679 = arith.index_cast %get3A_2677 : i32 to index
    %get3A_2680 = arith.index_cast %get3A_2678 : i32 to index
    %get3A_2681 = arith.constant 32 : index
    %get3A_2682 = tpu.vector_load %arg8[%get3A_2679, %get3A_2680, %get3A_2681] {strides = array<i32>} : memref<2x4x64xi32, #tpu.memory_space<vmem>>, vector<16xi32>,
    %add3A_2683 = arith.constant 256 : i32
    %add3A_2684 = vector.broadcast %add3A_2683 : i32 to vector<16xi32>
    %add3A_2685 = arith.addi %get3A_2682, %add3A_2684 : vector<16xi32>
    %gather3A_2686 = tpu.vector_load_idx %arg13[%add3A_2685] : memref<512xf32, #tpu.memory_space<vmem>>[vector<16xi32>], vector<16xf32>,
    %swap3A_2687 = arith.constant 1 : i32
    %swap3A_2688 = arith.index_cast %swap3A_2687 : i32 to index
    %swap3A_2689 = arith.constant 160 : index
    %swap3A_2690 = tpu.vector_load %arg14[%swap3A_2688, %swap3A_2689] {strides = array<i32>} : memref<2x256xf32, #tpu.memory_space<vmem>>, vector<16xf32>,
    tpu.vector_store %arg14[%swap3A_2688, %swap3A_2689], %gather3A_2686 {strides = array<i32>} : memref<2x256xf32, #tpu.memory_space<vmem>>, vector<16xf32>,
    %get3A_2691 = arith.constant 1 : i32
    %get3A_2692 = arith.constant 2 : i32
    %get3A_2693 = arith.index_cast %get3A_2691 : i32 to index
    %get3A_2694 = arith.index_cast %get3A_2692 : i32 to index
    %get3A_2695 = arith.constant 48 : index
    %get3A_2696 = tpu.vector_load %arg8[%get3A_2693, %get3A_2694, %get3A_2695] {strides = array<i32>} : memref<2x4x64xi32, #tpu.memory_space<vmem>>, vector<16xi32>,
    %add3A_2697 = arith.constant 256 : i32
    %add3A_2698 = vector.broadcast %add3A_2697 : i32 to vector<16xi32>
    %add3A_2699 = arith.addi %get3A_2696, %add3A_2698 : vector<16xi32>
    %gather3A_2700 = tpu.vector_load_idx %arg13[%add3A_2699] : memref<512xf32, #tpu.memory_space<vmem>>[vector<16xi32>], vector<16xf32>,
    %swap3A_2701 = arith.constant 1 : i32
    %swap3A_2702 = arith.index_cast %swap3A_2701 : i32 to index
    %swap3A_2703 = arith.constant 176 : index
    %swap3A_2704 = tpu.vector_load %arg14[%swap3A_2702, %swap3A_2703] {strides = array<i32>} : memref<2x256xf32, #tpu.memory_space<vmem>>, vector<16xf32>,
    tpu.vector_store %arg14[%swap3A_2702, %swap3A_2703], %gather3A_2700 {strides = array<i32>} : memref<2x256xf32, #tpu.memory_space<vmem>>, vector<16xf32>,
    %get3A_2705 = arith.constant 1 : i32
    %get3A_2706 = arith.constant 3 : i32
    %get3A_2707 = arith.index_cast %get3A_2705 : i32 to index
    %get3A_2708 = arith.index_cast %get3A_2706 : i32 to index
    %get3A_2709 = arith.constant 0 : index
    %get3A_2710 = tpu.vector_load %arg8[%get3A_2707, %get3A_2708, %get3A_2709] {strides = array<i32>} : memref<2x4x64xi32, #tpu.memory_space<vmem>>, vector<16xi32>,
    %add3A_2711 = arith.constant 384 : i32
    %add3A_2712 = vector.broadcast %add3A_2711 : i32 to vector<16xi32>
    %add3A_2713 = arith.addi %get3A_2710, %add3A_2712 : vector<16xi32>
    %gather3A_2714 = tpu.vector_load_idx %arg13[%add3A_2713] : memref<512xf32, #tpu.memory_space<vmem>>[vector<16xi32>], vector<16xf32>,
    %swap3A_2715 = arith.constant 1 : i32
    %swap3A_2716 = arith.index_cast %swap3A_2715 : i32 to index
    %swap3A_2717 = arith.constant 192 : index
    %swap3A_2718 = tpu.vector_load %arg14[%swap3A_2716, %swap3A_2717] {strides = array<i32>} : memref<2x256xf32, #tpu.memory_space<vmem>>, vector<16xf32>,
    tpu.vector_store %arg14[%swap3A_2716, %swap3A_2717], %gather3A_2714 {strides = array<i32>} : memref<2x256xf32, #tpu.memory_space<vmem>>, vector<16xf32>,
    %get3A_2719 = arith.constant 1 : i32
    %get3A_2720 = arith.constant 3 : i32
    %get3A_2721 = arith.index_cast %get3A_2719 : i32 to index
    %get3A_2722 = arith.index_cast %get3A_2720 : i32 to index
    %get3A_2723 = arith.constant 16 : index
    %get3A_2724 = tpu.vector_load %arg8[%get3A_2721, %get3A_2722, %get3A_2723] {strides = array<i32>} : memref<2x4x64xi32, #tpu.memory_space<vmem>>, vector<16xi32>,
    %add3A_2725 = arith.constant 384 : i32
    %add3A_2726 = vector.broadcast %add3A_2725 : i32 to vector<16xi32>
    %add3A_2727 = arith.addi %get3A_2724, %add3A_2726 : vector<16xi32>
    %gather3A_2728 = tpu.vector_load_idx %arg13[%add3A_2727] : memref<512xf32, #tpu.memory_space<vmem>>[vector<16xi32>], vector<16xf32>,
    %swap3A_2729 = arith.constant 1 : i32
    %swap3A_2730 = arith.index_cast %swap3A_2729 : i32 to index
    %swap3A_2731 = arith.constant 208 : index
    %swap3A_2732 = tpu.vector_load %arg14[%swap3A_2730, %swap3A_2731] {strides = array<i32>} : memref<2x256xf32, #tpu.memory_space<vmem>>, vector<16xf32>,
    tpu.vector_store %arg14[%swap3A_2730, %swap3A_2731], %gather3A_2728 {strides = array<i32>} : memref<2x256xf32, #tpu.memory_space<vmem>>, vector<16xf32>,
    %get3A_2733 = arith.constant 1 : i32
    %get3A_2734 = arith.constant 3 : i32
    %get3A_2735 = arith.index_cast %get3A_2733 : i32 to index
    %get3A_2736 = arith.index_cast %get3A_2734 : i32 to index
    %get3A_2737 = arith.constant 32 : index
    %get3A_2738 = tpu.vector_load %arg8[%get3A_2735, %get3A_2736, %get3A_2737] {strides = array<i32>} : memref<2x4x64xi32, #tpu.memory_space<vmem>>, vector<16xi32>,
    %add3A_2739 = arith.constant 384 : i32
    %add3A_2740 = vector.broadcast %add3A_2739 : i32 to vector<16xi32>
    %add3A_2741 = arith.addi %get3A_2738, %add3A_2740 : vector<16xi32>
    %gather3A_2742 = tpu.vector_load_idx %arg13[%add3A_2741] : memref<512xf32, #tpu.memory_space<vmem>>[vector<16xi32>], vector<16xf32>,
    %swap3A_2743 = arith.constant 1 : i32
    %swap3A_2744 = arith.index_cast %swap3A_2743 : i32 to index
    %swap3A_2745 = arith.constant 224 : index
    %swap3A_2746 = tpu.vector_load %arg14[%swap3A_2744, %swap3A_2745] {strides = array<i32>} : memref<2x256xf32, #tpu.memory_space<vmem>>, vector<16xf32>,
    tpu.vector_store %arg14[%swap3A_2744, %swap3A_2745], %gather3A_2742 {strides = array<i32>} : memref<2x256xf32, #tpu.memory_space<vmem>>, vector<16xf32>,
    %get3A_2747 = arith.constant 1 : i32
    %get3A_2748 = arith.constant 3 : i32
    %get3A_2749 = arith.index_cast %get3A_2747 : i32 to index
    %get3A_2750 = arith.index_cast %get3A_2748 : i32 to index
    %get3A_2751 = arith.constant 48 : index
    %get3A_2752 = tpu.vector_load %arg8[%get3A_2749, %get3A_2750, %get3A_2751] {strides = array<i32>} : memref<2x4x64xi32, #tpu.memory_space<vmem>>, vector<16xi32>,
    %add3A_2753 = arith.constant 384 : i32
    %add3A_2754 = vector.broadcast %add3A_2753 : i32 to vector<16xi32>
    %add3A_2755 = arith.addi %get3A_2752, %add3A_2754 : vector<16xi32>
    %gather3A_2756 = tpu.vector_load_idx %arg13[%add3A_2755] : memref<512xf32, #tpu.memory_space<vmem>>[vector<16xi32>], vector<16xf32>,
    %swap3A_2757 = arith.constant 1 : i32
    %swap3A_2758 = arith.index_cast %swap3A_2757 : i32 to index
    %swap3A_2759 = arith.constant 240 : index
    %swap3A_2760 = tpu.vector_load %arg14[%swap3A_2758, %swap3A_2759] {strides = array<i32>} : memref<2x256xf32, #tpu.memory_space<vmem>>, vector<16xf32>,
    tpu.vector_store %arg14[%swap3A_2758, %swap3A_2759], %gather3A_2756 {strides = array<i32>} : memref<2x256xf32, #tpu.memory_space<vmem>>, vector<16xf32>,
    %mul3A_2761 = arith.constant 2 : i32
    %mul3A_2762 = arith.muli %add3A, %mul3A_2761 : i32
    "tpu.region"() ({
      %run_scoped3A_2763 = tpu.sem_alloc : memref<!tpu.dma_semaphore, #tpu.memory_space<semaphore_mem>>
      %dma_start3A_2764 = arith.constant 0 : i32
      %dma_start3A_2765 = tpu.memref_slice %arg5[%mul3A_2762, %dma_start3A_2764] : memref<64x256xf32, #tpu.memory_space<hbm>> -> memref<2x256xf32, #tpu.memory_space<hbm>>
      %dma_start3A_2766 = arith.constant 0 : i32
      %dma_start3A_2767 = tpu.memref_slice %arg5[%mul3A_2762, %dma_start3A_2766] : memref<64x256xf32, #tpu.memory_space<hbm>> -> memref<2x256xf32, #tpu.memory_space<hbm>>
      tpu.enqueue_dma source(%arg14 : memref<2x256xf32, #tpu.memory_space<vmem>>) target(%dma_start3A_2767 : memref<2x256xf32, #tpu.memory_space<hbm>>) target_semaphore(%run_scoped3A_2763 : memref<!tpu.dma_semaphore, #tpu.memory_space<semaphore_mem>>)
      %dma_wait3A_2768 = arith.constant 0 : i32
      %dma_wait3A_2769 = tpu.memref_slice %arg5[%mul3A_2762, %dma_wait3A_2768] : memref<64x256xf32, #tpu.memory_space<hbm>> -> memref<2x256xf32, #tpu.memory_space<hbm>>
      %dma_wait3A_2770 = arith.constant 0 : i32
      %dma_wait3A_2771 = tpu.memref_slice %arg5[%mul3A_2762, %dma_wait3A_2770] : memref<64x256xf32, #tpu.memory_space<hbm>> -> memref<2x256xf32, #tpu.memory_space<hbm>>
      tpu.wait_dma2 semaphore(%run_scoped3A_2763 : memref<!tpu.dma_semaphore, #tpu.memory_space<semaphore_mem>>) src(%arg14 : memref<2x256xf32, #tpu.memory_space<vmem>>) dst(%dma_wait3A_2771 : memref<2x256xf32, #tpu.memory_space<hbm>>)
      tpu.yield
    }) : () -> ()
    return
  }
}

module attributes {stable_mosaic.version = 14 : i64} {
  func.func @body(%arg0: i32, %arg1: memref<128x64x256xf32, #tpu.memory_space<vmem>>, %arg2: memref<64x256xf32, #tpu.memory_space<vmem>>, %arg3: memref<128x64x256xf32, #tpu.memory_space<vmem>>) attributes {dimension_semantics = [#tpu.dimension_semantics<arbitrary>], iteration_bounds = array<i64: 16>, scalar_prefetch = 0 : i64, scratch_operands = 0 : i64, tpu.core_type = #tpu.core_type<tc>, window_params = [{transform_indices = @transform_0, window_bounds = array<i64: 128, 64, 256>}, {pipeline_mode = #tpu.pipeline_mode<synchronous>, transform_indices = @transform_1, window_bounds = array<i64: 64, 256>}, {transform_indices = @transform_2, window_bounds = array<i64: 128, 64, 256>}]} {
    %get3A = arith.constant 0 : index
    %get3A_0 = arith.constant 0 : index
    %get3A_1 = arith.constant 0 : index
    %get3A_2 = vector.load %arg1[%get3A, %get3A_0, %get3A_1] : memref<128x64x256xf32, #tpu.memory_space<vmem>>, vector<128x64x256xf32>
    %reshape3A = vector.shape_cast %get3A_2 : vector<128x64x256xf32> to vector<4x2048x256xf32>
    %jit3A = arith.constant 2 : i32
    %div3A = arith.divsi %arg0, %jit3A : i32
    %sign3A = arith.constant 0 : i32
    %sign3A_3 = arith.cmpi sgt, %arg0, %sign3A : i32
    %sign3A_4 = arith.extui %sign3A_3 : i1 to i32
    %sign3A_5 = arith.constant 0 : i32
    %sign3A_6 = arith.cmpi slt, %arg0, %sign3A_5 : i32
    %sign3A_7 = arith.extui %sign3A_6 : i1 to i32
    %sign3A_8 = arith.subi %sign3A_4, %sign3A_7 : i32
    %sign3A_9 = arith.constant 0 : i32
    %sign3A_10 = arith.cmpi sgt, %jit3A, %sign3A_9 : i32
    %sign3A_11 = arith.extui %sign3A_10 : i1 to i32
    %sign3A_12 = arith.constant 0 : i32
    %sign3A_13 = arith.cmpi slt, %jit3A, %sign3A_12 : i32
    %sign3A_14 = arith.extui %sign3A_13 : i1 to i32
    %sign3A_15 = arith.subi %sign3A_11, %sign3A_14 : i32
    %ne3A = arith.cmpi ne, %sign3A_8, %sign3A_15 : i32
    %rem3A = arith.remsi %arg0, %jit3A : i32
    %ne3A_16 = arith.constant 0 : i32
    %ne3A_17 = arith.cmpi ne, %rem3A, %ne3A_16 : i32
    %and3A = arith.andi %ne3A, %ne3A_17 : i1
    %sub3A = arith.constant 1 : i32
    %sub3A_18 = arith.subi %div3A, %sub3A : i32
    %select_n3A = arith.select %and3A, %sub3A_18, %div3A : i32
    %mul3A = arith.constant 8 : i32
    %mul3A_19 = arith.muli %select_n3A, %mul3A : i32
    %multiple_of3A = tpu.assume_multiple %mul3A_19, 8 : i32
    %get3A_20 = arith.index_cast %multiple_of3A : i32 to index
    %get3A_21 = arith.constant 0 : index
    %get3A_22 = vector.load %arg2[%get3A_20, %get3A_21] : memref<64x256xf32, #tpu.memory_space<vmem>>, vector<8x256xf32>
    %jit3A_23 = arith.constant 2 : i32
    %eq3A = arith.constant 0 : i32
    %eq3A_24 = arith.cmpi eq, %jit3A_23, %eq3A : i32
    %jit3A_25 = arith.constant 1 : i32
    %select_n3A_26 = arith.select %eq3A_24, %jit3A_25, %jit3A_23 : i32
    %rem3A_27 = arith.remsi %arg0, %select_n3A_26 : i32
    %ne3A_28 = arith.constant 0 : i32
    %ne3A_29 = arith.cmpi ne, %rem3A_27, %ne3A_28 : i32
    %lt3A = arith.constant 0 : i32
    %lt3A_30 = arith.cmpi slt, %rem3A_27, %lt3A : i32
    %lt3A_31 = arith.constant 0 : i32
    %lt3A_32 = arith.cmpi slt, %select_n3A_26, %lt3A_31 : i32
    %ne3A_33 = arith.xori %lt3A_30, %lt3A_32 : i1
    %and3A_34 = arith.andi %ne3A_33, %ne3A_29 : i1
    %add3A = arith.addi %rem3A_27, %select_n3A_26 : i32
    %select_n3A_35 = arith.select %and3A_34, %add3A, %rem3A_27 : i32
    %eq3A_36 = arith.constant 0 : i32
    %eq3A_37 = arith.cmpi eq, %select_n3A_35, %eq3A_36 : i32
    %slice3A = vector.extract_strided_slice %get3A_22 {offsets = [0, 0], sizes = [4, 256], strides = [1, 1]} : vector<8x256xf32> to vector<4x256xf32>
    %slice3A_38 = vector.extract_strided_slice %get3A_22 {offsets = [4, 0], sizes = [4, 256], strides = [1, 1]} : vector<8x256xf32> to vector<4x256xf32>
    %select_n3A_39 = arith.select %eq3A_37, %slice3A, %slice3A_38 : vector<4x256xf32>
    %broadcast_in_dim3A = vector.shape_cast %select_n3A_39 : vector<4x256xf32> to vector<4x1x256xf32>
    %sub3A_40 = vector.broadcast %broadcast_in_dim3A : vector<4x1x256xf32> to vector<4x2048x256xf32>
    %sub3A_41 = arith.subf %reshape3A, %sub3A_40 : vector<4x2048x256xf32>
    %reshape3A_42 = vector.shape_cast %sub3A_41 : vector<4x2048x256xf32> to vector<128x64x256xf32>
    %swap3A = arith.constant 0 : index
    %swap3A_43 = arith.constant 0 : index
    %swap3A_44 = arith.constant 0 : index
    %swap3A_45 = vector.load %arg3[%swap3A, %swap3A_43, %swap3A_44] : memref<128x64x256xf32, #tpu.memory_space<vmem>>, vector<128x64x256xf32>
    tpu.vector_store %arg3[%swap3A, %swap3A_43, %swap3A_44], %reshape3A_42 {strides = array<i32>} : memref<128x64x256xf32, #tpu.memory_space<vmem>>, vector<128x64x256xf32>,
    return
  }
  func.func @transform_0(%arg0: i32) -> (i32, i32, i32) {
    %c0_i32 = arith.constant 0 : i32
    %c0_i32_0 = arith.constant 0 : i32
    %c0_i32_1 = arith.constant 0 : i32
    return %arg0, %c0_i32, %c0_i32_0 : i32, i32, i32
  }
  func.func @transform_1(%arg0: i32) -> (i32, i32) {
    %c0_i32 = arith.constant 0 : i32
    %c0_i32_0 = arith.constant 0 : i32
    %c0_i32_1 = arith.constant 0 : i32
    return %c0_i32, %c0_i32_0 : i32, i32
  }
  func.func @transform_2(%arg0: i32) -> (i32, i32, i32) {
    %c0_i32 = arith.constant 0 : i32
    %c0_i32_0 = arith.constant 0 : i32
    %c0_i32_1 = arith.constant 0 : i32
    return %arg0, %c0_i32, %c0_i32_0 : i32, i32, i32
  }
}

module attributes {stable_mosaic.version = 14 : i64} {
  func.func @body(%arg0: i32, %arg1: memref<256x64x256xf32, #tpu.memory_space<vmem>>, %arg2: memref<8x256xf32, #tpu.memory_space<vmem>>) attributes {dimension_semantics = [#tpu.dimension_semantics<arbitrary>], iteration_bounds = array<i64: 8>, scalar_prefetch = 0 : i64, scratch_operands = 0 : i64, tpu.core_type = #tpu.core_type<tc>, window_params = [{transform_indices = @transform_0, window_bounds = array<i64: 256, 64, 256>}, {transform_indices = @transform_1, window_bounds = array<i64: 8, 256>}]} {
    %get3A = arith.constant 0 : index
    %get3A_0 = arith.constant 0 : index
    %get3A_1 = arith.constant 0 : index
    %get3A_2 = vector.load %arg1[%get3A, %get3A_0, %get3A_1] : memref<256x64x256xf32, #tpu.memory_space<vmem>>, vector<256x64x256xf32>
    %reshape3A = vector.shape_cast %get3A_2 : vector<256x64x256xf32> to vector<8x2048x256xf32>
    %reduce_sum3A = arith.constant dense<0.000000e+00> : vector<8x256xf32>
    %reduce_sum3A_3 = vector.multi_reduction <add>, %reshape3A, %reduce_sum3A [1] : vector<8x2048x256xf32> to vector<8x256xf32>
    %swap3A = arith.constant 0 : index
    %swap3A_4 = arith.constant 0 : index
    %swap3A_5 = vector.load %arg2[%swap3A, %swap3A_4] : memref<8x256xf32, #tpu.memory_space<vmem>>, vector<8x256xf32>
    tpu.vector_store %arg2[%swap3A, %swap3A_4], %reduce_sum3A_3 {strides = array<i32>} : memref<8x256xf32, #tpu.memory_space<vmem>>, vector<8x256xf32>,
    return
  }
  func.func @transform_0(%arg0: i32) -> (i32, i32, i32) {
    %c0_i32 = arith.constant 0 : i32
    %c0_i32_0 = arith.constant 0 : i32
    %c0_i32_1 = arith.constant 0 : i32
    return %arg0, %c0_i32, %c0_i32_0 : i32, i32, i32
  }
  func.func @transform_1(%arg0: i32) -> (i32, i32) {
    %c0_i32 = arith.constant 0 : i32
    %c0_i32_0 = arith.constant 0 : i32
    return %arg0, %c0_i32 : i32, i32
  }
}

</mosaic_0001>

<sc_bundles>
// kernel: kernel.5.cloned.1.call-start
scs
__scs_entry_jumppad:
0x0: {  	(pc) =	sbr.rel $0x88, $3  }
0x1: {  	(tag) =	ssettag $0x0;
	lr =	simm.s32 $0x1  }
0x2: {  	[smem:$0x3F9E] =	sst lr;
	_ =	strace $0xD0000000  }
0x3: {  	_ = 	snop  }
0x4: {  	_ = 	snop  }
0x5: {  	_ = 	snop  }
0x6: {  	_ = 	snop  }
0x7: {  	_ = 	snop  }
__scs_overlays_trampoline_lowered:
0x8: {  	[smem:$0x3FAD] =	sst s0  }
0x9: {  	[smem:$0x3FAE] =	sst s1  }
0xa: {  	[smem:$0x3FAF] =	sst s2  }
0xb: {  	[smem:$0x3FB0] =	sst s3  }
0xc: {  	[smem:$0x3FB1] =	sst s4  }
0xd: {  	[smem:$0x3FB2] =	sst s5  }
0xe: {  	[smem:$0x3FB3] =	sst s6  }
0xf: {  	[smem:$0x3FB4] =	sst s7  }
0x10: {  	[smem:$0x3FB5] =	sst s8  }
0x11: {  	[smem:$0x3FB6] =	sst s9;
	s0 =	simm.s32 @!p0 $0x0  }
0x12: {  	s1 =	sld [smem:$0x3F9C];
	s0 =	simm.s32 @p0 $0x1  }
0x13: {  	[smem:$0x3FB7] =	sst s0;
	s0 =	simm.s32 @!p1 $0x0  }
0x14: {  	s2 =	sld [smem:$0x3F9B];
	s0 =	simm.s32 @p1 $0x1  }
0x15: {  	[smem:$0x3FB8] =	sst s0;
	s0 =	simm.s32 @!p2 $0x0  }
0x16: {  	s3 =	sld [smem:$0x3FDB];
	s0 =	simm.s32 @p2 $0x1  }
0x17: {  	s4 =	simm.s32 $0x1BF5;
	[smem:$0x3FBA] =	sst s0  }
0x18: {  	s0 =	sld [smem:$0x3F9D];
	_ =	swait.ge [sflag:s4], $0x0  }
0x19: {  	s7 =	sld [smem:$0x3F9E]  }
0x1a: {  	s8 =	sadd.s32 $0xFFFFE003, lr  }
0x1b: {  	s9 =	sadd.s32 $0xFFFFFEF7, lr;
	s5 =	simm.s32 $0xFFFFFFFF;
	p2 =	slt.u32 s8, $0xFFFFF086  }
0x1c: {  	p1 =	slt.u32 s9, $0xF7A;
	s5 =	simm.s32 @!p2 $0x0  }
0x1d: {  	s5 =	simm.s32 @p1 $0x1;
	p0 =	seq.s32 s7, s2  }
0x1e: {  	s7 =	smul.u32 @!p0 $0xF7A, s2;
	p2 =	seq.s32 @!p0 s5, $0x0  }
0x1f: {  	s9 =	smul.u32 $0xF7A, s1;
	s8 =	simm.s32 @!p0 $0x1BF5;
	p2 =	por !p2, p0  }
0x20: {  	[sflag:s8] =	ssyncset.s32 @!p0 $0xFFFFF086;
	s6 =	sadd.s32 @!p0 s3, s7;
	s7 =	simm.s32 @!p0 $0x108  }
0x21: {  	s3 =	sadd.s32 s3, s9;
	s6 =	sadd.s32 @!p0 $0x88, s6;
	s7 =	simm.s32 @p2 $0x1082  }
0x22: {  	[simem:s7], [sflag:s8] =	dma.local @!p0 [hbm:s6], $0xF7A  }
0x23: {  	s9 =	sor.u32 $0xD0000000, s2;
	s6 =	simm.s32 $0x108;
	_ =	swait.ge @!p0 [sflag:s8], $0x0  }
0x24: {  	s3 =	sadd.s32 $0x88, s3;
	s6 =	simm.s32 @!p1 $0x1082;
	[sflag:s4] =	ssyncset.s32 $0xFFFFF086  }
0x25: {  	[simem:s6], [sflag:s4] =	dma.local [hbm:s3], $0xF7A  }
0x26: {  	[smem:$0x3F9E] =	sst s1;
	(tag) =	ssettag s2;
	_ =	strace s9  }
0x27: {  	s1 =	sld [smem:$0x3FAE]  }
0x28: {  	s2 =	sld [smem:$0x3FAF]  }
0x29: {  	s4 =	sld [smem:$0x3FB1]  }
0x2a: {  	p0 =	seq.s32 s5, $0x0;
	s5 =	sld [smem:$0x3FB2]  }
0x2b: {  	s6 =	sld [smem:$0x3FB3]  }
0x2c: {  	s7 =	sld [smem:$0x3FB4]  }
0x2d: {  	s3 =	simm.s32 $0x108;
	s8 =	sld [smem:$0x3FB5]  }
0x2e: {  	s3 =	simm.s32 @!p0 $0x1082;
	s9 =	sld [smem:$0x3FB6]  }
0x2f: {  	lr =	sadd.s32 s0, s3;
	s0 =	sld [smem:$0x3FAD]  }
0x30: {  	s3 =	sld [smem:$0x3FB0]  }
0x31: {  	[smem:$0x3FB9] =	sst s10  }
0x32: {  	s10 =	sld [smem:$0x3FB7];
	_ =	sdelay $0x3  }
0x33: {  	p0 =	seq.s32 s10, $0x1;
	s10 =	sld [smem:$0x3FB9];
	_ =	sdelay $0x3  }
0x34: {  	[smem:$0x3FB9] =	sst s10  }
0x35: {  	s10 =	sld [smem:$0x3FB8];
	_ =	sdelay $0x3  }
0x36: {  	p1 =	seq.s32 s10, $0x1;
	s10 =	sld [smem:$0x3FB9];
	_ =	sdelay $0x3  }
0x37: {  	[smem:$0x3FB9] =	sst s10  }
0x38: {  	s10 =	sld [smem:$0x3FBA]  }
0x39: {  	_ = 	snop;
	(pc) =	sbr.ind lr, $3  }
0x3a: {  	_ = 	snop  }
0x3b: {  	_ = 	snop  }
0x3c: {  	p2 =	seq.s32 s10, $0x1;
	s10 =	sld [smem:$0x3FB9]  }
0x3d: {  	_ =	shalt  }
0x3e: {  	_ =	shalt  }
0x3f: {  	_ =	shalt  }
0x40: {  	_ =	shalt  }
0x41: {  	_ =	shalt  }
0x42: {  	_ =	shalt  }
0x43: {  	_ =	shalt  }
0x44: {  	_ =	shalt  }
0x45: {  	_ =	shalt  }
0x46: {  	_ =	shalt  }
0x47: {  	_ =	shalt  }
0x48: {  	_ =	shalt  }
0x49: {  	_ =	shalt  }
0x4a: {  	_ =	shalt  }
0x4b: {  	_ =	shalt  }
0x4c: {  	_ =	shalt  }
0x4d: {  	_ =	shalt  }
0x4e: {  	_ =	shalt  }
0x4f: {  	_ =	shalt  }
0x50: {  	_ =	shalt  }
0x51: {  	_ =	shalt  }
0x52: {  	_ =	shalt  }
0x53: {  	_ =	shalt  }
0x54: {  	_ =	shalt  }
0x55: {  	_ =	shalt  }
0x56: {  	_ =	shalt  }
0x57: {  	_ =	shalt  }
0x58: {  	_ =	shalt  }
0x59: {  	_ =	shalt  }
0x5a: {  	_ =	shalt  }
0x5b: {  	_ =	shalt  }
0x5c: {  	_ =	shalt  }
0x5d: {  	_ =	shalt  }
0x5e: {  	_ =	shalt  }
0x5f: {  	_ =	shalt  }
0x60: {  	_ =	shalt  }
0x61: {  	_ =	shalt  }
0x62: {  	_ =	shalt  }
0x63: {  	_ =	shalt  }
0x64: {  	_ =	shalt  }
0x65: {  	_ =	shalt  }
0x66: {  	_ =	shalt  }
0x67: {  	_ =	shalt  }
0x68: {  	_ =	shalt  }
0x69: {  	_ =	shalt  }
0x6a: {  	_ =	shalt  }
0x6b: {  	_ =	shalt  }
0x6c: {  	_ =	shalt  }
0x6d: {  	_ =	shalt  }
0x6e: {  	_ =	shalt  }
0x6f: {  	_ =	shalt  }
0x70: {  	_ =	shalt  }
0x71: {  	_ =	shalt  }
0x72: {  	_ =	shalt  }
0x73: {  	_ =	shalt  }
0x74: {  	_ =	shalt  }
0x75: {  	_ =	shalt  }
0x76: {  	_ =	shalt  }
0x77: {  	_ =	shalt  }
0x78: {  	_ =	shalt  }
0x79: {  	_ =	shalt  }
0x7a: {  	_ =	shalt  }
0x7b: {  	_ =	shalt  }
0x7c: {  	_ =	shalt  }
0x7d: {  	_ =	shalt  }
0x7e: {  	_ =	shalt  }
0x7f: {  	_ =	shalt  }
0x80: {  	_ =	shalt  }
0x81: {  	_ =	shalt  }
0x82: {  	_ =	shalt  }
0x83: {  	_ =	shalt  }
0x84: {  	_ =	shalt  }
0x85: {  	_ =	shalt  }
0x86: {  	_ =	shalt  }
0x87: {  	_ =	shalt  }
.Lfunc_end0:
.L_simem_size_0:
called_computation_lowered:
.L_overlay_start_0:
0x88: {  	s2 =	sld [smem:$0x3FD9]  }
0x89: {  	s3 =	sld [smem:$0x3FFE];
	_ =	sdelay $0x1  }
0x8a: {  	s1 =	srdreg.scid  }
0x8b: {  	s0 =	sand.u32 $0x1, s1  }
0x8c: {  	s17 =	sshll.u32 s0, $0xA;
	s2 =	sadd.s32 s3, s2  }
0x8d: {  	s2 =	sadd.s32 s2, s17  }
0x8e: {  	[smem:$0x3FC5] =	sst s2  }
0x8f: {  	_ = 	snop  }
0x90: {  	s2 =	sld [smem:$0x3FC8]  }
0x91: {  	s18 =	sld [smem:$0x3FC7]  }
0x92: {  	s4 =	sld [smem:$0x3FD0];
	(tm) =	ssettm $0x1  }
0x93: {  	s5 =	sld [smem:$0x3FFB];
	_ =	sdelay $0x3  }
0x94: {  	_ =	strace s5  }
0x95: {  	s5 =	sld [smem:$0x3FFC];
	_ =	sdelay $0x3  }
0x96: {  	_ =	strace s5  }
0x97: {  	s5 =	sld [smem:$0x3FFD];
	_ =	sdelay $0x3  }
0x98: {  	_ =	strace s5  }
0x99: {  	_ =	strace $0x8FFFFFFF  }
0x9a: {  	s19 =	sld [smem:$0x3FDB];
	_ =	sdelay $0x1  }
0x9b: {  	s6 =	simm.s32 $_scs_section_size  }
0x9c: {  	s7 =	simm.s32 $_size__tile_overlayer_lowered;
	s8 =	simm.s32 $_tile_overlayer_lowered  }
0x9d: {  	s22 =	simm.s32 $0x1BFF;
	s21 =	sshll.u32 s8, $0x1;
	s5 =	sadd.s32 s6, s19  }
0x9e: {  	s9 =	simm.s32 $0x0;
	s20 =	sshll.u32 s7, $0x1;
	s7 =	sadd.s32 s21, s5  }
0x9f: {  	[timem:s9], [sflag:s22] =	dma.local [hbm:s7], s20  }
0xa0: {  	_ =	swait.ge [sflag:s22], s20  }
0xa1: {  	s6 =	ssub.s32 $0x0, s20;
	[sflag:s22] =	ssyncset.done $0x0  }
0xa2: {  	[sflag:s22] =	ssyncadd.s32 s6;
	_ =	sdelay $0x1  }
0xa3: {  	s23 =	simm.s32 $0x1B8B  }
0xa4: {  	_ =	swait.ge [sflag:s23], $0x1  }
0xa5: {  	[sflag:s23] =	ssyncset.done $0x0  }
0xa6: {  	s25 =	simm.s32 $0x1B8E;
	s24 =	sld [smem:$0x3FFE];
	[sflag:s23] =	ssyncadd.s32 $0xFFFFFFFF  }
0xa7: {  	s26 =	simm.s32 $execute0_lowered;
	[smem:$0x3FD2] =	sst s25  }
0xa8: {  	s7 =	sshll.u32 s26, $0x1;
	_ =	strace $0x80000046;
	[dreg:$0x1] =	wrdreg $0xFFFFFFFF  }
0xa9: {  	s28 =	simm.s32 $_size_execute0_lowered;
	s5 =	sadd.s32 s5, s7;
	[dreg:$0x0] =	wrdreg $0x0  }
0xaa: {  	s7 =	sshll.u32 s28, $0x1;
	[dreg:$0x2] =	wrdreg s5  }
0xab: {  	[dreg:$0x3] =	wrdreg s7  }
0xac: {  	[dreg:$0x4] =	wrdreg $0xC0  }
0xad: {  	_ =	task [dreg:s9], $0x5FFFF  }
0xae: {  	[dreg:$0x1] =	wrdreg $0xFFFFFFFF  }
0xaf: {  	[dreg:$0x0] =	wrdreg $0x60  }
0xb0: {  	[dreg:$0x2] =	wrdreg s2  }
0xb1: {  	[dreg:$0x3] =	wrdreg s4  }
0xb2: {  	[dreg:$0x4] =	wrdreg s18  }
0xb3: {  	[dreg:$0x5] =	wrdreg s24  }
0xb4: {  	[dreg:$0x6] =	wrdreg $0x4B000  }
0xb5: {  	[dreg:$0x7] =	wrdreg $0x9  }
0xb6: {  	_ =	task.clear_ibuf [dreg:s9], $0x8FFFF;
	_ =	strace $0x90000046  }
0xb7: {  	s29 =	simm.s32 $0x9;
	_ =	strace $0x80000048  }
0xb8: {  	_ =	swait.ge [sflag:s29], $0x1  }
0xb9: {  	[sflag:s29] =	ssyncadd.s32 $0xFFFFFFFF  }
0xba: {  	_ =	strace $0x90000048  }
0xbb: {  	_ =	sfence  }
0xbc: {  	s30 =	sld [smem:$0x0];
	_ =	sdelay $0x2  }
0xbd: {  	s31 =	sshll.u32 s1, $0xD;
	s1 =	sshrl.u32 s1, $0x2  }
0xbe: {  	s3 =	sand.u32 $0x4000, s31;
	s1 =	sadd.s32 s1, s30  }
0xbf: {  	s0 =	sor.u32 s3, s0;
	s1 =	sshll.u32 s1, $0x11  }
0xc0: {  	s0 =	sor.u32 s1, s0  }
0xc1: {  	s0 =	sadd.s32 $0x8F2B, s0  }
0xc2: {  	[sflag:s0] =	ssyncadd.remote.s32 $0x1  }
0xc3: {  	_ =	sfence.sel $0xFFFF  }
0xc4: {  	[dreg:$0x0] =	wrdreg $0xFFFFFFFF;
	(pc) =	sbr.abs _section_cstart, $3  }
0xc5: {  	[dreg:$0x1] =	wrdreg $0xFFFFFFFF  }
0xc6: {  	_ =	task.clear_ibuf [dreg:s9], $0x2FFFF;
	_ =	strace $0x9FFFFFFF  }
0xc7: {  	(tm) =	ssettm $0x7FFFFFFF  }
tec
execute0_lowered:
.L_overlay_start_1:
0x0: {  	(tag) =	ssettag $0x1  }
0x1: {  	s7 =	rddreg [dreg:$0x0]  }
0x2: {  	s6 =	rddreg [dreg:$0x1]  }
0x3: {  	s2 =	rddreg [dreg:$0x2]  }
0x4: {  	s5 =	rddreg [dreg:$0x3]  }
0x5: {  	s3 =	rddreg [dreg:$0x4]  }
0x6: {  	s1 =	stileid.u32;
	s8 =	srdreg.scid  }
0x7: {  	s4 =	simm.s32 $0x0;
	s15 =	simm.s32 $0x3000;
	s16 =	simm.s32 $0x4500  }
0x8: {  	s17 =	simm.s32 $0x1;
	s18 =	simm.s32 $0x3400;
	s19 =	simm.s32 $0x3480  }
0x9: {  	s20 =	simm.s32 $0x2;
	s21 =	simm.s32 $0x3500;
	s22 =	simm.s32 $0x4700  }
0xa: {  	s23 =	simm.s32 $0x100;
	s9 =	sshll.u32 s1, $0x7;
	s8 =	sand.u32 $0x1, s8  }
0xb: {  	[smem:$0x7FF] =	sst s4;
	s25 =	sand.u32 $0x3, s1;
	s13 =	sshll.u32 s1, $0x4  }
0xc: {  	s14 =	sshll.u32 s1, $0x2;
	s30 =	sshll.u32 s1, $0x8;
	s31 =	sshll.u32 s1, $0x5  }
0xd: {  	s10 =	sand.u32 $0x700, s9;
	s11 =	ssub.s32 $0x2, s8;
	_ =	strace $0x80000047  }
0xe: {  	s26 =	sshll.u32 s25, $0xA;
	s8 =	sshll.u32 s8, $0x1;
	s9 =	sor.u32 s13, s9  }
0xf: {  	s13 =	sand.u32 $0x180, s31;
	s10 =	sadd.s32 s10, s5;
	s24 =	sshrl.u32 s11, $0x1  }
0x10: {  	s5 =	sadd.s32 s7, s26;
	s8 =	sor.u32 s8, s14;
	s9 =	sand.u32 $0x440, s9  }
0x11: {  	s13 =	sor.u32 $0x20, s13;
	s14 =	simm.s32 $0x2000;
	s26 =	simm.s32 $0x0  }
0x12: {  	s12 =	ssub.s32 s11, s24;
	s11 =	sshll.u32 s25, $0x9;
	s28 =	sshll.u32 s8, $0x6  }
0x13: {  	s29 =	sshll.u32 s8, $0x4;
	s8 =	sor.u32 $0x2000, s9;
	s9 =	sadd.s32 s30, s3  }
0x14: {  	s24 =	simm.s32 $0x400;
	s6 =	sadd.s32 s6, s11;
	s11 =	sand.u32 $0x60, s29  }
0x15: {  	s25 =	simm.s32 $0x4900;
	s7 =	sadd.s32 s7, s28;
	s11 =	sadd.s32 s11, s10  }
0x16: {  	v1 =	vimm.f32 $1.000000000e+00;
	s12 =	smax.u32 s12, $0x1;
	s10 =	sadd.s32 $0x80, s9;
	s11 =	sadd.s32 $0x800, s11  }
.LBB2_1:
0x17: {  	[tilespmem:s4], [sflag:$0x1] =	stream.linear.gather [hbm4b:s5+s4], $0x2000, $0x38;
	[tilespmem:$0x4C00] =	vst v63  }
0x18: {  	_ = 	snop  }
0x19: {  	[tilespmem:s14], [sflag:$0x1] =	stream.linear.gather [hbm4b:s6+s4], $0x1000, $0x38;
	[tilespmem:$0x4C00] =	vst v63  }
0x1a: {  	_ = 	snop  }
0x1b: {  	[tilespmem:s15], [sflag:$0x1] =	stream.linear.gather [hbm4b:s7+s4], $0x400, $0x38;
	[tilespmem:$0x4C00] =	vst v63  }
0x1c: {  	_ = 	snop  }
0x1d: {  	[tilespmem:s16], [sflag:$0x1] =	stream.linear.gather [hbm4b:s2+s4], $0x200, $0x38;
	[tilespmem:$0x4C00] =	vst v63  }
0x1e: {  	_ =	swait.ge [sflag:s17], $0x2000  }
0x1f: {  	[sflag:s17] =	ssyncset.done $0x0  }
0x20: {  	[sflag:s17] =	ssyncadd.s32 $0xFFFFE000  }
0x21: {  	_ =	swait.ge [sflag:s17], $0x1000  }
0x22: {  	[sflag:s17] =	ssyncset.done $0x0  }
0x23: {  	[sflag:s17] =	ssyncadd.s32 $0xFFFFF000  }
0x24: {  	_ =	swait.ge [sflag:s17], $0x400  }
0x25: {  	[sflag:s17] =	ssyncset.done $0x0  }
0x26: {  	[sflag:s17] =	ssyncadd.s32 $0xFFFFFC00  }
0x27: {  	_ =	swait.ge [sflag:s17], $0x200  }
0x28: {  	[sflag:s17] =	ssyncset.done $0x0  }
0x29: {  	v0 =	vimm.f32 $0.0e+00;
	[sflag:s17] =	ssyncadd.s32 $0xFFFFFE00  }
0x2a: {  	[tilespmem:$0x3400] =	vst v0  }
0x2b: {  	[tilespmem:$0x3480] =	vst v0  }
0x2c: {  	[tilespmem:$0x3410] =	vst v0  }
0x2d: {  	[tilespmem:$0x3490] =	vst v0  }
0x2e: {  	[tilespmem:$0x3420] =	vst v0  }
0x2f: {  	[tilespmem:$0x34A0] =	vst v0  }
0x30: {  	[tilespmem:$0x3430] =	vst v0  }
0x31: {  	[tilespmem:$0x34B0] =	vst v0  }
0x32: {  	[tilespmem:$0x3440] =	vst v0  }
0x33: {  	[tilespmem:$0x34C0] =	vst v0  }
0x34: {  	[tilespmem:$0x3450] =	vst v0  }
0x35: {  	[tilespmem:$0x34D0] =	vst v0  }
0x36: {  	[tilespmem:$0x3460] =	vst v0  }
0x37: {  	[tilespmem:$0x34E0] =	vst v0  }
0x38: {  	[tilespmem:$0x3470] =	vst v0  }
0x39: {  	s28 =	smov.u32 s13;
	s29 =	simm.s32 $0x0;
	s30 =	simm.s32 $0x0;
	[tilespmem:$0x34F0] =	vst v0  }
.LBB2_2:
0x3a: {  	v0 =	vld [tilespmem:s28+$0xFFFFFFE0];
	s31 =	sand.u32 $0x800, s30  }
0x3b: {  	s0 =	sand.u32 $0x380, s29;
	s31 =	sadd.s32 s31, s8  }
0x3c: {  	s0 =	sadd.s32 s0, s31  }
0x3d: {  	v2 =	vld [tilespmem:s0+$0x0];
	_ =	sdelay $0x4  }
0x3e: {  	[tilespmem:v0+s18+$0x0] =	vst.idx.add.f32.msk $0xffff, v2  }
0x3f: {  	[tilespmem:v0+s19+$0x0] =	vst.idx.add.f32.msk $0xffff, v1  }
0x40: {  	v0 =	vld [tilespmem:s28+$0xFFFFFFF0];
	_ =	sdelay $0x2  }
0x41: {  	v2 =	vld [tilespmem:s0+$0x10];
	_ =	sdelay $0x4  }
0x42: {  	[tilespmem:v0+s18+$0x0] =	vst.idx.add.f32.msk $0xffff, v2  }
0x43: {  	[tilespmem:v0+s19+$0x0] =	vst.idx.add.f32.msk $0xffff, v1  }
0x44: {  	v0 =	vld [tilespmem:s28+$0x0];
	_ =	sdelay $0x2  }
0x45: {  	v2 =	vld [tilespmem:s0+$0x20];
	_ =	sdelay $0x4  }
0x46: {  	[tilespmem:v0+s18+$0x0] =	vst.idx.add.f32.msk $0xffff, v2  }
0x47: {  	[tilespmem:v0+s19+$0x0] =	vst.idx.add.f32.msk $0xffff, v1  }
0x48: {  	v0 =	vld [tilespmem:s28+$0x10];
	_ =	sdelay $0x2  }
0x49: {  	v2 =	vld [tilespmem:s0+$0x30]  }
0x4a: {  	p0 =	sne.s32 s30, $0xF00  }
.Ltmp0:
0x4b: {  	_ = 	snop;
	(pc) =	sbr.rel @p0 .LBB2_2-.Ltmp0, $3  }
0x4c: {  	_ =	sdelay $0x1  }
0x4d: {  	[tilespmem:v0+s18+$0x0] =	vst.idx.add.f32.msk $0xffff, v2  }
0x4e: {  	s29 =	sadd.s32 $0x80, s29;
	s30 =	sadd.s32 $0x100, s30;
	s28 =	sadd.s32 $0x200, s28;
	[tilespmem:v0+s19+$0x0] =	vst.idx.add.f32.msk $0xffff, v1  }
0x4f: {  	[spmem:s9] =	stream.linear.scatter [tilespmem:s18], [sflag:$0x2], $0x80, $0x38;
	[tilespmem:$0x4C00] =	vst v63  }
0x50: {  	_ =	swait.ge [sflag:s20], $0x80  }
0x51: {  	[sflag:s20] =	ssyncset.done $0x0  }
0x52: {  	[sflag:s20] =	ssyncadd.s32 $0xFFFFFF80  }
0x53: {  	[spmem:s10] =	stream.linear.scatter [tilespmem:s19], [sflag:$0x2], $0x80, $0x38;
	[tilespmem:$0x4C00] =	vst v63  }
0x54: {  	_ =	swait.ge [sflag:s20], $0x80  }
0x55: {  	[sflag:s20] =	ssyncset.done $0x0  }
0x56: {  	[sflag:s20] =	ssyncadd.s32 $0xFFFFFF80  }
0x57: {  	[bflag:$0x0] =	sbarrier.arrive $0xFFFF  }
0x58: {  	[tilespmem:s21], [sflag:$0x2] =	stream.linear.gather [spmem:s3], $0x1000, $0x38;
	[tilespmem:$0x4C00] =	vst v63  }
0x59: {  	_ =	swait.ge [sflag:s20], $0x1000  }
0x5a: {  	[sflag:s20] =	ssyncset.done $0x0  }
0x5b: {  	[sflag:s20] =	ssyncadd.s32 $0xFFFFF000  }
0x5c: {  	v62 =	vld [tilespmem:$0x3570];
	_ =	sdelay $0x4  }
0x5d: {  	[tilespmem:$0x1F980] =	vst v62;
	v62 =	vld [tilespmem:$0x3C00];
	_ =	sdelay $0x4  }
0x5e: {  	[tilespmem:$0x1FA60] =	vst v62;
	v62 =	vld [tilespmem:$0x3B20];
	_ =	sdelay $0x4  }
0x5f: {  	[tilespmem:$0x1FBD0] =	vst v62;
	v62 =	vld [tilespmem:$0x3BA0];
	_ =	sdelay $0x4  }
0x60: {  	[tilespmem:$0x1FA50] =	vst v62;
	v62 =	vld [tilespmem:$0x3C20];
	_ =	sdelay $0x4  }
0x61: {  	[tilespmem:$0x1FC20] =	vst v62;
	v62 =	vld [tilespmem:$0x3CA0];
	_ =	sdelay $0x4  }
0x62: {  	[tilespmem:$0x1FAA0] =	vst v62;
	v62 =	vld [tilespmem:$0x45A0];
	_ =	sdelay $0x4  }
0x63: {  	[tilespmem:$0x1FD10] =	vst v62;
	v62 =	vld [tilespmem:$0x3930];
	_ =	sdelay $0x4  }
0x64: {  	[tilespmem:$0x1FBA0] =	vst v62;
	v62 =	vld [tilespmem:$0x39B0];
	_ =	sdelay $0x4  }
0x65: {  	[tilespmem:$0x1FA70] =	vst v62;
	v62 =	vld [tilespmem:$0x3A30];
	_ =	sdelay $0x4  }
0x66: {  	[tilespmem:$0x1FBB0] =	vst v62;
	v62 =	vld [tilespmem:$0x3AB0];
	_ =	sdelay $0x4  }
0x67: {  	[tilespmem:$0x1FA80] =	vst v62;
	v62 =	vld [tilespmem:$0x3B30];
	_ =	sdelay $0x4  }
0x68: {  	[tilespmem:$0x1FC00] =	vst v62;
	v62 =	vld [tilespmem:$0x3BB0];
	_ =	sdelay $0x4  }
0x69: {  	[tilespmem:$0x1FAB0] =	vst v62;
	v62 =	vld [tilespmem:$0x3C30];
	_ =	sdelay $0x4  }
0x6a: {  	[tilespmem:$0x1FC40] =	vst v62;
	v62 =	vld [tilespmem:$0x3CB0];
	_ =	sdelay $0x4  }
0x6b: {  	[tilespmem:$0x1FAF0] =	vst v62;
	v62 =	vld [tilespmem:$0x45B0];
	_ =	sdelay $0x4  }
0x6c: {  	[tilespmem:$0x1FD50] =	vst v62;
	v62 =	vld [tilespmem:$0x3940];
	_ =	sdelay $0x4  }
0x6d: {  	[tilespmem:$0x1FC50] =	vst v62;
	v62 =	vld [tilespmem:$0x39C0];
	_ =	sdelay $0x4  }
0x6e: {  	[tilespmem:$0x1FAC0] =	vst v62;
	v62 =	vld [tilespmem:$0x3A40];
	_ =	sdelay $0x4  }
0x6f: {  	[tilespmem:$0x1FC60] =	vst v62;
	v62 =	vld [tilespmem:$0x3AC0];
	_ =	sdelay $0x4  }
0x70: {  	[tilespmem:$0x1FAD0] =	vst v62;
	v62 =	vld [tilespmem:$0x3B40];
	_ =	sdelay $0x4  }
0x71: {  	[tilespmem:$0x1FCB0] =	vst v62;
	v62 =	vld [tilespmem:$0x3BC0];
	_ =	sdelay $0x4  }
0x72: {  	[tilespmem:$0x1FB00] =	vst v62;
	v62 =	vld [tilespmem:$0x3C40];
	_ =	sdelay $0x1  }
0x73: {  	v40 =	vld [tilespmem:$0x3500]  }
0x74: {  	v51 =	vld [tilespmem:$0x3580]  }
0x75: {  	v37 =	vld [tilespmem:$0x3600]  }
0x76: {  	[tilespmem:$0x1FCD0] =	vst v62;
	v62 =	vld [tilespmem:$0x3CC0]  }
0x77: {  	v9 =	vld [tilespmem:$0x3680]  }
0x78: {  	v46 =	vld [tilespmem:$0x3700]  }
0x79: {  	v10 =	vld [tilespmem:$0x3780]  }
0x7a: {  	v52 =	vld [tilespmem:$0x3800]  }
0x7b: {  	[tilespmem:$0x1FB20] =	vst v62;
	v62 =	vld [tilespmem:$0x45C0]  }
0x7c: {  	v43 =	vld [tilespmem:$0x3880]  }
0x7d: {  	v0 =	vld [tilespmem:$0x4500]  }
0x7e: {  	v33 =	vld [tilespmem:$0x3510]  }
0x7f: {  	v6 =	vld [tilespmem:$0x3590]  }
0x80: {  	[tilespmem:$0x1FD80] =	vst v62;
	v62 =	vld [tilespmem:$0x3950]  }
0x81: {  	v30 =	vld [tilespmem:$0x3610]  }
0x82: {  	v5 =	vld [tilespmem:$0x3690]  }
0x83: {  	v35 =	vld [tilespmem:$0x3710]  }
0x84: {  	v7 =	vld [tilespmem:$0x3790]  }
0x85: {  	[tilespmem:$0x1FCF0] =	vst v62;
	v62 =	vld [tilespmem:$0x39D0]  }
0x86: {  	v45 =	vld [tilespmem:$0x3810]  }
0x87: {  	v8 =	vld [tilespmem:$0x3890]  }
0x88: {  	v59 =	vld [tilespmem:$0x4510]  }
0x89: {  	v23 =	vld [tilespmem:$0x3520]  }
0x8a: {  	[tilespmem:$0x1FB60] =	vst v62;
	v62 =	vld [tilespmem:$0x3A50]  }
0x8b: {  	v2 =	vld [tilespmem:$0x35A0]  }
0x8c: {  	v21 =	vld [tilespmem:$0x3620]  }
0x8d: {  	v27 =	vld [tilespmem:$0x3720]  }
0x8e: {  	v3 =	vld [tilespmem:$0x37A0]  }
0x8f: {  	[tilespmem:$0x1FD00] =	vst v62;
	v62 =	vld [tilespmem:$0x3AD0]  }
0x90: {  	v34 =	vld [tilespmem:$0x3820]  }
0x91: {  	v4 =	vld [tilespmem:$0x38A0]  }
0x92: {  	v57 =	vld [tilespmem:$0x4520]  }
0x93: {  	v54 =	vld [tilespmem:$0x3530]  }
0x94: {  	[tilespmem:$0x1FB70] =	vst v62;
	v62 =	vld [tilespmem:$0x3B50]  }
0x95: {  	v13 =	vld [tilespmem:$0x35B0]  }
0x96: {  	v50 =	vld [tilespmem:$0x3630]  }
0x97: {  	v11 =	vld [tilespmem:$0x36B0]  }
0x98: {  	v55 =	vld [tilespmem:$0x3730]  }
0x99: {  	[tilespmem:$0x1FD20] =	vst v62;
	v62 =	vld [tilespmem:$0x3BD0]  }
0x9a: {  	v12 =	vld [tilespmem:$0x37B0]  }
0x9b: {  	v56 =	vld [tilespmem:$0x3830]  }
0x9c: {  	v15 =	vld [tilespmem:$0x38B0]  }
0x9d: {  	v14 =	vld [tilespmem:$0x4530]  }
0x9e: {  	[tilespmem:$0x1FBC0] =	vst v62;
	v62 =	vld [tilespmem:$0x3C50]  }
0x9f: {  	v61 =	vld [tilespmem:$0x3540]  }
0xa0: {  	v16 =	vld [tilespmem:$0x35C0]  }
0xa1: {  	v63 =	vld [tilespmem:$0x3640]  }
0xa2: {  	v58 =	vld [tilespmem:$0x3740]  }
0xa3: {  	[tilespmem:$0x1FD60] =	vst v62;
	v62 =	vld [tilespmem:$0x3CD0]  }
0xa4: {  	v17 =	vld [tilespmem:$0x37C0]  }
0xa5: {  	v18 =	vld [tilespmem:$0x3840]  }
0xa6: {  	v19 =	vld [tilespmem:$0x38C0]  }
0xa7: {  	v28 =	vld [tilespmem:$0x4540]  }
0xa8: {  	[tilespmem:$0x1FC10] =	vst v62;
	v62 =	vld [tilespmem:$0x45D0]  }
0xa9: {  	v29 =	vld [tilespmem:$0x3550]  }
0xaa: {  	v47 =	vld [tilespmem:$0x35D0]  }
0xab: {  	v31 =	vld [tilespmem:$0x3650]  }
0xac: {  	v41 =	vld [tilespmem:$0x36D0]  }
0xad: {  	[tilespmem:$0x1FE10] =	vst v62;
	v62 =	vld [tilespmem:$0x3960]  }
0xae: {  	v32 =	vld [tilespmem:$0x3750]  }
0xaf: {  	v48 =	vld [tilespmem:$0x37D0]  }
0xb0: {  	v36 =	vld [tilespmem:$0x3850]  }
0xb1: {  	v53 =	vld [tilespmem:$0x38D0]  }
0xb2: {  	[tilespmem:$0x1FD30] =	vst v62;
	v62 =	vld [tilespmem:$0x39E0]  }
0xb3: {  	v38 =	vld [tilespmem:$0x4550]  }
0xb4: {  	v39 =	vld [tilespmem:$0x3560]  }
0xb5: {  	v42 =	vld [tilespmem:$0x3660]  }
0xb6: {  	v44 =	vld [tilespmem:$0x3760]  }
0xb7: {  	[tilespmem:$0x1FBE0] =	vst v62;
	v62 =	vld [tilespmem:$0x3A60]  }
0xb8: {  	v49 =	vld [tilespmem:$0x3860]  }
0xb9: {  	v60 =	vld [tilespmem:$0x4560]  }
0xba: {  	v22 =	vld [tilespmem:$0x3670]  }
0xbb: {  	v26 =	vld [tilespmem:$0x36F0]  }
0xbc: {  	[tilespmem:$0x1FD40] =	vst v62;
	v62 =	vld [tilespmem:$0x3AE0]  }
0xbd: {  	v24 =	vld [tilespmem:$0x3770]  }
0xbe: {  	v25 =	vld [tilespmem:$0x3870]  }
0xbf: {  	v20 =	vld [tilespmem:$0x3990];
	[tilespmem:$0x1F8E0] =	vst v0  }
0xc0: {  	v0 =	vld [tilespmem:$0x36A0];
	[tilespmem:$0x1F940] =	vst v14  }
0xc1: {  	[tilespmem:$0x1FBF0] =	vst v62;
	v62 =	vld [tilespmem:$0x3B60]  }
0xc2: {  	v14 =	vld [tilespmem:$0x36C0];
	[tilespmem:$0x1F8F0] =	vst v18  }
0xc3: {  	[tilespmem:$0x1FAE0] =	vst v38;
	v38 =	vld [tilespmem:$0x35E0]  }
0xc4: {  	[tilespmem:$0x1F9A0] =	vst v36;
	v36 =	vld [tilespmem:$0x36E0]  }
0xc5: {  	[tilespmem:$0x1FB10] =	vst v60;
	v60 =	vld [tilespmem:$0x3B00]  }
0xc6: {  	[tilespmem:$0x1FD70] =	vst v62;
	v62 =	vld [tilespmem:$0x3BE0]  }
0xc7: {  	[tilespmem:$0x1F960] =	vst v44;
	v44 =	vld [tilespmem:$0x37E0]  }
0xc8: {  	[tilespmem:$0x1F9B0] =	vst v49;
	v49 =	vld [tilespmem:$0x38E0]  }
0xc9: {  	[tilespmem:$0x1F970] =	vst v28;
	v28 =	vld [tilespmem:$0x35F0]  }
0xca: {  	[tilespmem:$0x1FA30] =	vst v60;
	v60 =	vld [tilespmem:$0x3A10]  }
0xcb: {  	[tilespmem:$0x1FC30] =	vst v62;
	v62 =	vld [tilespmem:$0x3C60]  }
0xcc: {  	[tilespmem:$0x1F900] =	vst v29;
	v29 =	vld [tilespmem:$0x37F0]  }
0xcd: {  	[tilespmem:$0x1F930] =	vst v42;
	v42 =	vld [tilespmem:$0x38F0]  }
0xce: {  	[tilespmem:$0x1F910] =	vst v31;
	v31 =	vld [tilespmem:$0x4570]  }
0xcf: {  	[tilespmem:$0x1FA00] =	vst v60;
	v60 =	vld [tilespmem:$0x4590]  }
0xd0: {  	[tilespmem:$0x1FDA0] =	vst v62;
	v62 =	vld [tilespmem:$0x3CE0]  }
0xd1: {  	[tilespmem:$0x1F950] =	vst v32;
	v32 =	vld [tilespmem:$0x3900]  }
0xd2: {  	[tilespmem:$0x1FA20] =	vst v25;
	v25 =	vld [tilespmem:$0x3980]  }
0xd3: {  	[tilespmem:$0x1F920] =	vst v39;
	v39 =	vld [tilespmem:$0x3A00]  }
0xd4: {  	[tilespmem:$0x1FB50] =	vst v60;
	v60 =	vld [tilespmem:$0x3920]  }
0xd5: {  	[tilespmem:$0x1FC70] =	vst v62;
	v62 =	vld [tilespmem:$0x45E0]  }
0xd6: {  	[tilespmem:$0x1F990] =	vst v22;
	v22 =	vld [tilespmem:$0x3A80]  }
0xd7: {  	[tilespmem:$0x1F9C0] =	vst v24;
	v24 =	vld [tilespmem:$0x4580]  }
0xd8: {  	[tilespmem:$0x1F9D0] =	vst v32;
	v32 =	vld [tilespmem:$0x3910]  }
0xd9: {  	[tilespmem:$0x1FB80] =	vst v60;
	v60 =	vld [tilespmem:$0x39A0]  }
0xda: {  	[tilespmem:$0x1FE40] =	vst v62;
	v62 =	vld [tilespmem:$0x3970]  }
0xdb: {  	v18 =	vld [tilespmem:$0x3A90];
	[tilespmem:$0x1FB30] =	vst v31  }
0xdc: {  	[tilespmem:$0x1FB40] =	vst v24;
	v24 =	vld [tilespmem:$0x3B10]  }
0xdd: {  	[tilespmem:$0x1F9F0] =	vst v32;
	v32 =	vld [tilespmem:$0x3C10]  }
0xde: {  	[tilespmem:$0x1FA10] =	vst v60;
	v60 =	vld [tilespmem:$0x3A20]  }
0xdf: {  	[tilespmem:$0x1FDB0] =	vst v62;
	v62 =	vld [tilespmem:$0x39F0]  }
0xe0: {  	[tilespmem:$0x1F9E0] =	vst v39;
	v31 =	vld [tilespmem:$0x3B80]  }
0xe1: {  	v39 =	vld [tilespmem:$0x3C80];
	[tilespmem:$0x1FA40] =	vst v24  }
0xe2: {  	v24 =	vld [tilespmem:$0x3B90];
	[tilespmem:$0x1FA90] =	vst v32  }
0xe3: {  	v0 =	vadd.f32 v0, v2;
	v32 =	vld [tilespmem:$0x3C90];
	[tilespmem:$0x1FB90] =	vst v60  }
0xe4: {  	v60 =	vld [tilespmem:$0x3AA0];
	[tilespmem:$0x1FC80] =	vst v62  }
0xe5: {  	v0 =	vadd.f32 v3, v0;
	v3 =	vld [tilespmem:$0x45F0];
	_ =	sdelay $0x1  }
0xe6: {  	v2 =	vld [tilespmem:$0x3C70];
	_ =	sdelay $0x1  }
0xe7: {  	v9 =	vadd.f32 v9, v51  }
0xe8: {  	v5 =	vadd.f32 v5, v6;
	[tilespmem:$0x1FE50] =	vst v3;
	v3 =	vld [tilespmem:$0x3D00]  }
0xe9: {  	v10 =	vadd.f32 v10, v9  }
0xea: {  	[tilespmem:$0x1FE20] =	vst v2;
	v2 =	vadd.f32 v7, v5  }
0xeb: {  	v51 =	vadd.f32 v43, v10  }
0xec: {  	v2 =	vadd.f32 v8, v2  }
0xed: {  	[tilespmem:$0x1FDD0] =	vst v3;
	v3 =	vmul.f32 $3.200000000e+01, v51  }
0xee: {  	v2 =	vmul.f32 $3.200000000e+01, v2  }
0xef: {  	v0 =	vadd.f32 v4, v0;
	v3 =	vadd.f32 $1.000000010e-10, v3  }
0xf0: {  	v2 =	vadd.f32 $1.000000010e-10, v2  }
0xf1: {  	v0 =	vmul.f32 $3.200000000e+01, v0;
	(erf) = vrcp.f32 v3  }
0xf2: {  	(erf) = vrcp.f32 v2;
	v2 =	vld [tilespmem:$0x4000]  }
0xf3: {  	v0 =	vadd.f32 $1.000000010e-10, v0;
	_ =	sdelay $0x1  }
0xf4: {  	v3 =	vld [tilespmem:$0x4600];
	(erf) = vrcp.f32 v0;
	v0 =	vadd.f32 v11, v13;
	_ =	sdelay $0x1  }
0xf5: {  	v0 =	vadd.f32 v12, v0;
	[tilespmem:$0x1FE30] =	vst v2;
	v2 =	vld [tilespmem:$0x4080];
	_ =	sdelay $0x1  }
0xf6: {  	v0 =	vadd.f32 v15, v0  }
0xf7: {  	[tilespmem:$0x1FE80] =	vst v3;
	v3 =	vld [tilespmem:$0x3D10]  }
0xf8: {  	v0 =	vmul.f32 $3.200000000e+01, v0  }
0xf9: {  	[tilespmem:$0x1FCE0] =	vst v2;
	v2 =	vadd.f32 v37, v40  }
0xfa: {  	v0 =	vadd.f32 $1.000000010e-10, v0  }
0xfb: {  	v2 =	vadd.f32 v46, v2  }
0xfc: {  	[tilespmem:$0x1FE60] =	vst v3;
	v3 =	vadd.f32 v30, v33;
	(erf) = vrcp.f32 v0;
	v0 =	vld [tilespmem:$0x4610]  }
0xfd: {  	v2 =	vadd.f32 v52, v2  }
0xfe: {  	v3 =	vadd.f32 v35, v3;
	v35 =	vpop (erf)  }
0xff: {  	v2 =	vmul.f32 v35, v2;
	_ =	sdelay $0x1  }
0x100: {  	[tilespmem:$0x1FF10] =	vst v0;
	v0 =	vmul.f32 $1.562500000e-02, v2;
	v2 =	vld [tilespmem:$0x3D20];
	_ =	sdelay $0x4  }
0x101: {  	[tilespmem:$0x1FEA0] =	vst v2;
	v2 =	vld [tilespmem:$0x1F8E0];
	_ =	sdelay $0x3  }
0x102: {  	v3 =	vadd.f32 v45, v3  }
0x103: {  	v45 =	vpop (erf);
	v0 =	vsub.f32 v0, v2;
	v2 =	vld [tilespmem:$0x3E20]  }
0x104: {  	v3 =	vmul.f32 v45, v3;
	_ =	sdelay $0x1  }
0x105: {  	v3 =	vmul.f32 $1.562500000e-02, v3;
	_ =	sdelay $0x1  }
0x106: {  	[tilespmem:$0x1FEB0] =	vst v2;
	v2 =	vsub.f32 v3, v59;
	_ =	sdelay $0x1  }
0x107: {  	[tilespmem:$0x1FF60] =	vst v2;
	v2 =	vld [tilespmem:$0x3F20];
	_ =	sdelay $0x4  }
0x108: {  	[tilespmem:$0x1FED0] =	vst v2;
	v2 =	vld [tilespmem:$0x4020];
	_ =	sdelay $0x4  }
0x109: {  	[tilespmem:$0x1FEF0] =	vst v2;
	v2 =	vld [tilespmem:$0x4620];
	_ =	sdelay $0x4  }
0x10a: {  	v13 =	vadd.f32 v21, v23;
	[tilespmem:$0x1FF20] =	vst v2;
	v2 =	vld [tilespmem:$0x3D30];
	_ =	sdelay $0x1  }
0x10b: {  	v4 =	vadd.f32 v27, v13;
	_ =	sdelay $0x1  }
0x10c: {  	v37 =	vadd.f32 v34, v4  }
0x10d: {  	v12 =	vpop (erf);
	[tilespmem:$0x1FEE0] =	vst v2;
	v2 =	vld [tilespmem:$0x1F8F0]  }
0x10e: {  	v23 =	vadd.f32 v14, v16;
	v14 =	vadd.f32 v63, v61;
	v6 =	vmul.f32 v12, v37;
	_ =	sdelay $0x1  }
0x10f: {  	[tilespmem:$0x1FF50] =	vst v0;
	v0 =	vmul.f32 $1.562500000e-02, v6;
	v6 =	vadd.f32 v58, v14;
	_ =	sdelay $0x1  }
0x110: {  	v6 =	vadd.f32 v2, v6;
	v2 =	vld [tilespmem:$0x4030];
	_ =	sdelay $0x3  }
0x111: {  	v5 =	vadd.f32 v17, v23;
	v17 =	vadd.f32 v22, v25;
	v25 =	vld [tilespmem:$0x1F910]  }
0x112: {  	[tilespmem:$0x1FF00] =	vst v2;
	v2 =	vld [tilespmem:$0x1F900];
	_ =	sdelay $0x2  }
0x113: {  	v8 =	vld [tilespmem:$0x3D80];
	v5 =	vadd.f32 v19, v5  }
0x114: {  	v33 =	vld [tilespmem:$0x3F10];
	v0 =	vsub.f32 v0, v57  }
0x115: {  	v16 =	vadd.f32 v26, v28;
	v5 =	vmul.f32 $3.200000000e+01, v5;
	v26 =	vadd.f32 v25, v2;
	v2 =	vld [tilespmem:$0x4630]  }
0x116: {  	[tilespmem:$0x1FF70] =	vst v0;
	v0 =	vadd.f32 v41, v47  }
0x117: {  	v15 =	vadd.f32 v36, v38;
	v5 =	vadd.f32 $1.000000010e-10, v5  }
0x118: {  	[tilespmem:$0x1FCA0] =	vst v8;
	v0 =	vadd.f32 v48, v0  }
0x119: {  	v13 =	vadd.f32 v50, v54;
	v7 =	vadd.f32 v44, v15;
	(erf) = vrcp.f32 v5;
	[tilespmem:$0x1FE90] =	vst v33;
	v33 =	vld [tilespmem:$0x1F930]  }
0x11a: {  	v8 =	vadd.f32 v29, v16;
	v0 =	vadd.f32 v53, v0;
	[tilespmem:$0x1FF30] =	vst v2;
	v2 =	vld [tilespmem:$0x1F920]  }
0x11b: {  	v7 =	vadd.f32 v49, v7  }
0x11c: {  	v8 =	vadd.f32 v42, v8;
	v3 =	vadd.f32 v55, v13;
	v0 =	vmul.f32 $3.200000000e+01, v0  }
0x11d: {  	v7 =	vmul.f32 $3.200000000e+01, v7  }
0x11e: {  	v8 =	vmul.f32 $3.200000000e+01, v8;
	v3 =	vadd.f32 v56, v3;
	v0 =	vadd.f32 $1.000000010e-10, v0  }
0x11f: {  	v7 =	vadd.f32 $1.000000010e-10, v7;
	v19 =	vpop (erf);
	v34 =	vadd.f32 v33, v2;
	v2 =	vld [tilespmem:$0x1F940]  }
0x120: {  	v3 =	vmul.f32 v19, v3;
	(erf) = vrcp.f32 v0;
	v0 =	vadd.f32 $1.000000010e-10, v8  }
0x121: {  	v11 =	vadd.f32 v31, v17;
	(erf) = vrcp.f32 v7  }
0x122: {  	v23 =	vpop (erf);
	(erf) = vrcp.f32 v0;
	v0 =	vmul.f32 $1.562500000e-02, v3  }
0x123: {  	v22 =	vadd.f32 v18, v20;
	v11 =	vadd.f32 v39, v11  }
0x124: {  	v0 =	vsub.f32 v0, v2;
	v2 =	vld [tilespmem:$0x1F950]  }
0x125: {  	v12 =	vadd.f32 v24, v22;
	v24 =	vmul.f32 $3.200000000e+01, v11;
	_ =	sdelay $0x1  }
0x126: {  	v3 =	vadd.f32 $1.000000010e-10, v24;
	_ =	sdelay $0x1  }
0x127: {  	(erf) = vrcp.f32 v3;
	v3 =	vadd.f32 v2, v26;
	v2 =	vld [tilespmem:$0x1F960];
	_ =	sdelay $0x4  }
0x128: {  	v35 =	vadd.f32 v2, v34;
	v2 =	vld [tilespmem:$0x1F970]  }
0x129: {  	v6 =	vmul.f32 v23, v6;
	_ =	sdelay $0x1  }
0x12a: {  	[tilespmem:$0x1FF80] =	vst v0;
	v0 =	vmul.f32 $1.562500000e-02, v6;
	_ =	sdelay $0x1  }
0x12b: {  	v0 =	vsub.f32 v0, v2  }
0x12c: {  	v2 =	vld [tilespmem:$0x1F990]  }
0x12d: {  	[tilespmem:$0x1FF90] =	vst v0;
	v0 =	vld [tilespmem:$0x1F980];
	_ =	sdelay $0x4  }
0x12e: {  	v36 =	vadd.f32 v2, v0;
	v0 =	vld [tilespmem:$0x1F9A0];
	_ =	sdelay $0x4  }
0x12f: {  	v3 =	vadd.f32 v0, v3;
	v0 =	vld [tilespmem:$0x1F9B0];
	_ =	sdelay $0x3  }
0x130: {  	v12 =	vadd.f32 v32, v12  }
0x131: {  	v6 =	vadd.f32 v0, v35;
	v0 =	vld [tilespmem:$0x1F9C0]  }
0x132: {  	v32 =	vmul.f32 $3.200000000e+01, v12;
	_ =	sdelay $0x1  }
0x133: {  	v7 =	vadd.f32 $1.000000010e-10, v32  }
0x134: {  	v2 =	vld [tilespmem:$0x1F9E0]  }
0x135: {  	(erf) = vrcp.f32 v7;
	v7 =	vadd.f32 v0, v36;
	v0 =	vld [tilespmem:$0x1F9D0];
	_ =	sdelay $0x4  }
0x136: {  	v37 =	vadd.f32 v2, v0;
	v0 =	vld [tilespmem:$0x1F9F0]  }
0x137: {  	v2 =	vld [tilespmem:$0x1FA00];
	_ =	sdelay $0x4  }
0x138: {  	v38 =	vadd.f32 v2, v0;
	v0 =	vld [tilespmem:$0x1FA10];
	_ =	sdelay $0x4  }
0x139: {  	v39 =	vadd.f32 v60, v0;
	v0 =	vld [tilespmem:$0x1FA20];
	_ =	sdelay $0x4  }
0x13a: {  	v7 =	vadd.f32 v0, v7;
	v0 =	vld [tilespmem:$0x1FA30];
	_ =	sdelay $0x4  }
0x13b: {  	v8 =	vadd.f32 v0, v37;
	v0 =	vld [tilespmem:$0x1FA40];
	_ =	sdelay $0x4  }
0x13c: {  	v47 =	vadd.f32 v0, v38;
	v0 =	vld [tilespmem:$0x1FA50];
	_ =	sdelay $0x4  }
0x13d: {  	v13 =	vadd.f32 v0, v39;
	v0 =	vld [tilespmem:$0x4640];
	_ =	sdelay $0x4  }
0x13e: {  	[tilespmem:$0x1FF40] =	vst v0;
	v0 =	vld [tilespmem:$0x1FA60];
	_ =	sdelay $0x2  }
0x13f: {  	v52 =	vld [tilespmem:$0x4010]  }
0x140: {  	v2 =	vld [tilespmem:$0x1FA80]  }
0x141: {  	v8 =	vadd.f32 v0, v8;
	v0 =	vld [tilespmem:$0x1FA70];
	_ =	sdelay $0x4  }
0x142: {  	[tilespmem:$0x1FEC0] =	vst v52;
	v52 =	vadd.f32 v2, v0;
	v0 =	vld [tilespmem:$0x1FA90];
	_ =	sdelay $0x4  }
0x143: {  	v14 =	vadd.f32 v0, v47;
	v0 =	vld [tilespmem:$0x1FAA0];
	_ =	sdelay $0x4  }
0x144: {  	v54 =	vadd.f32 v0, v13;
	v0 =	vld [tilespmem:$0x1FAB0];
	_ =	sdelay $0x3  }
0x145: {  	v2 =	vld [tilespmem:$0x1FAD0]  }
0x146: {  	v15 =	vadd.f32 v0, v52;
	v0 =	vld [tilespmem:$0x1FAC0];
	_ =	sdelay $0x4  }
0x147: {  	v42 =	vpop (erf);
	v56 =	vadd.f32 v2, v0;
	v0 =	vld [tilespmem:$0x1FAE0]  }
0x148: {  	v3 =	vmul.f32 v42, v3;
	_ =	sdelay $0x1  }
0x149: {  	v3 =	vmul.f32 $1.562500000e-02, v3;
	_ =	sdelay $0x1  }
0x14a: {  	v0 =	vsub.f32 v3, v0;
	_ =	sdelay $0x1  }
0x14b: {  	[tilespmem:$0x1FFA0] =	vst v0;
	v0 =	vld [tilespmem:$0x1FAF0];
	_ =	sdelay $0x4  }
0x14c: {  	v59 =	vadd.f32 v0, v15;
	v0 =	vld [tilespmem:$0x1FB00];
	_ =	sdelay $0x4  }
0x14d: {  	v45 =	vpop (erf);
	v60 =	vadd.f32 v0, v56;
	v0 =	vld [tilespmem:$0x1FB10]  }
0x14e: {  	v6 =	vmul.f32 v45, v6;
	_ =	sdelay $0x1  }
0x14f: {  	v6 =	vmul.f32 $1.562500000e-02, v6;
	_ =	sdelay $0x1  }
0x150: {  	v0 =	vsub.f32 v6, v0;
	_ =	sdelay $0x1  }
0x151: {  	[tilespmem:$0x1FFB0] =	vst v0;
	v0 =	vld [tilespmem:$0x1FB20];
	_ =	sdelay $0x4  }
0x152: {  	v49 =	vpop (erf);
	v25 =	vadd.f32 v0, v60;
	v0 =	vld [tilespmem:$0x1FB30]  }
0x153: {  	v7 =	vmul.f32 v49, v7;
	_ =	sdelay $0x1  }
0x154: {  	v19 =	vmul.f32 $1.562500000e-02, v7;
	_ =	sdelay $0x1  }
0x155: {  	v0 =	vsub.f32 v19, v0;
	_ =	sdelay $0x1  }
0x156: {  	v55 =	vpop (erf);
	[tilespmem:$0x1FFC0] =	vst v0;
	v0 =	vld [tilespmem:$0x1FB40]  }
0x157: {  	v8 =	vmul.f32 v55, v8;
	_ =	sdelay $0x1  }
0x158: {  	v24 =	vmul.f32 $1.562500000e-02, v8;
	_ =	sdelay $0x1  }
0x159: {  	v0 =	vsub.f32 v24, v0;
	_ =	sdelay $0x1  }
0x15a: {  	v57 =	vpop (erf);
	[tilespmem:$0x1FFD0] =	vst v0;
	v0 =	vld [tilespmem:$0x1FB50]  }
0x15b: {  	v3 =	vmul.f32 v57, v14;
	_ =	sdelay $0x1  }
0x15c: {  	v3 =	vmul.f32 $1.562500000e-02, v3;
	_ =	sdelay $0x1  }
0x15d: {  	v0 =	vsub.f32 v3, v0  }
0x15e: {  	v2 =	vld [tilespmem:$0x1FB70]  }
0x15f: {  	[tilespmem:$0x1FFE0] =	vst v0;
	v0 =	vld [tilespmem:$0x1FB60];
	_ =	sdelay $0x4  }
0x160: {  	v3 =	vadd.f32 v2, v0;
	v0 =	vld [tilespmem:$0x1FB80]  }
0x161: {  	v2 =	vld [tilespmem:$0x1FB90];
	_ =	sdelay $0x4  }
0x162: {  	v37 =	vadd.f32 v2, v0;
	v0 =	vld [tilespmem:$0x1FBA0]  }
0x163: {  	v2 =	vld [tilespmem:$0x1FBB0];
	_ =	sdelay $0x4  }
0x164: {  	v49 =	vadd.f32 v2, v0;
	v0 =	vld [tilespmem:$0x1FBC0];
	_ =	sdelay $0x4  }
0x165: {  	v3 =	vadd.f32 v0, v3;
	v0 =	vld [tilespmem:$0x1FBD0];
	_ =	sdelay $0x3  }
0x166: {  	v2 =	vld [tilespmem:$0x1FBF0]  }
0x167: {  	v8 =	vadd.f32 v0, v37;
	v0 =	vld [tilespmem:$0x1FBE0];
	_ =	sdelay $0x4  }
0x168: {  	v55 =	vadd.f32 v2, v0;
	v0 =	vld [tilespmem:$0x1FC00];
	_ =	sdelay $0x4  }
0x169: {  	v7 =	vadd.f32 v0, v49;
	v0 =	vld [tilespmem:$0x1FC10];
	_ =	sdelay $0x4  }
0x16a: {  	v3 =	vadd.f32 v0, v3;
	v0 =	vld [tilespmem:$0x1FC20];
	_ =	sdelay $0x4  }
0x16b: {  	v60 =	vadd.f32 v0, v8;
	v0 =	vld [tilespmem:$0x1FC30];
	_ =	sdelay $0x4  }
0x16c: {  	v6 =	vadd.f32 v0, v55;
	v0 =	vld [tilespmem:$0x1FC40];
	_ =	sdelay $0x2  }
0x16d: {  	v62 =	vld [tilespmem:$0x3A70]  }
0x16e: {  	v2 =	vld [tilespmem:$0x1FC60]  }
0x16f: {  	v7 =	vadd.f32 v0, v7;
	v0 =	vld [tilespmem:$0x1FC50]  }
0x170: {  	v16 =	vmul.f32 $3.200000000e+01, v54;
	_ =	sdelay $0x1  }
0x171: {  	[tilespmem:$0x1FDC0] =	vst v62;
	v62 =	vld [tilespmem:$0x3AF0];
	v28 =	vadd.f32 $1.000000010e-10, v16;
	_ =	sdelay $0x1  }
0x172: {  	(erf) = vrcp.f32 v28;
	v28 =	vadd.f32 v2, v0;
	v0 =	vld [tilespmem:$0x1FC70];
	_ =	sdelay $0x2  }
0x173: {  	[tilespmem:$0x1FC90] =	vst v62;
	v30 =	vld [tilespmem:$0x3E90]  }
0x174: {  	v2 =	vld [tilespmem:$0x1FC90]  }
0x175: {  	v6 =	vadd.f32 v0, v6;
	v0 =	vld [tilespmem:$0x1FC80]  }
0x176: {  	v14 =	vmul.f32 $3.200000000e+01, v59;
	_ =	sdelay $0x1  }
0x177: {  	v62 =	vld [tilespmem:$0x3B70];
	[tilespmem:$0x1FD90] =	vst v30;
	v30 =	vadd.f32 $1.000000010e-10, v14  }
0x178: {  	v51 =	vld [tilespmem:$0x3E80]  }
0x179: {  	(erf) = vrcp.f32 v30;
	v30 =	vadd.f32 v2, v0;
	v0 =	vld [tilespmem:$0x1FCA0];
	_ =	sdelay $0x2  }
0x17a: {  	v33 =	vmul.f32 $3.200000000e+01, v25  }
0x17b: {  	[tilespmem:$0x1FDF0] =	vst v62;
	v62 =	vld [tilespmem:$0x3BF0]  }
0x17c: {  	v42 =	vadd.f32 $1.000000010e-10, v33;
	v33 =	vadd.f32 v51, v0;
	v0 =	vld [tilespmem:$0x1FCB0];
	_ =	sdelay $0x3  }
0x17d: {  	[tilespmem:$0x1FCC0] =	vst v62  }
0x17e: {  	v16 =	vadd.f32 v0, v28;
	v0 =	vld [tilespmem:$0x1FCC0];
	_ =	sdelay $0x3  }
0x17f: {  	v43 =	vld [tilespmem:$0x3F80]  }
0x180: {  	v17 =	vadd.f32 v0, v30;
	v0 =	vld [tilespmem:$0x1FCD0];
	_ =	sdelay $0x1  }
0x181: {  	v10 =	vld [tilespmem:$0x3F00];
	_ =	sdelay $0x2  }
0x182: {  	v24 =	vadd.f32 v43, v33;
	v43 =	vadd.f32 v0, v16;
	v0 =	vld [tilespmem:$0x1FCE0]  }
0x183: {  	v9 =	vld [tilespmem:$0x3E00]  }
0x184: {  	[tilespmem:$0x1FE00] =	vst v10;
	v10 =	vld [tilespmem:$0x3EA0]  }
0x185: {  	v62 =	vld [tilespmem:$0x3CF0]  }
0x186: {  	v2 =	vld [tilespmem:$0x1FD00]  }
0x187: {  	v59 =	vadd.f32 v0, v24;
	v0 =	vld [tilespmem:$0x1FCF0]  }
0x188: {  	[tilespmem:$0x1FDE0] =	vst v9;
	v9 =	vld [tilespmem:$0x40A0];
	v3 =	vmul.f32 $3.200000000e+01, v3  }
0x189: {  	v21 =	vld [tilespmem:$0x3E10]  }
0x18a: {  	v61 =	vld [tilespmem:$0x3EB0]  }
0x18b: {  	v63 =	vld [tilespmem:$0x3FB0];
	v37 =	vadd.f32 $1.000000010e-10, v3  }
0x18c: {  	v3 =	vpop (erf);
	v45 =	vadd.f32 v62, v17;
	v62 =	vadd.f32 v2, v0;
	v0 =	vld [tilespmem:$0x1FD10]  }
0x18d: {  	v27 =	vld [tilespmem:$0x3FA0];
	v15 =	vmul.f32 v3, v60  }
0x18e: {  	v29 =	vld [tilespmem:$0x40B0]  }
0x18f: {  	v18 =	vld [tilespmem:$0x3E40];
	v15 =	vmul.f32 $1.562500000e-02, v15  }
0x190: {  	v50 =	vld [tilespmem:$0x40C0]  }
0x191: {  	v20 =	vld [tilespmem:$0x3ED0];
	v0 =	vsub.f32 v15, v0  }
0x192: {  	v31 =	vld [tilespmem:$0x3F40]  }
0x193: {  	[tilespmem:$0x1FFF0] =	vst v0;
	v0 =	vld [tilespmem:$0x1FD20]  }
0x194: {  	[tilespmem:$0x1FE70] =	vst v21;
	v21 =	vld [tilespmem:$0x4090]  }
0x195: {  	v44 =	vld [tilespmem:$0x3F30];
	(erf) = vrcp.f32 v42  }
0x196: {  	v40 =	vld [tilespmem:$0x3D90]  }
0x197: {  	v2 =	vld [tilespmem:$0x1FD40]  }
0x198: {  	v15 =	vadd.f32 v0, v62;
	v0 =	vld [tilespmem:$0x1FD30]  }
0x199: {  	v4 =	vld [tilespmem:$0x3DA0]  }
0x19a: {  	v46 =	vld [tilespmem:$0x3F90]  }
0x19b: {  	v11 =	vld [tilespmem:$0x3EC0]  }
0x19c: {  	v22 =	vld [tilespmem:$0x3FD0]  }
0x19d: {  	v42 =	vpop (erf);
	v16 =	vmul.f32 $3.200000000e+01, v45;
	v45 =	vadd.f32 v2, v0;
	v0 =	vld [tilespmem:$0x1FD50]  }
0x19e: {  	v58 =	vld [tilespmem:$0x3DB0];
	v60 =	vpop (erf);
	v25 =	vmul.f32 v42, v7;
	v6 =	vmul.f32 $3.200000000e+01, v6  }
0x19f: {  	v10 =	vadd.f32 v10, v4;
	v12 =	vld [tilespmem:$0x4660];
	v24 =	vmul.f32 v60, v43  }
0x1a0: {  	v48 =	vld [tilespmem:$0x3D40];
	v6 =	vadd.f32 $1.000000010e-10, v6;
	v43 =	vmul.f32 $1.562500000e-02, v25;
	v42 =	vmul.f32 $3.200000000e+01, v59  }
0x1a1: {  	v10 =	vadd.f32 v27, v10;
	v41 =	vld [tilespmem:$0x3DC0];
	(erf) = vrcp.f32 v37  }
0x1a2: {  	(erf) = vrcp.f32 v6;
	v6 =	vadd.f32 $1.000000010e-10, v42;
	v42 =	vsub.f32 v43, v0;
	v0 =	vld [tilespmem:$0x1FD60]  }
0x1a3: {  	v9 =	vadd.f32 v9, v10;
	v10 =	vadd.f32 v61, v58;
	v61 =	vld [tilespmem:$0x4680]  }
0x1a4: {  	v32 =	vld [tilespmem:$0x4040]  }
0x1a5: {  	v10 =	vadd.f32 v63, v10;
	v63 =	vld [tilespmem:$0x4190];
	v18 =	vadd.f32 v18, v48  }
0x1a6: {  	v53 =	vld [tilespmem:$0x3E30]  }
0x1a7: {  	v31 =	vadd.f32 v31, v18;
	v15 =	vadd.f32 v0, v15;
	v0 =	vld [tilespmem:$0x1FD70]  }
0x1a8: {  	v48 =	vld [tilespmem:$0x41B0]  }
0x1a9: {  	v31 =	vadd.f32 v32, v31;
	v32 =	vld [tilespmem:$0x43B0]  }
0x1aa: {  	v26 =	vld [tilespmem:$0x3D50]  }
0x1ab: {  	v35 =	vld [tilespmem:$0x3FC0]  }
0x1ac: {  	v30 =	vadd.f32 v0, v45;
	v0 =	vld [tilespmem:$0x1FD80]  }
0x1ad: {  	v38 =	vld [tilespmem:$0x3E50]  }
0x1ae: {  	v23 =	vld [tilespmem:$0x3F60]  }
0x1af: {  	v34 =	vld [tilespmem:$0x3F50];
	v62 =	vmul.f32 $1.562500000e-02, v24  }
0x1b0: {  	v11 =	vadd.f32 v11, v41;
	v36 =	vld [tilespmem:$0x4050]  }
0x1b1: {  	v28 =	vsub.f32 v62, v0;
	v0 =	vld [tilespmem:$0x1FD90]  }
0x1b2: {  	v11 =	vadd.f32 v35, v11;
	v35 =	vld [tilespmem:$0x4120];
	v26 =	vadd.f32 v38, v26  }
0x1b3: {  	v39 =	vld [tilespmem:$0x3D60]  }
0x1b4: {  	v34 =	vadd.f32 v34, v26;
	v26 =	vld [tilespmem:$0x4330]  }
0x1b5: {  	v13 =	vld [tilespmem:$0x3DD0]  }
0x1b6: {  	v5 =	vadd.f32 v0, v40;
	v0 =	vld [tilespmem:$0x1FDA0]  }
0x1b7: {  	v38 =	vld [tilespmem:$0x1FF40]  }
0x1b8: {  	v47 =	vld [tilespmem:$0x3E60]  }
0x1b9: {  	v52 =	vld [tilespmem:$0x40D0]  }
0x1ba: {  	v13 =	vadd.f32 v20, v13;
	v2 =	vld [tilespmem:$0x1FDC0]  }
0x1bb: {  	v43 =	vadd.f32 v0, v30;
	v0 =	vld [tilespmem:$0x1FDB0]  }
0x1bc: {  	v54 =	vld [tilespmem:$0x3DE0];
	v13 =	vadd.f32 v22, v13  }
0x1bd: {  	v57 =	vld [tilespmem:$0x3EE0]  }
0x1be: {  	v20 =	vld [tilespmem:$0x1FED0];
	v13 =	vadd.f32 v52, v13  }
0x1bf: {  	v52 =	vld [tilespmem:$0x43A0]  }
0x1c0: {  	v13 =	vmul.f32 $3.200000000e+01, v13;
	v7 =	vadd.f32 v2, v0;
	v0 =	vld [tilespmem:$0x1FDD0]  }
0x1c1: {  	v2 =	vld [tilespmem:$0x1FDE0]  }
0x1c2: {  	v22 =	vadd.f32 v57, v54;
	v54 =	vadd.f32 $1.000000010e-10, v13;
	v13 =	vld [tilespmem:$0x46A0]  }
0x1c3: {  	v14 =	vld [tilespmem:$0x4060]  }
0x1c4: {  	v56 =	vld [tilespmem:$0x3FE0]  }
0x1c5: {  	v19 =	vld [tilespmem:$0x4650];
	v16 =	vadd.f32 $1.000000010e-10, v16  }
0x1c6: {  	v45 =	vadd.f32 v2, v0;
	v2 =	vld [tilespmem:$0x1FE00]  }
0x1c7: {  	v49 =	vld [tilespmem:$0x3DF0];
	(erf) = vrcp.f32 v16  }
0x1c8: {  	v8 =	vld [tilespmem:$0x3D70];
	(erf) = vrcp.f32 v6;
	v6 =	vpop (erf)  }
0x1c9: {  	v37 =	vld [tilespmem:$0x3E70];
	v15 =	vmul.f32 v6, v15  }
0x1ca: {  	v0 =	vld [tilespmem:$0x1FDF0]  }
0x1cb: {  	v4 =	vmul.f32 $1.562500000e-02, v15;
	v15 =	vadd.f32 v2, v45;
	v2 =	vld [tilespmem:$0x1FE10]  }
0x1cc: {  	v3 =	vld [tilespmem:$0x1FE50]  }
0x1cd: {  	v55 =	vld [tilespmem:$0x40E0]  }
0x1ce: {  	v51 =	vld [tilespmem:$0x3EF0]  }
0x1cf: {  	v22 =	vadd.f32 v56, v22;
	v33 =	vld [tilespmem:$0x3F70]  }
0x1d0: {  	v0 =	vadd.f32 v0, v7;
	v7 =	vsub.f32 v4, v2;
	v2 =	vld [tilespmem:$0x1FE20]  }
0x1d1: {  	v8 =	vadd.f32 v37, v8;
	v37 =	vld [tilespmem:$0x4450]  }
0x1d2: {  	v22 =	vadd.f32 v55, v22;
	v55 =	vld [tilespmem:$0x44A0]  }
0x1d3: {  	v49 =	vadd.f32 v51, v49;
	v51 =	vld [tilespmem:$0x42A0]  }
0x1d4: {  	v8 =	vadd.f32 v33, v8;
	v33 =	vld [tilespmem:$0x42D0]  }
0x1d5: {  	v0 =	vadd.f32 v2, v0;
	v2 =	vld [tilespmem:$0x1FE30]  }
0x1d6: {  	v25 =	vld [tilespmem:$0x4070]  }
0x1d7: {  	v59 =	vld [tilespmem:$0x3FF0]  }
0x1d8: {  	v16 =	vld [tilespmem:$0x4670]  }
0x1d9: {  	v60 =	vld [tilespmem:$0x40F0];
	v17 =	vadd.f32 v46, v5  }
0x1da: {  	v45 =	vpop (erf);
	v15 =	vadd.f32 v2, v15;
	v2 =	vld [tilespmem:$0x1FE40]  }
0x1db: {  	v8 =	vadd.f32 v25, v8;
	v25 =	vld [tilespmem:$0x43C0];
	v17 =	vadd.f32 v21, v17;
	v21 =	vmul.f32 v45, v43;
	v4 =	vpop (erf)  }
0x1dc: {  	v56 =	vadd.f32 v59, v49;
	v59 =	vld [tilespmem:$0x1FF00];
	v0 =	vmul.f32 v4, v0  }
0x1dd: {  	v24 =	vld [tilespmem:$0x4100];
	v21 =	vmul.f32 $1.562500000e-02, v21  }
0x1de: {  	v62 =	vld [tilespmem:$0x4180];
	v0 =	vmul.f32 $1.562500000e-02, v0  }
0x1df: {  	v40 =	vld [tilespmem:$0x4200];
	v58 =	vsub.f32 v21, v2  }
0x1e0: {  	v6 =	vmul.f32 $3.200000000e+01, v17;
	v21 =	vadd.f32 v29, v10;
	v10 =	vsub.f32 v0, v3;
	v0 =	vld [tilespmem:$0x1FE60]  }
0x1e1: {  	v3 =	vld [tilespmem:$0x1FE70]  }
0x1e2: {  	v46 =	vld [tilespmem:$0x4280];
	v27 =	vadd.f32 $1.000000010e-10, v6  }
0x1e3: {  	v5 =	vld [tilespmem:$0x4380]  }
0x1e4: {  	(erf) = vrcp.f32 v27;
	v27 =	vld [tilespmem:$0x4210]  }
0x1e5: {  	v45 =	vld [tilespmem:$0x4110]  }
0x1e6: {  	v6 =	vpop (erf);
	v0 =	vadd.f32 v3, v0;
	v3 =	vld [tilespmem:$0x1FE80]  }
0x1e7: {  	v30 =	vld [tilespmem:$0x4300];
	v15 =	vmul.f32 v6, v15  }
0x1e8: {  	v17 =	vld [tilespmem:$0x4480]  }
0x1e9: {  	v9 =	vmul.f32 $3.200000000e+01, v9;
	v43 =	vld [tilespmem:$0x4400];
	v15 =	vmul.f32 $1.562500000e-02, v15  }
0x1ea: {  	v45 =	vadd.f32 v27, v45;
	v27 =	vld [tilespmem:$0x43D0]  }
0x1eb: {  	v29 =	vadd.f32 $1.000000010e-10, v9;
	v9 =	vsub.f32 v15, v3;
	v15 =	vmul.f32 $3.200000000e+01, v21;
	v3 =	vld [tilespmem:$0x1FE90]  }
0x1ec: {  	v4 =	vld [tilespmem:$0x4410]  }
0x1ed: {  	v41 =	vadd.f32 $1.000000010e-10, v15;
	v15 =	vld [tilespmem:$0x1FEC0]  }
0x1ee: {  	v6 =	vld [tilespmem:$0x4310]  }
0x1ef: {  	v11 =	vadd.f32 v50, v11;
	v21 =	vld [tilespmem:$0x1FEB0]  }
0x1f0: {  	v0 =	vadd.f32 v3, v0;
	v3 =	vld [tilespmem:$0x1FEA0]  }
0x1f1: {  	v11 =	vmul.f32 $3.200000000e+01, v11;
	v2 =	vld [tilespmem:$0x4290];
	(erf) = vrcp.f32 v29  }
0x1f2: {  	v29 =	vld [tilespmem:$0x4390];
	v0 =	vadd.f32 v15, v0  }
0x1f3: {  	v11 =	vadd.f32 $1.000000010e-10, v11;
	v57 =	vpop (erf);
	(erf) = vrcp.f32 v41;
	v41 =	vld [tilespmem:$0x1FEE0]  }
0x1f4: {  	v50 =	vmul.f32 v57, v0;
	v0 =	vld [tilespmem:$0x1FEF0]  }
0x1f5: {  	v6 =	vadd.f32 v6, v45;
	v45 =	vld [tilespmem:$0x1FF90];
	(erf) = vrcp.f32 v11;
	v21 =	vadd.f32 v21, v3  }
0x1f6: {  	(erf) = vrcp.f32 v54;
	v54 =	vld [tilespmem:$0x4130]  }
0x1f7: {  	v15 =	vld [tilespmem:$0x4690];
	v20 =	vadd.f32 v20, v21  }
0x1f8: {  	v3 =	vld [tilespmem:$0x4490]  }
0x1f9: {  	v21 =	vadd.f32 v53, v41;
	v53 =	vld [tilespmem:$0x4220];
	v20 =	vadd.f32 v0, v20  }
0x1fa: {  	v57 =	vpop (erf);
	v41 =	vld [tilespmem:$0x41A0]  }
0x1fb: {  	v21 =	vadd.f32 v44, v21;
	v49 =	vmul.f32 v57, v20;
	v57 =	vld [tilespmem:$0x1FF10]  }
0x1fc: {  	v0 =	vld [tilespmem:$0x4320]  }
0x1fd: {  	v50 =	vmul.f32 $1.562500000e-02, v50;
	v20 =	vld [tilespmem:$0x4420];
	v21 =	vadd.f32 v59, v21  }
0x1fe: {  	v44 =	vadd.f32 v60, v56;
	v60 =	vmul.f32 $3.200000000e+01, v22;
	v59 =	vpop (erf);
	v35 =	vadd.f32 v53, v35;
	v53 =	vld [tilespmem:$0x4440]  }
0x1ff: {  	v21 =	vmul.f32 v59, v21;
	v59 =	vld [tilespmem:$0x1FF30]  }
0x200: {  	v44 =	vmul.f32 $3.200000000e+01, v44;
	v11 =	vadd.f32 $1.000000010e-10, v60;
	v22 =	vsub.f32 v50, v57;
	v57 =	vld [tilespmem:$0x1FF20]  }
0x201: {  	v60 =	vmul.f32 $1.562500000e-02, v49;
	v49 =	vld [tilespmem:$0x4230]  }
0x202: {  	v44 =	vadd.f32 $1.000000010e-10, v44;
	(erf) = vrcp.f32 v11;
	v11 =	vld [tilespmem:$0x4430];
	v56 =	vmul.f32 $1.562500000e-02, v21  }
0x203: {  	v50 =	vld [tilespmem:$0x42B0]  }
0x204: {  	(erf) = vrcp.f32 v44;
	v44 =	vld [tilespmem:$0x44B0];
	v18 =	vsub.f32 v56, v59;
	v56 =	vadd.f32 v2, v63  }
0x205: {  	v2 =	vld [tilespmem:$0x4140];
	v21 =	vsub.f32 v60, v57;
	v60 =	vadd.f32 v46, v62  }
0x206: {  	v62 =	vadd.f32 v47, v39;
	v47 =	vadd.f32 v51, v41;
	v51 =	vld [tilespmem:$0x42E0]  }
0x207: {  	v29 =	vadd.f32 v29, v56;
	v41 =	vld [tilespmem:$0x43F0]  }
0x208: {  	v56 =	vadd.f32 v50, v48;
	v48 =	vld [tilespmem:$0x1FFA0]  }
0x209: {  	v57 =	vpop (erf);
	v3 =	vadd.f32 v3, v29;
	v29 =	vld [tilespmem:$0x41D0]  }
0x20a: {  	v31 =	vmul.f32 v57, v31;
	v57 =	vld [tilespmem:$0x41F0]  }
0x20b: {  	v34 =	vadd.f32 v36, v34;
	v5 =	vadd.f32 v5, v60;
	v60 =	vld [tilespmem:$0x41C0]  }
0x20c: {  	v59 =	vpop (erf);
	v23 =	vadd.f32 v23, v62;
	v62 =	vld [tilespmem:$0x42C0]  }
0x20d: {  	v34 =	vmul.f32 v59, v34;
	v59 =	vld [tilespmem:$0x1FF50]  }
0x20e: {  	v4 =	vadd.f32 v4, v6;
	v6 =	vadd.f32 v32, v56;
	v56 =	vld [tilespmem:$0x4150]  }
0x20f: {  	v5 =	vadd.f32 v17, v5;
	v17 =	vld [tilespmem:$0x4240]  }
0x210: {  	v36 =	vpop (erf);
	v63 =	vmul.f32 $1.562500000e-02, v34;
	v34 =	vld [tilespmem:$0x44C0]  }
0x211: {  	v31 =	vmul.f32 $1.562500000e-02, v31;
	v39 =	vpop (erf);
	v6 =	vadd.f32 v44, v6;
	v44 =	vld [tilespmem:$0x44E0]  }
0x212: {  	v8 =	vmul.f32 v39, v8;
	v39 =	vld [tilespmem:$0x4260]  }
0x213: {  	v24 =	vadd.f32 v40, v24;
	v31 =	vsub.f32 v31, v38;
	v38 =	vld [tilespmem:$0x4160]  }
0x214: {  	v14 =	vadd.f32 v14, v23;
	v5 =	vmul.f32 $3.200000000e+01, v5;
	v40 =	vmul.f32 $1.562500000e-02, v8;
	v8 =	vld [tilespmem:$0x41E0]  }
0x215: {  	v46 =	vadd.f32 v30, v24;
	v3 =	vmul.f32 $3.200000000e+01, v3;
	v19 =	vsub.f32 v63, v19;
	v63 =	vld [tilespmem:$0x43E0]  }
0x216: {  	v14 =	vmul.f32 v36, v14;
	v29 =	vadd.f32 v33, v29;
	v33 =	vld [tilespmem:$0x1FFF0];
	v5 =	vadd.f32 $1.000000010e-10, v5  }
0x217: {  	[tilespmem:$0x47B0] =	vst v42;
	v3 =	vadd.f32 $1.000000010e-10, v3;
	v23 =	vadd.f32 v62, v60;
	v60 =	vld [tilespmem:$0x42F0]  }
0x218: {  	[tilespmem:$0x47C0] =	vst v28;
	v62 =	vld [tilespmem:$0x1FF60];
	v14 =	vmul.f32 $1.562500000e-02, v14;
	v27 =	vadd.f32 v27, v29;
	(erf) = vrcp.f32 v5  }
0x219: {  	[tilespmem:$0x47D0] =	vst v7;
	v5 =	vsub.f32 v40, v16;
	v16 =	vadd.f32 v52, v47;
	(erf) = vrcp.f32 v3;
	v3 =	vld [tilespmem:$0x44D0]  }
0x21a: {  	[tilespmem:$0x47E0] =	vst v58;
	v23 =	vadd.f32 v25, v23;
	v12 =	vsub.f32 v14, v12;
	v40 =	vld [tilespmem:$0x1FF70]  }
0x21b: {  	[tilespmem:$0x47F0] =	vst v10;
	v47 =	vld [tilespmem:$0x44F0];
	v8 =	vadd.f32 v51, v8;
	v16 =	vadd.f32 v55, v16  }
0x21c: {  	[tilespmem:$0x4740] =	vst v45;
	v14 =	vadd.f32 v43, v46;
	v43 =	vld [tilespmem:$0x1FF80];
	v30 =	vadd.f32 v60, v57  }
0x21d: {  	[tilespmem:$0x4800] =	vst v9;
	v52 =	vld [tilespmem:$0x1FFB0];
	v23 =	vadd.f32 v34, v23;
	v8 =	vadd.f32 v63, v8;
	v16 =	vmul.f32 $3.200000000e+01, v16  }
0x21e: {  	[tilespmem:$0x4810] =	vst v22;
	v6 =	vmul.f32 $3.200000000e+01, v6;
	v51 =	vld [tilespmem:$0x4340];
	v25 =	vadd.f32 v41, v30;
	v3 =	vadd.f32 v3, v27  }
0x21f: {  	[tilespmem:$0x4700] =	vst v59;
	v55 =	vld [tilespmem:$0x1FFC0];
	v59 =	vmul.f32 $3.200000000e+01, v23;
	v8 =	vadd.f32 v44, v8;
	v16 =	vadd.f32 $1.000000010e-10, v16  }
0x220: {  	[tilespmem:$0x4830] =	vst v18;
	v6 =	vadd.f32 $1.000000010e-10, v6;
	v57 =	vld [tilespmem:$0x1FFD0];
	v24 =	vadd.f32 v47, v25;
	v3 =	vmul.f32 $3.200000000e+01, v3  }
0x221: {  	[tilespmem:$0x4820] =	vst v21;
	v60 =	vld [tilespmem:$0x4250];
	v8 =	vmul.f32 $3.200000000e+01, v8;
	(erf) = vrcp.f32 v16;
	v16 =	vadd.f32 $1.000000010e-10, v59  }
0x222: {  	[tilespmem:$0x4750] =	vst v48;
	v63 =	vld [tilespmem:$0x4350];
	v24 =	vmul.f32 $3.200000000e+01, v24;
	(erf) = vrcp.f32 v6;
	v3 =	vadd.f32 $1.000000010e-10, v3  }
0x223: {  	v0 =	vadd.f32 v0, v35;
	v41 =	vld [tilespmem:$0x4270];
	[tilespmem:$0x4720] =	vst v40;
	v8 =	vadd.f32 $1.000000010e-10, v8;
	(erf) = vrcp.f32 v16  }
0x224: {  	v36 =	vadd.f32 v49, v54;
	[tilespmem:$0x4730] =	vst v43;
	v43 =	vld [tilespmem:$0x4360];
	v40 =	vadd.f32 $1.000000010e-10, v24;
	(erf) = vrcp.f32 v3  }
0x225: {  	[tilespmem:$0x4840] =	vst v31;
	v2 =	vadd.f32 v17, v2;
	v46 =	vpop (erf);
	v3 =	vld [tilespmem:$0x4170];
	(erf) = vrcp.f32 v8  }
0x226: {  	v0 =	vadd.f32 v20, v0;
	v42 =	vadd.f32 v26, v36;
	[tilespmem:$0x4710] =	vst v62;
	v62 =	vld [tilespmem:$0x1FFE0];
	v50 =	vpop (erf);
	(erf) = vrcp.f32 v40  }
0x227: {  	[tilespmem:$0x4850] =	vst v19;
	v44 =	vld [tilespmem:$0x4370];
	v2 =	vadd.f32 v51, v2;
	v45 =	vadd.f32 v60, v56;
	v14 =	vmul.f32 v46, v14  }
0x228: {  	v10 =	vadd.f32 v11, v42;
	[tilespmem:$0x47A0] =	vst v33;
	v6 =	vadd.f32 v39, v38;
	v46 =	vld [tilespmem:$0x4460];
	v4 =	vmul.f32 v50, v4  }
0x229: {  	[tilespmem:$0x4860] =	vst v12;
	v47 =	vld [tilespmem:$0x4470];
	v2 =	vadd.f32 v53, v2;
	v11 =	vadd.f32 v63, v45;
	v14 =	vmul.f32 $1.562500000e-02, v14  }
0x22a: {  	v49 =	vld [tilespmem:$0x46B0];
	[tilespmem:$0x4870] =	vst v5;
	v6 =	vadd.f32 v43, v6;
	v4 =	vmul.f32 $1.562500000e-02, v4;
	v48 =	vpop (erf);
	v3 =	vadd.f32 v41, v3  }
0x22b: {  	v54 =	vld [tilespmem:$0x46D0];
	[tilespmem:$0x4760] =	vst v52;
	v53 =	vadd.f32 v37, v11;
	v14 =	vsub.f32 v14, v61;
	v50 =	vpop (erf);
	v0 =	vmul.f32 v48, v0  }
0x22c: {  	v51 =	vld [tilespmem:$0x46C0];
	[tilespmem:$0x4770] =	vst v55;
	v4 =	vsub.f32 v4, v15;
	v52 =	vpop (erf);
	v8 =	vmul.f32 v50, v10;
	v3 =	vadd.f32 v44, v3  }
0x22d: {  	[tilespmem:$0x4780] =	vst v57;
	v56 =	vld [tilespmem:$0x46E0];
	v6 =	vadd.f32 v46, v6;
	v0 =	vmul.f32 $1.562500000e-02, v0;
	v2 =	vmul.f32 v52, v2;
	v55 =	vpop (erf)  }
0x22e: {  	[tilespmem:$0x4790] =	vst v62;
	v59 =	vld [tilespmem:$0x46F0];
	v8 =	vmul.f32 $1.562500000e-02, v8;
	v3 =	vadd.f32 v47, v3;
	v57 =	vpop (erf);
	v58 =	vmul.f32 v55, v53  }
0x22f: {  	v61 =	vld [tilespmem:$0x3000];
	[tilespmem:$0x4880] =	vst v14;
	v0 =	vsub.f32 v0, v13;
	v2 =	vmul.f32 $1.562500000e-02, v2;
	v6 =	vmul.f32 v57, v6;
	v60 =	vpop (erf)  }
0x230: {  	[tilespmem:$0x4890] =	vst v4;
	v62 =	vsub.f32 v8, v49;
	v3 =	vmul.f32 v60, v3;
	v5 =	vmul.f32 $1.562500000e-02, v58  }
0x231: {  	[tilespmem:$0x48A0] =	vst v0;
	v0 =	vsub.f32 v2, v51;
	v2 =	vmul.f32 $1.562500000e-02, v6  }
0x232: {  	[tilespmem:$0x48B0] =	vst v62;
	v63 =	vsub.f32 v5, v54;
	v3 =	vmul.f32 $1.562500000e-02, v3  }
0x233: {  	[tilespmem:$0x48C0] =	vst v0;
	v0 =	vsub.f32 v2, v56  }
0x234: {  	[tilespmem:$0x48D0] =	vst v63;
	v2 =	vsub.f32 v3, v59  }
0x235: {  	[tilespmem:$0x48E0] =	vst v0;
	v0 =	vld [tilespmem:$0x3010]  }
0x236: {  	[tilespmem:$0x48F0] =	vst v2  }
0x237: {  	v2 =	vld.idx.msk [tilespmem:v61+s22+$0x0], $0xffff;
	_ =	sdelay $0x3  }
0x238: {  	v3 =	vld [tilespmem:$0x3020]  }
0x239: {  	[tilespmem:$0x4900] =	vst v2  }
0x23a: {  	v0 =	vld.idx.msk [tilespmem:v0+s22+$0x0], $0xffff;
	_ =	sdelay $0x3  }
0x23b: {  	v2 =	vld [tilespmem:$0x3030]  }
0x23c: {  	[tilespmem:$0x4910] =	vst v0  }
0x23d: {  	v0 =	vld.idx.msk [tilespmem:v3+s22+$0x0], $0xffff;
	_ =	sdelay $0x1  }
0x23e: {  	v3 =	vld [tilespmem:$0x3080];
	_ =	sdelay $0x2  }
0x23f: {  	[tilespmem:$0x4920] =	vst v0  }
0x240: {  	v0 =	vld.idx.msk [tilespmem:v2+s22+$0x0], $0xffff  }
0x241: {  	v2 =	vadd.s32 $0x80, v3  }
0x242: {  	v3 =	vld [tilespmem:$0x3090];
	_ =	sdelay $0x2  }
0x243: {  	[tilespmem:$0x4930] =	vst v0  }
0x244: {  	v0 =	vld.idx.msk [tilespmem:v2+s22+$0x0], $0xffff  }
0x245: {  	v2 =	vadd.s32 $0x80, v3  }
0x246: {  	v3 =	vld [tilespmem:$0x30A0];
	_ =	sdelay $0x2  }
0x247: {  	[tilespmem:$0x4940] =	vst v0  }
0x248: {  	v0 =	vld.idx.msk [tilespmem:v2+s22+$0x0], $0xffff  }
0x249: {  	v2 =	vadd.s32 $0x80, v3  }
0x24a: {  	v3 =	vld [tilespmem:$0x30B0];
	_ =	sdelay $0x2  }
0x24b: {  	[tilespmem:$0x4950] =	vst v0  }
0x24c: {  	v0 =	vld.idx.msk [tilespmem:v2+s22+$0x0], $0xffff  }
0x24d: {  	v2 =	vadd.s32 $0x80, v3  }
0x24e: {  	v3 =	vld [tilespmem:$0x3100];
	_ =	sdelay $0x2  }
0x24f: {  	[tilespmem:$0x4960] =	vst v0  }
0x250: {  	v0 =	vld.idx.msk [tilespmem:v2+s22+$0x0], $0xffff  }
0x251: {  	v2 =	vadd.s32 $0x100, v3  }
0x252: {  	v3 =	vld [tilespmem:$0x3110];
	_ =	sdelay $0x2  }
0x253: {  	[tilespmem:$0x4970] =	vst v0  }
0x254: {  	v0 =	vld.idx.msk [tilespmem:v2+s22+$0x0], $0xffff  }
0x255: {  	v2 =	vadd.s32 $0x100, v3  }
0x256: {  	v3 =	vld [tilespmem:$0x3120];
	_ =	sdelay $0x2  }
0x257: {  	[tilespmem:$0x4A00] =	vst v0  }
0x258: {  	v0 =	vld.idx.msk [tilespmem:v2+s22+$0x0], $0xffff  }
0x259: {  	v2 =	vadd.s32 $0x100, v3  }
0x25a: {  	v3 =	vld [tilespmem:$0x3130];
	_ =	sdelay $0x2  }
0x25b: {  	[tilespmem:$0x4A10] =	vst v0  }
0x25c: {  	v0 =	vld.idx.msk [tilespmem:v2+s22+$0x0], $0xffff  }
0x25d: {  	v2 =	vadd.s32 $0x100, v3  }
0x25e: {  	v3 =	vld [tilespmem:$0x3180];
	_ =	sdelay $0x2  }
0x25f: {  	[tilespmem:$0x4A20] =	vst v0  }
0x260: {  	v0 =	vld.idx.msk [tilespmem:v2+s22+$0x0], $0xffff  }
0x261: {  	v2 =	vadd.s32 $0x180, v3  }
0x262: {  	v3 =	vld [tilespmem:$0x3190];
	_ =	sdelay $0x2  }
0x263: {  	[tilespmem:$0x4A30] =	vst v0  }
0x264: {  	v0 =	vld.idx.msk [tilespmem:v2+s22+$0x0], $0xffff  }
0x265: {  	v2 =	vadd.s32 $0x180, v3  }
0x266: {  	v3 =	vld [tilespmem:$0x31A0];
	_ =	sdelay $0x2  }
0x267: {  	[tilespmem:$0x4A40] =	vst v0  }
0x268: {  	v0 =	vld.idx.msk [tilespmem:v2+s22+$0x0], $0xffff  }
0x269: {  	v2 =	vadd.s32 $0x180, v3  }
0x26a: {  	v3 =	vld [tilespmem:$0x31B0];
	_ =	sdelay $0x2  }
0x26b: {  	[tilespmem:$0x4A50] =	vst v0  }
0x26c: {  	v0 =	vld.idx.msk [tilespmem:v2+s22+$0x0], $0xffff  }
0x26d: {  	v2 =	vadd.s32 $0x180, v3;
	_ =	sdelay $0x2  }
0x26e: {  	v3 =	vld [tilespmem:$0x3200]  }
0x26f: {  	[tilespmem:$0x4A60] =	vst v0  }
0x270: {  	v0 =	vld.idx.msk [tilespmem:v2+s22+$0x0], $0xffff;
	_ =	sdelay $0x3  }
0x271: {  	v2 =	vld [tilespmem:$0x3210]  }
0x272: {  	[tilespmem:$0x4A70] =	vst v0  }
0x273: {  	v0 =	vld.idx.msk [tilespmem:v3+s22+$0x0], $0xffff;
	_ =	sdelay $0x3  }
0x274: {  	v3 =	vld [tilespmem:$0x3220]  }
0x275: {  	[tilespmem:$0x4980] =	vst v0  }
0x276: {  	v0 =	vld.idx.msk [tilespmem:v2+s22+$0x0], $0xffff;
	_ =	sdelay $0x3  }
0x277: {  	v2 =	vld [tilespmem:$0x3230]  }
0x278: {  	[tilespmem:$0x4990] =	vst v0  }
0x279: {  	v0 =	vld.idx.msk [tilespmem:v3+s22+$0x0], $0xffff;
	_ =	sdelay $0x1  }
0x27a: {  	v3 =	vld [tilespmem:$0x3280];
	_ =	sdelay $0x2  }
0x27b: {  	[tilespmem:$0x49A0] =	vst v0  }
0x27c: {  	v0 =	vld.idx.msk [tilespmem:v2+s22+$0x0], $0xffff  }
0x27d: {  	v2 =	vadd.s32 $0x80, v3  }
0x27e: {  	v3 =	vld [tilespmem:$0x3290];
	_ =	sdelay $0x2  }
0x27f: {  	[tilespmem:$0x49B0] =	vst v0  }
0x280: {  	v0 =	vld.idx.msk [tilespmem:v2+s22+$0x0], $0xffff  }
0x281: {  	v2 =	vadd.s32 $0x80, v3  }
0x282: {  	v3 =	vld [tilespmem:$0x32A0];
	_ =	sdelay $0x2  }
0x283: {  	[tilespmem:$0x49C0] =	vst v0  }
0x284: {  	v0 =	vld.idx.msk [tilespmem:v2+s22+$0x0], $0xffff  }
0x285: {  	v2 =	vadd.s32 $0x80, v3  }
0x286: {  	v3 =	vld [tilespmem:$0x32B0];
	_ =	sdelay $0x2  }
0x287: {  	[tilespmem:$0x49D0] =	vst v0  }
0x288: {  	v0 =	vld.idx.msk [tilespmem:v2+s22+$0x0], $0xffff  }
0x289: {  	v2 =	vadd.s32 $0x80, v3  }
0x28a: {  	v3 =	vld [tilespmem:$0x3300];
	_ =	sdelay $0x2  }
0x28b: {  	[tilespmem:$0x49E0] =	vst v0  }
0x28c: {  	v0 =	vld.idx.msk [tilespmem:v2+s22+$0x0], $0xffff  }
0x28d: {  	v2 =	vadd.s32 $0x100, v3  }
0x28e: {  	v3 =	vld [tilespmem:$0x3310];
	_ =	sdelay $0x2  }
0x28f: {  	[tilespmem:$0x49F0] =	vst v0  }
0x290: {  	v0 =	vld.idx.msk [tilespmem:v2+s22+$0x0], $0xffff  }
0x291: {  	v2 =	vadd.s32 $0x100, v3  }
0x292: {  	v3 =	vld [tilespmem:$0x3320];
	_ =	sdelay $0x2  }
0x293: {  	[tilespmem:$0x4A80] =	vst v0  }
0x294: {  	v0 =	vld.idx.msk [tilespmem:v2+s22+$0x0], $0xffff  }
0x295: {  	v2 =	vadd.s32 $0x100, v3  }
0x296: {  	v3 =	vld [tilespmem:$0x3330];
	_ =	sdelay $0x2  }
0x297: {  	[tilespmem:$0x4A90] =	vst v0  }
0x298: {  	v0 =	vld.idx.msk [tilespmem:v2+s22+$0x0], $0xffff  }
0x299: {  	v2 =	vadd.s32 $0x100, v3  }
0x29a: {  	v3 =	vld [tilespmem:$0x3380];
	_ =	sdelay $0x2  }
0x29b: {  	[tilespmem:$0x4AA0] =	vst v0  }
0x29c: {  	v0 =	vld.idx.msk [tilespmem:v2+s22+$0x0], $0xffff  }
0x29d: {  	v2 =	vadd.s32 $0x180, v3  }
0x29e: {  	v3 =	vld [tilespmem:$0x3390];
	_ =	sdelay $0x2  }
0x29f: {  	[tilespmem:$0x4AB0] =	vst v0  }
0x2a0: {  	v0 =	vld.idx.msk [tilespmem:v2+s22+$0x0], $0xffff  }
0x2a1: {  	v2 =	vadd.s32 $0x180, v3  }
0x2a2: {  	v3 =	vld [tilespmem:$0x33A0];
	_ =	sdelay $0x2  }
0x2a3: {  	[tilespmem:$0x4AC0] =	vst v0  }
0x2a4: {  	v0 =	vld.idx.msk [tilespmem:v2+s22+$0x0], $0xffff  }
0x2a5: {  	v2 =	vadd.s32 $0x180, v3  }
0x2a6: {  	v3 =	vld [tilespmem:$0x33B0];
	_ =	sdelay $0x2  }
0x2a7: {  	[tilespmem:$0x4AD0] =	vst v0  }
0x2a8: {  	v0 =	vld.idx.msk [tilespmem:v2+s22+$0x0], $0xffff  }
0x2a9: {  	v2 =	vadd.s32 $0x180, v3;
	_ =	sdelay $0x3  }
0x2aa: {  	[tilespmem:$0x4AE0] =	vst v0  }
0x2ab: {  	v0 =	vld.idx.msk [tilespmem:v2+s22+$0x0], $0xffff;
	_ =	sdelay $0x2  }
0x2ac: {  	s26 =	sadd.s32 $0x1, s26  }
0x2ad: {  	p0 =	sne.s32 s26, s12  }
.Ltmp1:
0x2ae: {  	[tilespmem:$0x4AF0] =	vst v0;
	(pc) =	sbr.rel @p0 .LBB2_1-.Ltmp1, $4  }
0x2af: {  	[hbm4b:s11+s23] =	stream.strided.scatter [tilespmem:s25], [sflag:$0x2], $0x200, s24, s23, $0x38;
	[tilespmem:$0x4C00] =	vst v63  }
0x2b0: {  	_ =	swait.ge [sflag:s20], $0x200  }
0x2b1: {  	[sflag:s20] =	ssyncset.done $0x0  }
0x2b2: {  	[sflag:s20] =	ssyncadd.s32 $0xFFFFFE00  }
0x2b3: {  	_ =	sfence.sel $0x180000  }
0x2b4: {  	[bflag:$0x0] =	sbarrier.arrive $0xFFFF  }
0x2b5: {  	_ =	strace $0x90000047  }
0x2b6: {  	[bflag:$0x2] =	sbarrier.arrive $0xFFFF  }
0x2b7: {  	p0 =	sne.s32 s1, $0x0;
	s0 =	rddreg [dreg:$0x5]  }
0x2b8: {  	s0 =	sadd.s32 @!p0 $0x100000, s0  }
0x2b9: {  	[sflag:s0] =	ssyncadd.tile.s32 @!p0 $0x1;
	_ =	shalt  }
.Lfunc_end2:
_tile_overlayer_lowered:
.L_overlay_start_2:
0x2ba: {  	(tag) =	ssettag $0x2  }
0x2bb: {  	s0 =	rddreg [dreg:$0x0];
	s2 =	stileid.u32  }
0x2bc: {  	s1 =	rddreg [dreg:$0x1];
	p0 =	sne.s32 s2, $0x0  }
0x2bd: {  	s3 =	rddreg [dreg:$0x2];
	[bflag:$0x3] =	sbarrier.arrive $0xFFFF;
	s2 =	simm.s32 @!p0 $0x1C02  }
0x2be: {  	[timem:s3], [sflag:s2] =	dma.local @!p0 [hbm:s0], s1  }
0x2bf: {  	s0 =	simm.s32 @!p0 $0x2  }
0x2c0: {  	_ =	swait.ge @!p0 [sflag:s0], s1  }
0x2c1: {  	s1 =	ssub.s32 @!p0 $0x0, s1;
	[sflag:s0] =	ssyncset.done @!p0 $0x0  }
0x2c2: {  	[sflag:s0] =	ssyncadd.s32 @!p0 s1  }
0x2c3: {  	[bflag:$0x3] =	sbarrier.arrive $0xFFFF  }
0x2c4: {  	_ =	shalt  }

</sc_bundles>
